<compile_context>
chip_gen: v7x
topology: tpu7x:2x2x1
jax: 0.10.2.dev20260603
libtpu: 0.0.44.dev20260713+nightly
codegen_flags: <defaults>
</compile_context>

<pallas_src>
import functools
import math

import jax
import jax.numpy as jnp
from jax import lax
from jax.experimental import pallas as pl
from jax.experimental.pallas import tpu as pltpu

N = 50000
E = 800000
HID = 64
TDIM = 32

NP = 50176
BLK = 512
NBLK = NP // BLK

SPLIT = 25088
H1 = N - SPLIT
SROWS = 25096
TRASH = 25088
ZROWS = 1568
CH = 80
EPT = E // 16
NCH = EPT // CH

_SILU1 = 0.7310585786300049



def _node_mlp_body(cond_ref, wn1_ref, bn1_ref, wn2_ref, bn2_ref, wt_ref,
                   bt_ref, o_ref):
    u = jnp.dot(cond_ref[...], wn1_ref[...],
                preferred_element_type=jnp.float32) + bn1_ref[...]
    h = jnp.dot(jax.nn.silu(u), wn2_ref[...],
                preferred_element_type=jnp.float32) + bn2_ref[...]
    st = jnp.where(lax.broadcasted_iota(jnp.int32, (1, TDIM), 1) < TDIM // 2,
                   0.0, _SILU1)
    tf = jnp.dot(st, wt_ref[...], preferred_element_type=jnp.float32) \
        + bt_ref[...]
    o_ref[...] = h + tf


def _edge_mlp_body(ea_ref, we1_ref, be1_ref, we2_ref, be2_ref, o_ref):
    ea = ea_ref[...]
    u = (ea[:, 0:1] * we1_ref[0:1, :] + ea[:, 1:2] * we1_ref[1:2, :]
         + be1_ref[...])
    o_ref[...] = jnp.dot(jax.nn.silu(u), we2_ref[...],
                         preferred_element_type=jnp.float32) + be2_ref[...]


def _zmlp_body(h_ref, a_ref, wa_ref, ba_ref, wb_ref, bb_ref, o_ref):
    z = h_ref[...] + a_ref[...]
    u = jax.nn.silu(jnp.dot(z, wa_ref[...],
                            preferred_element_type=jnp.float32) + ba_ref[...])
    v = jnp.dot(u, wb_ref[...],
                preferred_element_type=jnp.float32) + bb_ref[...]
    o_ref[...] = jax.nn.silu(v)


def _final_body(h_ref, a_ref, wa_ref, ba_ref, wb_ref, bb_ref, wf1_ref,
                bf1_ref, wf2_ref, bf2_ref, o_ref):
    z = h_ref[...] + a_ref[...]
    u = jax.nn.silu(jnp.dot(z, wa_ref[...],
                            preferred_element_type=jnp.float32) + ba_ref[...])
    h3 = jax.nn.silu(jnp.dot(u, wb_ref[...],
                             preferred_element_type=jnp.float32) + bb_ref[...])
    w = jax.nn.silu(jnp.dot(h3, wf1_ref[...],
                            preferred_element_type=jnp.float32) + bf1_ref[...])
    o_ref[...] = jnp.dot(w, wf2_ref[...],
                         preferred_element_type=jnp.float32) + bf2_ref[...]


def _row_spec(cols):
    return pl.BlockSpec((BLK, cols), lambda i: (i, 0))


def _full_spec(shape):
    return pl.BlockSpec(shape, lambda i: tuple(0 for _ in shape))


def _node_mlp(cond_p, wn1s, bn1, wn2, bn2, wt, bt):
    return pl.pallas_call(
        _node_mlp_body,
        grid=(NBLK,),
        in_specs=[_row_spec(6), _full_spec((6, HID)), _full_spec((1, HID)),
                  _full_spec((HID, HID)), _full_spec((1, HID)),
                  _full_spec((TDIM, HID)), _full_spec((1, HID))],
        out_specs=_row_spec(HID),
        out_shape=jax.ShapeDtypeStruct((NP, HID), jnp.float32),
    )(cond_p, wn1s, bn1, wn2, bn2, wt, bt)


EBLK = 2000
NEBLK = E // EBLK


def _edge_mlp(ea, we1, be1, we2, be2):
    return pl.pallas_call(
        _edge_mlp_body,
        grid=(NEBLK,),
        in_specs=[pl.BlockSpec((EBLK, 2), lambda i: (i, 0)),
                  _full_spec((2, HID)), _full_spec((1, HID)),
                  _full_spec((HID, HID)), _full_spec((1, HID))],
        out_specs=pl.BlockSpec((EBLK, HID), lambda i: (i, 0)),
        out_shape=jax.ShapeDtypeStruct((E, HID), jnp.float32),
    )(ea, we1, be1, we2, be2)


def _zmlp(h, a, wa, ba, wb, bb):
    return pl.pallas_call(
        _zmlp_body,
        grid=(NBLK,),
        in_specs=[_row_spec(HID), _row_spec(HID),
                  _full_spec((HID, HID)), _full_spec((1, HID)),
                  _full_spec((HID, HID)), _full_spec((1, HID))],
        out_specs=_row_spec(HID),
        out_shape=jax.ShapeDtypeStruct((NP, HID), jnp.float32),
    )(h, a, wa, ba, wb, bb)


def _final(h, a, wa, ba, wb, bb, wf1, bf1, wf2, bf2):
    return pl.pallas_call(
        _final_body,
        grid=(NBLK,),
        in_specs=[_row_spec(HID), _row_spec(HID),
                  _full_spec((HID, HID)), _full_spec((1, HID)),
                  _full_spec((HID, HID)), _full_spec((1, HID)),
                  _full_spec((HID, HID)), _full_spec((1, HID)),
                  _full_spec((HID, 1)), _full_spec((1, 1))],
        out_specs=_row_spec(1),
        out_shape=jax.ShapeDtypeStruct((NP, 1), jnp.float32),
    )(h, a, wa, ba, wb, bb, wf1, bf1, wf2, bf2)


def _msg(h, ef, src, dst):
    m = jnp.maximum(h[src] + ef, 0.0)
    return jnp.zeros((NP, HID), jnp.float32).at[dst].add(m)



def kernel(condition, edge_index, edge_attr, batch,
           W_n1, b_n1, W_n2, b_n2, W_e1, b_e1, W_e2, b_e2, W_t, b_t,
           W_c1a, b_c1a, W_c1b, b_c1b, W_c2a, b_c2a, W_c2b, b_c2b,
           W_c3a, b_c3a, W_c3b, b_c3b, W_f1, b_f1, W_f2, b_f2):
    del batch
    cond_p = jnp.pad(condition, ((0, NP - N), (0, 0)))
    r1 = lambda b: b.reshape(1, -1)
    h = _node_mlp(cond_p, W_n1[1:], r1(b_n1), W_n2, r1(b_n2), W_t, r1(b_t))
    ef = _edge_mlp(edge_attr, W_e1, r1(b_e1), W_e2, r1(b_e2))
    src = edge_index[0]
    dst = edge_index[1]

    aggr = _msg(h, ef, src, dst)
    h = _zmlp(h, aggr, W_c1a, r1(b_c1a), W_c1b, r1(b_c1b))
    aggr = _msg(h, ef, src, dst)
    h = _zmlp(h, aggr, W_c2a, r1(b_c2a), W_c2b, r1(b_c2b))
    aggr = _msg(h, ef, src, dst)
    out = _final(h, aggr, W_c3a, r1(b_c3a), W_c3b, r1(b_c3b),
                 W_f1, r1(b_f1), W_f2, b_f2.reshape(1, 1))
    return out[:N]

# --- scband reference (transcript-rebuilt; emitter-appended) ---
"""Pipeline reference for scband-m2-gnn-regressor-38766374814298 (READ-ONLY COPY).

The authoritative reference and input builder live on the scoring server;
editing this copy changes nothing except your own understanding.
"""

import jax, jax.numpy as jnp
import numpy as np
import math

N = 50000
E = 800000
HID = 64
TDIM = 32
NGRAPH = 64

def _mk(k, i, o):
    k1, k2 = jax.random.split(k)
    return jax.random.normal(k1, (i, o), dtype=jnp.float32) * 0.05, jnp.zeros((o,), dtype=jnp.float32)

def setup_inputs(seed: int = 0):
    key = jax.random.key(seed)
    ks = jax.random.split(key, 24)
    inp = {}
    inp['condition'] = jax.random.normal(ks[0], (N, 6), dtype=jnp.float32)
    inp['edge_index'] = jax.random.randint(ks[1], (2, E), 0, N, dtype=jnp.int32)
    inp['edge_attr'] = jax.random.normal(ks[2], (E, 2), dtype=jnp.float32)
    inp['batch'] = jnp.sort(jax.random.randint(ks[3], (N,), 0, NGRAPH, dtype=jnp.int32))
    inp['W_n1'], inp['b_n1'] = _mk(ks[4], 7, HID)
    inp['W_n2'], inp['b_n2'] = _mk(ks[5], HID, HID)
    inp['W_e1'], inp['b_e1'] = _mk(ks[6], 2, HID)
    inp['W_e2'], inp['b_e2'] = _mk(ks[7], HID, HID)
    inp['W_t'], inp['b_t'] = _mk(ks[8], TDIM, HID)
    inp['W_c1a'], inp['b_c1a'] = _mk(ks[9], HID, HID)
    inp['W_c1b'], inp['b_c1b'] = _mk(ks[10], HID, HID)
    inp['W_c2a'], inp['b_c2a'] = _mk(ks[11], HID, HID)
    inp['W_c2b'], inp['b_c2b'] = _mk(ks[12], HID, HID)
    inp['W_c3a'], inp['b_c3a'] = _mk(ks[13], HID, HID)
    inp['W_c3b'], inp['b_c3b'] = _mk(ks[14], HID, HID)
    inp['W_f1'], inp['b_f1'] = _mk(ks[15], HID, HID)
    inp['W_f2'], inp['b_f2'] = _mk(ks[16], HID, 1)
    return inp

def reference(condition, edge_index, edge_attr, batch,
              W_n1, b_n1, W_n2, b_n2, W_e1, b_e1, W_e2, b_e2, W_t, b_t,
              W_c1a, b_c1a, W_c1b, b_c1b, W_c2a, b_c2a, W_c2b, b_c2b,
              W_c3a, b_c3a, W_c3b, b_c3b, W_f1, b_f1, W_f2, b_f2):
    Nn = condition.shape[0]
    x = jnp.concatenate([jnp.zeros((Nn, 1), dtype=condition.dtype), condition], axis=-1)
    bs = NGRAPH
    t = jnp.zeros((bs,), dtype=jnp.float32)
    half = TDIM // 2
    freq = jnp.exp(jnp.arange(half, dtype=jnp.float32) * -(math.log(10000.0) / (half - 1)))
    te = t[:, None] * freq[None, :]
    t_emb = jnp.concatenate([jnp.sin(te), jnp.cos(te)], axis=-1)
    # node_mlp
    h = jax.nn.silu(x @ W_n1 + b_n1) @ W_n2 + b_n2
    # edge_mlp
    ef = jax.nn.silu(edge_attr @ W_e1 + b_e1) @ W_e2 + b_e2
    # time_mlp: SiLU then Linear
    t_feat = jax.nn.silu(t_emb) @ W_t + b_t
    h = h + t_feat[batch]
    src = edge_index[0]
    dst = edge_index[1]
    def gine(hh, Wa, ba, Wb, bb):
        m = jax.nn.relu(hh[src] + ef)
        aggr = jnp.zeros_like(hh).at[dst].add(m)
        z = hh + aggr  # eps = 0 default
        return jax.nn.silu(z @ Wa + ba) @ Wb + bb
    h = jax.nn.silu(gine(h, W_c1a, b_c1a, W_c1b, b_c1b))
    h = jax.nn.silu(gine(h, W_c2a, b_c2a, W_c2b, b_c2b))
    h = jax.nn.silu(gine(h, W_c3a, b_c3a, W_c3b, b_c3b))
    out = jax.nn.silu(h @ W_f1 + b_f1) @ W_f2 + b_f2
    return out

if __name__ == "__main__":
    import jax
    _d = setup_inputs()
    print(jax.jit(kernel)(*tuple(_d.values())))

</pallas_src>

<mosaic_0001>
module attributes {stable_mosaic.version = 14 : i64} {
  func.func @_node_mlp_body(%arg0: i32, %arg1: memref<512x6xf32, #tpu.memory_space<vmem>>, %arg2: memref<6x64xf32, #tpu.memory_space<vmem>>, %arg3: memref<1x64xf32, #tpu.memory_space<vmem>>, %arg4: memref<64x64xf32, #tpu.memory_space<vmem>>, %arg5: memref<1x64xf32, #tpu.memory_space<vmem>>, %arg6: memref<32x64xf32, #tpu.memory_space<vmem>>, %arg7: memref<1x64xf32, #tpu.memory_space<vmem>>, %arg8: memref<512x64xf32, #tpu.memory_space<vmem>>) attributes {dimension_semantics = [#tpu.dimension_semantics<arbitrary>], iteration_bounds = array<i64: 98>, scalar_prefetch = 0 : i64, scratch_operands = 0 : i64, tpu.core_type = #tpu.core_type<tc>, window_params = [{transform_indices = @transform_0, window_bounds = array<i64: 512, 6>}, {pipeline_mode = #tpu.pipeline_mode<synchronous>, transform_indices = @transform_1, window_bounds = array<i64: 6, 64>}, {pipeline_mode = #tpu.pipeline_mode<synchronous>, transform_indices = @transform_2, window_bounds = array<i64: 1, 64>}, {pipeline_mode = #tpu.pipeline_mode<synchronous>, transform_indices = @transform_3, window_bounds = array<i64: 64, 64>}, {pipeline_mode = #tpu.pipeline_mode<synchronous>, transform_indices = @transform_4, window_bounds = array<i64: 1, 64>}, {pipeline_mode = #tpu.pipeline_mode<synchronous>, transform_indices = @transform_5, window_bounds = array<i64: 32, 64>}, {pipeline_mode = #tpu.pipeline_mode<synchronous>, transform_indices = @transform_6, window_bounds = array<i64: 1, 64>}, {transform_indices = @transform_7, window_bounds = array<i64: 512, 64>}]} {
    %get3A = arith.constant 0 : index
    %get3A_0 = arith.constant 0 : index
    %get3A_1 = vector.load %arg1[%get3A, %get3A_0] : memref<512x6xf32, #tpu.memory_space<vmem>>, vector<512x6xf32>
    %get3A_2 = arith.constant 0 : index
    %get3A_3 = arith.constant 0 : index
    %get3A_4 = vector.load %arg2[%get3A_2, %get3A_3] : memref<6x64xf32, #tpu.memory_space<vmem>>, vector<6x64xf32>
    %dot_general3A = arith.constant dense<0.000000e+00> : vector<512x64xf32>
    %dot_general3A_5 = tpu.matmul %get3A_1, %get3A_4, %dot_general3A {dimension_numbers = #tpu.dot_dimension_numbers<[1], [0], [0], [1], [0, 0, 1, 1], [], []>, transpose_lhs_hint = false} : vector<512x6xf32>, vector<6x64xf32>, vector<512x64xf32> -> vector<512x64xf32>
    %get3A_6 = arith.constant 0 : index
    %get3A_7 = arith.constant 0 : index
    %get3A_8 = vector.load %arg3[%get3A_6, %get3A_7] : memref<1x64xf32, #tpu.memory_space<vmem>>, vector<1x64xf32>
    %add3A = vector.broadcast %get3A_8 : vector<1x64xf32> to vector<512x64xf32>
    %add3A_9 = arith.addf %dot_general3A_5, %add3A : vector<512x64xf32>
    %logistic3A = arith.negf %add3A_9 : vector<512x64xf32>
    %logistic3A_10 = math.exp %logistic3A : vector<512x64xf32>
    %logistic3A_11 = arith.constant 1.000000e+00 : f32
    %logistic3A_12 = vector.broadcast %logistic3A_11 : f32 to vector<512x64xf32>
    %logistic3A_13 = arith.addf %logistic3A_12, %logistic3A_10 : vector<512x64xf32>
    %logistic3A_14 = arith.divf %logistic3A_12, %logistic3A_13 : vector<512x64xf32>
    %mul3A = arith.mulf %add3A_9, %logistic3A_14 : vector<512x64xf32>
    %get3A_15 = arith.constant 0 : index
    %get3A_16 = arith.constant 0 : index
    %get3A_17 = vector.load %arg4[%get3A_15, %get3A_16] : memref<64x64xf32, #tpu.memory_space<vmem>>, vector<64x64xf32>
    %dot_general3A_18 = arith.constant dense<0.000000e+00> : vector<512x64xf32>
    %dot_general3A_19 = tpu.matmul %mul3A, %get3A_17, %dot_general3A_18 {dimension_numbers = #tpu.dot_dimension_numbers<[1], [0], [0], [1], [0, 0, 1, 1], [], []>, transpose_lhs_hint = false} : vector<512x64xf32>, vector<64x64xf32>, vector<512x64xf32> -> vector<512x64xf32>
    %get3A_20 = arith.constant 0 : index
    %get3A_21 = arith.constant 0 : index
    %get3A_22 = vector.load %arg5[%get3A_20, %get3A_21] : memref<1x64xf32, #tpu.memory_space<vmem>>, vector<1x64xf32>
    %add3A_23 = vector.broadcast %get3A_22 : vector<1x64xf32> to vector<512x64xf32>
    %add3A_24 = arith.addf %dot_general3A_19, %add3A_23 : vector<512x64xf32>
    %iota3A = tpu.iota {dimensions = array<i32: 1>} : vector<1x32xi32>
    %lt3A = arith.constant 16 : i32
    %lt3A_25 = vector.broadcast %lt3A : i32 to vector<1x32xi32>
    %lt3A_26 = arith.cmpi slt, %iota3A, %lt3A_25 : vector<1x32xi32>
    %jit3A = arith.constant 0.000000e+00 : f32
    %jit3A_27 = arith.constant 0.731058597 : f32
    %broadcast_in_dim3A = vector.broadcast %jit3A : f32 to vector<1x32xf32>
    %broadcast_in_dim3A_28 = vector.broadcast %jit3A_27 : f32 to vector<1x32xf32>
    %select_n3A = arith.select %lt3A_26, %broadcast_in_dim3A, %broadcast_in_dim3A_28 : vector<1x32xi1>, vector<1x32xf32>
    %get3A_29 = arith.constant 0 : index
    %get3A_30 = arith.constant 0 : index
    %get3A_31 = vector.load %arg6[%get3A_29, %get3A_30] : memref<32x64xf32, #tpu.memory_space<vmem>>, vector<32x64xf32>
    %dot_general3A_32 = arith.constant dense<0.000000e+00> : vector<1x64xf32>
    %dot_general3A_33 = tpu.matmul %select_n3A, %get3A_31, %dot_general3A_32 {dimension_numbers = #tpu.dot_dimension_numbers<[1], [0], [0], [1], [0, 0, 1, 1], [], []>, transpose_lhs_hint = false} : vector<1x32xf32>, vector<32x64xf32>, vector<1x64xf32> -> vector<1x64xf32>
    %get3A_34 = arith.constant 0 : index
    %get3A_35 = arith.constant 0 : index
    %get3A_36 = vector.load %arg7[%get3A_34, %get3A_35] : memref<1x64xf32, #tpu.memory_space<vmem>>, vector<1x64xf32>
    %add3A_37 = arith.addf %dot_general3A_33, %get3A_36 : vector<1x64xf32>
    %add3A_38 = vector.broadcast %add3A_37 : vector<1x64xf32> to vector<512x64xf32>
    %add3A_39 = arith.addf %add3A_24, %add3A_38 : vector<512x64xf32>
    %swap3A = arith.constant 0 : index
    %swap3A_40 = arith.constant 0 : index
    %swap3A_41 = vector.load %arg8[%swap3A, %swap3A_40] : memref<512x64xf32, #tpu.memory_space<vmem>>, vector<512x64xf32>
    tpu.vector_store %arg8[%swap3A, %swap3A_40], %add3A_39 {strides = array<i32>} : memref<512x64xf32, #tpu.memory_space<vmem>>, vector<512x64xf32>,
    return
  }
  func.func @transform_0(%arg0: i32) -> (i32, i32) {
    %c0_i32 = arith.constant 0 : i32
    %c0_i32_0 = arith.constant 0 : i32
    return %arg0, %c0_i32 : i32, i32
  }
  func.func @transform_1(%arg0: i32) -> (i32, i32) {
    %c0_i32 = arith.constant 0 : i32
    %c0_i32_0 = arith.constant 0 : i32
    %c0_i32_1 = arith.constant 0 : i32
    return %c0_i32, %c0_i32_0 : i32, i32
  }
  func.func @transform_2(%arg0: i32) -> (i32, i32) {
    %c0_i32 = arith.constant 0 : i32
    %c0_i32_0 = arith.constant 0 : i32
    %c0_i32_1 = arith.constant 0 : i32
    return %c0_i32, %c0_i32_0 : i32, i32
  }
  func.func @transform_3(%arg0: i32) -> (i32, i32) {
    %c0_i32 = arith.constant 0 : i32
    %c0_i32_0 = arith.constant 0 : i32
    %c0_i32_1 = arith.constant 0 : i32
    return %c0_i32, %c0_i32_0 : i32, i32
  }
  func.func @transform_4(%arg0: i32) -> (i32, i32) {
    %c0_i32 = arith.constant 0 : i32
    %c0_i32_0 = arith.constant 0 : i32
    %c0_i32_1 = arith.constant 0 : i32
    return %c0_i32, %c0_i32_0 : i32, i32
  }
  func.func @transform_5(%arg0: i32) -> (i32, i32) {
    %c0_i32 = arith.constant 0 : i32
    %c0_i32_0 = arith.constant 0 : i32
    %c0_i32_1 = arith.constant 0 : i32
    return %c0_i32, %c0_i32_0 : i32, i32
  }
  func.func @transform_6(%arg0: i32) -> (i32, i32) {
    %c0_i32 = arith.constant 0 : i32
    %c0_i32_0 = arith.constant 0 : i32
    %c0_i32_1 = arith.constant 0 : i32
    return %c0_i32, %c0_i32_0 : i32, i32
  }
  func.func @transform_7(%arg0: i32) -> (i32, i32) {
    %c0_i32 = arith.constant 0 : i32
    %c0_i32_0 = arith.constant 0 : i32
    return %arg0, %c0_i32 : i32, i32
  }
}

module attributes {stable_mosaic.version = 14 : i64} {
  func.func @_edge_mlp_body(%arg0: i32, %arg1: memref<2000x2xf32, #tpu.memory_space<vmem>>, %arg2: memref<2x64xf32, #tpu.memory_space<vmem>>, %arg3: memref<1x64xf32, #tpu.memory_space<vmem>>, %arg4: memref<64x64xf32, #tpu.memory_space<vmem>>, %arg5: memref<1x64xf32, #tpu.memory_space<vmem>>, %arg6: memref<2000x64xf32, #tpu.memory_space<vmem>>) attributes {dimension_semantics = [#tpu.dimension_semantics<arbitrary>], iteration_bounds = array<i64: 400>, scalar_prefetch = 0 : i64, scratch_operands = 0 : i64, tpu.core_type = #tpu.core_type<tc>, window_params = [{transform_indices = @transform_0, window_bounds = array<i64: 2000, 2>}, {pipeline_mode = #tpu.pipeline_mode<synchronous>, transform_indices = @transform_1, window_bounds = array<i64: 2, 64>}, {pipeline_mode = #tpu.pipeline_mode<synchronous>, transform_indices = @transform_2, window_bounds = array<i64: 1, 64>}, {pipeline_mode = #tpu.pipeline_mode<synchronous>, transform_indices = @transform_3, window_bounds = array<i64: 64, 64>}, {pipeline_mode = #tpu.pipeline_mode<synchronous>, transform_indices = @transform_4, window_bounds = array<i64: 1, 64>}, {transform_indices = @transform_5, window_bounds = array<i64: 2000, 64>}]} {
    %get3A = arith.constant 0 : index
    %get3A_0 = arith.constant 0 : index
    %get3A_1 = vector.load %arg1[%get3A, %get3A_0] : memref<2000x2xf32, #tpu.memory_space<vmem>>, vector<2000x2xf32>
    %slice3A = vector.extract_strided_slice %get3A_1 {offsets = [0, 0], sizes = [2000, 1], strides = [1, 1]} : vector<2000x2xf32> to vector<2000x1xf32>
    %get3A_2 = arith.constant 0 : index
    %get3A_3 = arith.constant 0 : index
    %get3A_4 = vector.load %arg2[%get3A_2, %get3A_3] : memref<2x64xf32, #tpu.memory_space<vmem>>, vector<1x64xf32>
    %mul3A = vector.broadcast %slice3A : vector<2000x1xf32> to vector<2000x64xf32>
    %mul3A_5 = vector.broadcast %get3A_4 : vector<1x64xf32> to vector<2000x64xf32>
    %mul3A_6 = arith.mulf %mul3A, %mul3A_5 : vector<2000x64xf32>
    %slice3A_7 = vector.extract_strided_slice %get3A_1 {offsets = [0, 1], sizes = [2000, 1], strides = [1, 1]} : vector<2000x2xf32> to vector<2000x1xf32>
    %get3A_8 = arith.constant 1 : index
    %get3A_9 = arith.constant 0 : index
    %get3A_10 = vector.load %arg2[%get3A_8, %get3A_9] : memref<2x64xf32, #tpu.memory_space<vmem>>, vector<1x64xf32>
    %mul3A_11 = vector.broadcast %slice3A_7 : vector<2000x1xf32> to vector<2000x64xf32>
    %mul3A_12 = vector.broadcast %get3A_10 : vector<1x64xf32> to vector<2000x64xf32>
    %mul3A_13 = arith.mulf %mul3A_11, %mul3A_12 : vector<2000x64xf32>
    %add3A = arith.addf %mul3A_6, %mul3A_13 : vector<2000x64xf32>
    %get3A_14 = arith.constant 0 : index
    %get3A_15 = arith.constant 0 : index
    %get3A_16 = vector.load %arg3[%get3A_14, %get3A_15] : memref<1x64xf32, #tpu.memory_space<vmem>>, vector<1x64xf32>
    %add3A_17 = vector.broadcast %get3A_16 : vector<1x64xf32> to vector<2000x64xf32>
    %add3A_18 = arith.addf %add3A, %add3A_17 : vector<2000x64xf32>
    %logistic3A = arith.negf %add3A_18 : vector<2000x64xf32>
    %logistic3A_19 = math.exp %logistic3A : vector<2000x64xf32>
    %logistic3A_20 = arith.constant 1.000000e+00 : f32
    %logistic3A_21 = vector.broadcast %logistic3A_20 : f32 to vector<2000x64xf32>
    %logistic3A_22 = arith.addf %logistic3A_21, %logistic3A_19 : vector<2000x64xf32>
    %logistic3A_23 = arith.divf %logistic3A_21, %logistic3A_22 : vector<2000x64xf32>
    %mul3A_24 = arith.mulf %add3A_18, %logistic3A_23 : vector<2000x64xf32>
    %get3A_25 = arith.constant 0 : index
    %get3A_26 = arith.constant 0 : index
    %get3A_27 = vector.load %arg4[%get3A_25, %get3A_26] : memref<64x64xf32, #tpu.memory_space<vmem>>, vector<64x64xf32>
    %dot_general3A = arith.constant dense<0.000000e+00> : vector<2000x64xf32>
    %dot_general3A_28 = tpu.matmul %mul3A_24, %get3A_27, %dot_general3A {dimension_numbers = #tpu.dot_dimension_numbers<[1], [0], [0], [1], [0, 0, 1, 1], [], []>, transpose_lhs_hint = false} : vector<2000x64xf32>, vector<64x64xf32>, vector<2000x64xf32> -> vector<2000x64xf32>
    %get3A_29 = arith.constant 0 : index
    %get3A_30 = arith.constant 0 : index
    %get3A_31 = vector.load %arg5[%get3A_29, %get3A_30] : memref<1x64xf32, #tpu.memory_space<vmem>>, vector<1x64xf32>
    %add3A_32 = vector.broadcast %get3A_31 : vector<1x64xf32> to vector<2000x64xf32>
    %add3A_33 = arith.addf %dot_general3A_28, %add3A_32 : vector<2000x64xf32>
    %swap3A = arith.constant 0 : index
    %swap3A_34 = arith.constant 0 : index
    %swap3A_35 = vector.load %arg6[%swap3A, %swap3A_34] : memref<2000x64xf32, #tpu.memory_space<vmem>>, vector<2000x64xf32>
    tpu.vector_store %arg6[%swap3A, %swap3A_34], %add3A_33 {strides = array<i32>} : memref<2000x64xf32, #tpu.memory_space<vmem>>, vector<2000x64xf32>,
    return
  }
  func.func @transform_0(%arg0: i32) -> (i32, i32) {
    %c0_i32 = arith.constant 0 : i32
    %c0_i32_0 = arith.constant 0 : i32
    return %arg0, %c0_i32 : i32, i32
  }
  func.func @transform_1(%arg0: i32) -> (i32, i32) {
    %c0_i32 = arith.constant 0 : i32
    %c0_i32_0 = arith.constant 0 : i32
    %c0_i32_1 = arith.constant 0 : i32
    return %c0_i32, %c0_i32_0 : i32, i32
  }
  func.func @transform_2(%arg0: i32) -> (i32, i32) {
    %c0_i32 = arith.constant 0 : i32
    %c0_i32_0 = arith.constant 0 : i32
    %c0_i32_1 = arith.constant 0 : i32
    return %c0_i32, %c0_i32_0 : i32, i32
  }
  func.func @transform_3(%arg0: i32) -> (i32, i32) {
    %c0_i32 = arith.constant 0 : i32
    %c0_i32_0 = arith.constant 0 : i32
    %c0_i32_1 = arith.constant 0 : i32
    return %c0_i32, %c0_i32_0 : i32, i32
  }
  func.func @transform_4(%arg0: i32) -> (i32, i32) {
    %c0_i32 = arith.constant 0 : i32
    %c0_i32_0 = arith.constant 0 : i32
    %c0_i32_1 = arith.constant 0 : i32
    return %c0_i32, %c0_i32_0 : i32, i32
  }
  func.func @transform_5(%arg0: i32) -> (i32, i32) {
    %c0_i32 = arith.constant 0 : i32
    %c0_i32_0 = arith.constant 0 : i32
    return %arg0, %c0_i32 : i32, i32
  }
}

module attributes {stable_mosaic.version = 14 : i64} {
  func.func @_zmlp_body(%arg0: i32, %arg1: memref<512x64xf32, #tpu.memory_space<vmem>>, %arg2: memref<512x64xf32, #tpu.memory_space<vmem>>, %arg3: memref<64x64xf32, #tpu.memory_space<vmem>>, %arg4: memref<1x64xf32, #tpu.memory_space<vmem>>, %arg5: memref<64x64xf32, #tpu.memory_space<vmem>>, %arg6: memref<1x64xf32, #tpu.memory_space<vmem>>, %arg7: memref<512x64xf32, #tpu.memory_space<vmem>>) attributes {dimension_semantics = [#tpu.dimension_semantics<arbitrary>], iteration_bounds = array<i64: 98>, scalar_prefetch = 0 : i64, scratch_operands = 0 : i64, tpu.core_type = #tpu.core_type<tc>, window_params = [{transform_indices = @transform_0, window_bounds = array<i64: 512, 64>}, {transform_indices = @transform_1, window_bounds = array<i64: 512, 64>}, {pipeline_mode = #tpu.pipeline_mode<synchronous>, transform_indices = @transform_2, window_bounds = array<i64: 64, 64>}, {pipeline_mode = #tpu.pipeline_mode<synchronous>, transform_indices = @transform_3, window_bounds = array<i64: 1, 64>}, {pipeline_mode = #tpu.pipeline_mode<synchronous>, transform_indices = @transform_4, window_bounds = array<i64: 64, 64>}, {pipeline_mode = #tpu.pipeline_mode<synchronous>, transform_indices = @transform_5, window_bounds = array<i64: 1, 64>}, {transform_indices = @transform_6, window_bounds = array<i64: 512, 64>}]} {
    %get3A = arith.constant 0 : index
    %get3A_0 = arith.constant 0 : index
    %get3A_1 = vector.load %arg1[%get3A, %get3A_0] : memref<512x64xf32, #tpu.memory_space<vmem>>, vector<512x64xf32>
    %get3A_2 = arith.constant 0 : index
    %get3A_3 = arith.constant 0 : index
    %get3A_4 = vector.load %arg2[%get3A_2, %get3A_3] : memref<512x64xf32, #tpu.memory_space<vmem>>, vector<512x64xf32>
    %add3A = arith.addf %get3A_1, %get3A_4 : vector<512x64xf32>
    %get3A_5 = arith.constant 0 : index
    %get3A_6 = arith.constant 0 : index
    %get3A_7 = vector.load %arg3[%get3A_5, %get3A_6] : memref<64x64xf32, #tpu.memory_space<vmem>>, vector<64x64xf32>
    %dot_general3A = arith.constant dense<0.000000e+00> : vector<512x64xf32>
    %dot_general3A_8 = tpu.matmul %add3A, %get3A_7, %dot_general3A {dimension_numbers = #tpu.dot_dimension_numbers<[1], [0], [0], [1], [0, 0, 1, 1], [], []>, transpose_lhs_hint = false} : vector<512x64xf32>, vector<64x64xf32>, vector<512x64xf32> -> vector<512x64xf32>
    %get3A_9 = arith.constant 0 : index
    %get3A_10 = arith.constant 0 : index
    %get3A_11 = vector.load %arg4[%get3A_9, %get3A_10] : memref<1x64xf32, #tpu.memory_space<vmem>>, vector<1x64xf32>
    %add3A_12 = vector.broadcast %get3A_11 : vector<1x64xf32> to vector<512x64xf32>
    %add3A_13 = arith.addf %dot_general3A_8, %add3A_12 : vector<512x64xf32>
    %logistic3A = arith.negf %add3A_13 : vector<512x64xf32>
    %logistic3A_14 = math.exp %logistic3A : vector<512x64xf32>
    %logistic3A_15 = arith.constant 1.000000e+00 : f32
    %logistic3A_16 = vector.broadcast %logistic3A_15 : f32 to vector<512x64xf32>
    %logistic3A_17 = arith.addf %logistic3A_16, %logistic3A_14 : vector<512x64xf32>
    %logistic3A_18 = arith.divf %logistic3A_16, %logistic3A_17 : vector<512x64xf32>
    %mul3A = arith.mulf %add3A_13, %logistic3A_18 : vector<512x64xf32>
    %get3A_19 = arith.constant 0 : index
    %get3A_20 = arith.constant 0 : index
    %get3A_21 = vector.load %arg5[%get3A_19, %get3A_20] : memref<64x64xf32, #tpu.memory_space<vmem>>, vector<64x64xf32>
    %dot_general3A_22 = arith.constant dense<0.000000e+00> : vector<512x64xf32>
    %dot_general3A_23 = tpu.matmul %mul3A, %get3A_21, %dot_general3A_22 {dimension_numbers = #tpu.dot_dimension_numbers<[1], [0], [0], [1], [0, 0, 1, 1], [], []>, transpose_lhs_hint = false} : vector<512x64xf32>, vector<64x64xf32>, vector<512x64xf32> -> vector<512x64xf32>
    %get3A_24 = arith.constant 0 : index
    %get3A_25 = arith.constant 0 : index
    %get3A_26 = vector.load %arg6[%get3A_24, %get3A_25] : memref<1x64xf32, #tpu.memory_space<vmem>>, vector<1x64xf32>
    %add3A_27 = vector.broadcast %get3A_26 : vector<1x64xf32> to vector<512x64xf32>
    %add3A_28 = arith.addf %dot_general3A_23, %add3A_27 : vector<512x64xf32>
    %logistic3A_29 = arith.negf %add3A_28 : vector<512x64xf32>
    %logistic3A_30 = math.exp %logistic3A_29 : vector<512x64xf32>
    %logistic3A_31 = arith.constant 1.000000e+00 : f32
    %logistic3A_32 = vector.broadcast %logistic3A_31 : f32 to vector<512x64xf32>
    %logistic3A_33 = arith.addf %logistic3A_32, %logistic3A_30 : vector<512x64xf32>
    %logistic3A_34 = arith.divf %logistic3A_32, %logistic3A_33 : vector<512x64xf32>
    %mul3A_35 = arith.mulf %add3A_28, %logistic3A_34 : vector<512x64xf32>
    %swap3A = arith.constant 0 : index
    %swap3A_36 = arith.constant 0 : index
    %swap3A_37 = vector.load %arg7[%swap3A, %swap3A_36] : memref<512x64xf32, #tpu.memory_space<vmem>>, vector<512x64xf32>
    tpu.vector_store %arg7[%swap3A, %swap3A_36], %mul3A_35 {strides = array<i32>} : memref<512x64xf32, #tpu.memory_space<vmem>>, vector<512x64xf32>,
    return
  }
  func.func @transform_0(%arg0: i32) -> (i32, i32) {
    %c0_i32 = arith.constant 0 : i32
    %c0_i32_0 = arith.constant 0 : i32
    return %arg0, %c0_i32 : i32, i32
  }
  func.func @transform_1(%arg0: i32) -> (i32, i32) {
    %c0_i32 = arith.constant 0 : i32
    %c0_i32_0 = arith.constant 0 : i32
    return %arg0, %c0_i32 : i32, i32
  }
  func.func @transform_2(%arg0: i32) -> (i32, i32) {
    %c0_i32 = arith.constant 0 : i32
    %c0_i32_0 = arith.constant 0 : i32
    %c0_i32_1 = arith.constant 0 : i32
    return %c0_i32, %c0_i32_0 : i32, i32
  }
  func.func @transform_3(%arg0: i32) -> (i32, i32) {
    %c0_i32 = arith.constant 0 : i32
    %c0_i32_0 = arith.constant 0 : i32
    %c0_i32_1 = arith.constant 0 : i32
    return %c0_i32, %c0_i32_0 : i32, i32
  }
  func.func @transform_4(%arg0: i32) -> (i32, i32) {
    %c0_i32 = arith.constant 0 : i32
    %c0_i32_0 = arith.constant 0 : i32
    %c0_i32_1 = arith.constant 0 : i32
    return %c0_i32, %c0_i32_0 : i32, i32
  }
  func.func @transform_5(%arg0: i32) -> (i32, i32) {
    %c0_i32 = arith.constant 0 : i32
    %c0_i32_0 = arith.constant 0 : i32
    %c0_i32_1 = arith.constant 0 : i32
    return %c0_i32, %c0_i32_0 : i32, i32
  }
  func.func @transform_6(%arg0: i32) -> (i32, i32) {
    %c0_i32 = arith.constant 0 : i32
    %c0_i32_0 = arith.constant 0 : i32
    return %arg0, %c0_i32 : i32, i32
  }
}

module attributes {stable_mosaic.version = 14 : i64} {
  func.func @_final_body(%arg0: i32, %arg1: memref<512x64xf32, #tpu.memory_space<vmem>>, %arg2: memref<512x64xf32, #tpu.memory_space<vmem>>, %arg3: memref<64x64xf32, #tpu.memory_space<vmem>>, %arg4: memref<1x64xf32, #tpu.memory_space<vmem>>, %arg5: memref<64x64xf32, #tpu.memory_space<vmem>>, %arg6: memref<1x64xf32, #tpu.memory_space<vmem>>, %arg7: memref<64x64xf32, #tpu.memory_space<vmem>>, %arg8: memref<1x64xf32, #tpu.memory_space<vmem>>, %arg9: memref<64x1xf32, #tpu.memory_space<vmem>>, %arg10: memref<1x1xf32, #tpu.memory_space<vmem>>, %arg11: memref<512x1xf32, #tpu.memory_space<vmem>>) attributes {dimension_semantics = [#tpu.dimension_semantics<arbitrary>], iteration_bounds = array<i64: 98>, scalar_prefetch = 0 : i64, scratch_operands = 0 : i64, tpu.core_type = #tpu.core_type<tc>, window_params = [{transform_indices = @transform_0, window_bounds = array<i64: 512, 64>}, {transform_indices = @transform_1, window_bounds = array<i64: 512, 64>}, {pipeline_mode = #tpu.pipeline_mode<synchronous>, transform_indices = @transform_2, window_bounds = array<i64: 64, 64>}, {pipeline_mode = #tpu.pipeline_mode<synchronous>, transform_indices = @transform_3, window_bounds = array<i64: 1, 64>}, {pipeline_mode = #tpu.pipeline_mode<synchronous>, transform_indices = @transform_4, window_bounds = array<i64: 64, 64>}, {pipeline_mode = #tpu.pipeline_mode<synchronous>, transform_indices = @transform_5, window_bounds = array<i64: 1, 64>}, {pipeline_mode = #tpu.pipeline_mode<synchronous>, transform_indices = @transform_6, window_bounds = array<i64: 64, 64>}, {pipeline_mode = #tpu.pipeline_mode<synchronous>, transform_indices = @transform_7, window_bounds = array<i64: 1, 64>}, {pipeline_mode = #tpu.pipeline_mode<synchronous>, transform_indices = @transform_8, window_bounds = array<i64: 64, 1>}, {pipeline_mode = #tpu.pipeline_mode<synchronous>, transform_indices = @transform_9, window_bounds = array<i64: 1, 1>}, {transform_indices = @transform_10, window_bounds = array<i64: 512, 1>}]} {
    %get3A = arith.constant 0 : index
    %get3A_0 = arith.constant 0 : index
    %get3A_1 = vector.load %arg1[%get3A, %get3A_0] : memref<512x64xf32, #tpu.memory_space<vmem>>, vector<512x64xf32>
    %get3A_2 = arith.constant 0 : index
    %get3A_3 = arith.constant 0 : index
    %get3A_4 = vector.load %arg2[%get3A_2, %get3A_3] : memref<512x64xf32, #tpu.memory_space<vmem>>, vector<512x64xf32>
    %add3A = arith.addf %get3A_1, %get3A_4 : vector<512x64xf32>
    %get3A_5 = arith.constant 0 : index
    %get3A_6 = arith.constant 0 : index
    %get3A_7 = vector.load %arg3[%get3A_5, %get3A_6] : memref<64x64xf32, #tpu.memory_space<vmem>>, vector<64x64xf32>
    %dot_general3A = arith.constant dense<0.000000e+00> : vector<512x64xf32>
    %dot_general3A_8 = tpu.matmul %add3A, %get3A_7, %dot_general3A {dimension_numbers = #tpu.dot_dimension_numbers<[1], [0], [0], [1], [0, 0, 1, 1], [], []>, transpose_lhs_hint = false} : vector<512x64xf32>, vector<64x64xf32>, vector<512x64xf32> -> vector<512x64xf32>
    %get3A_9 = arith.constant 0 : index
    %get3A_10 = arith.constant 0 : index
    %get3A_11 = vector.load %arg4[%get3A_9, %get3A_10] : memref<1x64xf32, #tpu.memory_space<vmem>>, vector<1x64xf32>
    %add3A_12 = vector.broadcast %get3A_11 : vector<1x64xf32> to vector<512x64xf32>
    %add3A_13 = arith.addf %dot_general3A_8, %add3A_12 : vector<512x64xf32>
    %logistic3A = arith.negf %add3A_13 : vector<512x64xf32>
    %logistic3A_14 = math.exp %logistic3A : vector<512x64xf32>
    %logistic3A_15 = arith.constant 1.000000e+00 : f32
    %logistic3A_16 = vector.broadcast %logistic3A_15 : f32 to vector<512x64xf32>
    %logistic3A_17 = arith.addf %logistic3A_16, %logistic3A_14 : vector<512x64xf32>
    %logistic3A_18 = arith.divf %logistic3A_16, %logistic3A_17 : vector<512x64xf32>
    %mul3A = arith.mulf %add3A_13, %logistic3A_18 : vector<512x64xf32>
    %get3A_19 = arith.constant 0 : index
    %get3A_20 = arith.constant 0 : index
    %get3A_21 = vector.load %arg5[%get3A_19, %get3A_20] : memref<64x64xf32, #tpu.memory_space<vmem>>, vector<64x64xf32>
    %dot_general3A_22 = arith.constant dense<0.000000e+00> : vector<512x64xf32>
    %dot_general3A_23 = tpu.matmul %mul3A, %get3A_21, %dot_general3A_22 {dimension_numbers = #tpu.dot_dimension_numbers<[1], [0], [0], [1], [0, 0, 1, 1], [], []>, transpose_lhs_hint = false} : vector<512x64xf32>, vector<64x64xf32>, vector<512x64xf32> -> vector<512x64xf32>
    %get3A_24 = arith.constant 0 : index
    %get3A_25 = arith.constant 0 : index
    %get3A_26 = vector.load %arg6[%get3A_24, %get3A_25] : memref<1x64xf32, #tpu.memory_space<vmem>>, vector<1x64xf32>
    %add3A_27 = vector.broadcast %get3A_26 : vector<1x64xf32> to vector<512x64xf32>
    %add3A_28 = arith.addf %dot_general3A_23, %add3A_27 : vector<512x64xf32>
    %logistic3A_29 = arith.negf %add3A_28 : vector<512x64xf32>
    %logistic3A_30 = math.exp %logistic3A_29 : vector<512x64xf32>
    %logistic3A_31 = arith.constant 1.000000e+00 : f32
    %logistic3A_32 = vector.broadcast %logistic3A_31 : f32 to vector<512x64xf32>
    %logistic3A_33 = arith.addf %logistic3A_32, %logistic3A_30 : vector<512x64xf32>
    %logistic3A_34 = arith.divf %logistic3A_32, %logistic3A_33 : vector<512x64xf32>
    %mul3A_35 = arith.mulf %add3A_28, %logistic3A_34 : vector<512x64xf32>
    %get3A_36 = arith.constant 0 : index
    %get3A_37 = arith.constant 0 : index
    %get3A_38 = vector.load %arg7[%get3A_36, %get3A_37] : memref<64x64xf32, #tpu.memory_space<vmem>>, vector<64x64xf32>
    %dot_general3A_39 = arith.constant dense<0.000000e+00> : vector<512x64xf32>
    %dot_general3A_40 = tpu.matmul %mul3A_35, %get3A_38, %dot_general3A_39 {dimension_numbers = #tpu.dot_dimension_numbers<[1], [0], [0], [1], [0, 0, 1, 1], [], []>, transpose_lhs_hint = false} : vector<512x64xf32>, vector<64x64xf32>, vector<512x64xf32> -> vector<512x64xf32>
    %get3A_41 = arith.constant 0 : index
    %get3A_42 = arith.constant 0 : index
    %get3A_43 = vector.load %arg8[%get3A_41, %get3A_42] : memref<1x64xf32, #tpu.memory_space<vmem>>, vector<1x64xf32>
    %add3A_44 = vector.broadcast %get3A_43 : vector<1x64xf32> to vector<512x64xf32>
    %add3A_45 = arith.addf %dot_general3A_40, %add3A_44 : vector<512x64xf32>
    %logistic3A_46 = arith.negf %add3A_45 : vector<512x64xf32>
    %logistic3A_47 = math.exp %logistic3A_46 : vector<512x64xf32>
    %logistic3A_48 = arith.constant 1.000000e+00 : f32
    %logistic3A_49 = vector.broadcast %logistic3A_48 : f32 to vector<512x64xf32>
    %logistic3A_50 = arith.addf %logistic3A_49, %logistic3A_47 : vector<512x64xf32>
    %logistic3A_51 = arith.divf %logistic3A_49, %logistic3A_50 : vector<512x64xf32>
    %mul3A_52 = arith.mulf %add3A_45, %logistic3A_51 : vector<512x64xf32>
    %get3A_53 = arith.constant 0 : index
    %get3A_54 = arith.constant 0 : index
    %get3A_55 = vector.load %arg9[%get3A_53, %get3A_54] : memref<64x1xf32, #tpu.memory_space<vmem>>, vector<64x1xf32>
    %dot_general3A_56 = arith.constant dense<0.000000e+00> : vector<512x1xf32>
    %dot_general3A_57 = tpu.matmul %mul3A_52, %get3A_55, %dot_general3A_56 {dimension_numbers = #tpu.dot_dimension_numbers<[1], [0], [0], [1], [0, 0, 1, 1], [], []>, transpose_lhs_hint = false} : vector<512x64xf32>, vector<64x1xf32>, vector<512x1xf32> -> vector<512x1xf32>
    %get3A_58 = arith.constant 0 : index
    %get3A_59 = arith.constant 0 : index
    %get3A_60 = vector.load %arg10[%get3A_58, %get3A_59] : memref<1x1xf32, #tpu.memory_space<vmem>>, vector<1x1xf32>
    %add3A_61 = vector.broadcast %get3A_60 : vector<1x1xf32> to vector<512x1xf32>
    %add3A_62 = arith.addf %dot_general3A_57, %add3A_61 : vector<512x1xf32>
    %swap3A = arith.constant 0 : index
    %swap3A_63 = arith.constant 0 : index
    %swap3A_64 = vector.load %arg11[%swap3A, %swap3A_63] : memref<512x1xf32, #tpu.memory_space<vmem>>, vector<512x1xf32>
    tpu.vector_store %arg11[%swap3A, %swap3A_63], %add3A_62 {strides = array<i32>} : memref<512x1xf32, #tpu.memory_space<vmem>>, vector<512x1xf32>,
    return
  }
  func.func @transform_0(%arg0: i32) -> (i32, i32) {
    %c0_i32 = arith.constant 0 : i32
    %c0_i32_0 = arith.constant 0 : i32
    return %arg0, %c0_i32 : i32, i32
  }
  func.func @transform_1(%arg0: i32) -> (i32, i32) {
    %c0_i32 = arith.constant 0 : i32
    %c0_i32_0 = arith.constant 0 : i32
    return %arg0, %c0_i32 : i32, i32
  }
  func.func @transform_2(%arg0: i32) -> (i32, i32) {
    %c0_i32 = arith.constant 0 : i32
    %c0_i32_0 = arith.constant 0 : i32
    %c0_i32_1 = arith.constant 0 : i32
    return %c0_i32, %c0_i32_0 : i32, i32
  }
  func.func @transform_3(%arg0: i32) -> (i32, i32) {
    %c0_i32 = arith.constant 0 : i32
    %c0_i32_0 = arith.constant 0 : i32
    %c0_i32_1 = arith.constant 0 : i32
    return %c0_i32, %c0_i32_0 : i32, i32
  }
  func.func @transform_4(%arg0: i32) -> (i32, i32) {
    %c0_i32 = arith.constant 0 : i32
    %c0_i32_0 = arith.constant 0 : i32
    %c0_i32_1 = arith.constant 0 : i32
    return %c0_i32, %c0_i32_0 : i32, i32
  }
  func.func @transform_5(%arg0: i32) -> (i32, i32) {
    %c0_i32 = arith.constant 0 : i32
    %c0_i32_0 = arith.constant 0 : i32
    %c0_i32_1 = arith.constant 0 : i32
    return %c0_i32, %c0_i32_0 : i32, i32
  }
  func.func @transform_6(%arg0: i32) -> (i32, i32) {
    %c0_i32 = arith.constant 0 : i32
    %c0_i32_0 = arith.constant 0 : i32
    %c0_i32_1 = arith.constant 0 : i32
    return %c0_i32, %c0_i32_0 : i32, i32
  }
  func.func @transform_7(%arg0: i32) -> (i32, i32) {
    %c0_i32 = arith.constant 0 : i32
    %c0_i32_0 = arith.constant 0 : i32
    %c0_i32_1 = arith.constant 0 : i32
    return %c0_i32, %c0_i32_0 : i32, i32
  }
  func.func @transform_8(%arg0: i32) -> (i32, i32) {
    %c0_i32 = arith.constant 0 : i32
    %c0_i32_0 = arith.constant 0 : i32
    %c0_i32_1 = arith.constant 0 : i32
    return %c0_i32, %c0_i32_0 : i32, i32
  }
  func.func @transform_9(%arg0: i32) -> (i32, i32) {
    %c0_i32 = arith.constant 0 : i32
    %c0_i32_0 = arith.constant 0 : i32
    %c0_i32_1 = arith.constant 0 : i32
    return %c0_i32, %c0_i32_0 : i32, i32
  }
  func.func @transform_10(%arg0: i32) -> (i32, i32) {
    %c0_i32 = arith.constant 0 : i32
    %c0_i32_0 = arith.constant 0 : i32
    return %arg0, %c0_i32 : i32, i32
  }
}

</mosaic_0001>

<sc_bundles>
// kernel: scatter_offload_async_start.1
scs
__scs_entry_jumppad:
0x0: {  	(pc) =	sbr.rel $0x88, $3  }
0x1: {  	(tag) =	ssettag $0x0;
	lr =	simm.s32 $0x1  }
0x2: {  	[smem:$0x3F84] =	sst lr;
	_ =	strace $0xD0000000  }
0x3: {  	_ = 	snop  }
0x4: {  	_ = 	snop  }
0x5: {  	_ = 	snop  }
0x6: {  	_ = 	snop  }
0x7: {  	_ = 	snop  }
__scs_overlays_trampoline_lowered:
0x8: {  	[smem:$0x3F93] =	sst s0  }
0x9: {  	[smem:$0x3F94] =	sst s1  }
0xa: {  	[smem:$0x3F95] =	sst s2  }
0xb: {  	[smem:$0x3F96] =	sst s3  }
0xc: {  	[smem:$0x3F97] =	sst s4  }
0xd: {  	[smem:$0x3F98] =	sst s5  }
0xe: {  	[smem:$0x3F99] =	sst s6  }
0xf: {  	[smem:$0x3F9A] =	sst s7  }
0x10: {  	[smem:$0x3F9B] =	sst s8  }
0x11: {  	[smem:$0x3F9C] =	sst s9;
	s0 =	simm.s32 @!p0 $0x0  }
0x12: {  	s1 =	sld [smem:$0x3F82];
	s0 =	simm.s32 @p0 $0x1  }
0x13: {  	[smem:$0x3F9D] =	sst s0;
	s0 =	simm.s32 @!p1 $0x0  }
0x14: {  	s2 =	sld [smem:$0x3F81];
	s0 =	simm.s32 @p1 $0x1  }
0x15: {  	[smem:$0x3F9E] =	sst s0;
	s0 =	simm.s32 @!p2 $0x0  }
0x16: {  	s3 =	sld [smem:$0x3FDB];
	s0 =	simm.s32 @p2 $0x1  }
0x17: {  	s4 =	simm.s32 $0x1BF5;
	[smem:$0x3FA0] =	sst s0  }
0x18: {  	s0 =	sld [smem:$0x3F83];
	_ =	swait.ge [sflag:s4], $0x0  }
0x19: {  	s7 =	sld [smem:$0x3F84]  }
0x1a: {  	s8 =	sadd.s32 $0xFFFFE003, lr  }
0x1b: {  	s9 =	sadd.s32 $0xFFFFFEF7, lr;
	s5 =	simm.s32 $0xFFFFFFFF;
	p2 =	slt.u32 s8, $0xFFFFF086  }
0x1c: {  	p1 =	slt.u32 s9, $0xF7A;
	s5 =	simm.s32 @!p2 $0x0  }
0x1d: {  	s5 =	simm.s32 @p1 $0x1;
	p0 =	seq.s32 s7, s2  }
0x1e: {  	s7 =	smul.u32 @!p0 $0xF7A, s2;
	p2 =	seq.s32 @!p0 s5, $0x0  }
0x1f: {  	s9 =	smul.u32 $0xF7A, s1;
	s8 =	simm.s32 @!p0 $0x1BF5;
	p2 =	por !p2, p0  }
0x20: {  	[sflag:s8] =	ssyncset.s32 @!p0 $0xFFFFF086;
	s6 =	sadd.s32 @!p0 s3, s7;
	s7 =	simm.s32 @!p0 $0x108  }
0x21: {  	s3 =	sadd.s32 s3, s9;
	s6 =	sadd.s32 @!p0 $0x88, s6;
	s7 =	simm.s32 @p2 $0x1082  }
0x22: {  	[simem:s7], [sflag:s8] =	dma.local @!p0 [hbm:s6], $0xF7A  }
0x23: {  	s9 =	sor.u32 $0xD0000000, s2;
	s6 =	simm.s32 $0x108;
	_ =	swait.ge @!p0 [sflag:s8], $0x0  }
0x24: {  	s3 =	sadd.s32 $0x88, s3;
	s6 =	simm.s32 @!p1 $0x1082;
	[sflag:s4] =	ssyncset.s32 $0xFFFFF086  }
0x25: {  	[simem:s6], [sflag:s4] =	dma.local [hbm:s3], $0xF7A  }
0x26: {  	[smem:$0x3F84] =	sst s1;
	(tag) =	ssettag s2;
	_ =	strace s9  }
0x27: {  	s1 =	sld [smem:$0x3F94]  }
0x28: {  	s2 =	sld [smem:$0x3F95]  }
0x29: {  	s4 =	sld [smem:$0x3F97]  }
0x2a: {  	p0 =	seq.s32 s5, $0x0;
	s5 =	sld [smem:$0x3F98]  }
0x2b: {  	s6 =	sld [smem:$0x3F99]  }
0x2c: {  	s7 =	sld [smem:$0x3F9A]  }
0x2d: {  	s3 =	simm.s32 $0x108;
	s8 =	sld [smem:$0x3F9B]  }
0x2e: {  	s3 =	simm.s32 @!p0 $0x1082;
	s9 =	sld [smem:$0x3F9C]  }
0x2f: {  	lr =	sadd.s32 s0, s3;
	s0 =	sld [smem:$0x3F93]  }
0x30: {  	s3 =	sld [smem:$0x3F96]  }
0x31: {  	[smem:$0x3F9F] =	sst s10  }
0x32: {  	s10 =	sld [smem:$0x3F9D];
	_ =	sdelay $0x3  }
0x33: {  	p0 =	seq.s32 s10, $0x1;
	s10 =	sld [smem:$0x3F9F];
	_ =	sdelay $0x3  }
0x34: {  	[smem:$0x3F9F] =	sst s10  }
0x35: {  	s10 =	sld [smem:$0x3F9E];
	_ =	sdelay $0x3  }
0x36: {  	p1 =	seq.s32 s10, $0x1;
	s10 =	sld [smem:$0x3F9F];
	_ =	sdelay $0x3  }
0x37: {  	[smem:$0x3F9F] =	sst s10  }
0x38: {  	s10 =	sld [smem:$0x3FA0]  }
0x39: {  	_ = 	snop;
	(pc) =	sbr.ind lr, $3  }
0x3a: {  	_ = 	snop  }
0x3b: {  	_ = 	snop  }
0x3c: {  	p2 =	seq.s32 s10, $0x1;
	s10 =	sld [smem:$0x3F9F]  }
0x3d: {  	_ =	shalt  }
0x3e: {  	_ =	shalt  }
0x3f: {  	_ =	shalt  }
0x40: {  	_ =	shalt  }
0x41: {  	_ =	shalt  }
0x42: {  	_ =	shalt  }
0x43: {  	_ =	shalt  }
0x44: {  	_ =	shalt  }
0x45: {  	_ =	shalt  }
0x46: {  	_ =	shalt  }
0x47: {  	_ =	shalt  }
0x48: {  	_ =	shalt  }
0x49: {  	_ =	shalt  }
0x4a: {  	_ =	shalt  }
0x4b: {  	_ =	shalt  }
0x4c: {  	_ =	shalt  }
0x4d: {  	_ =	shalt  }
0x4e: {  	_ =	shalt  }
0x4f: {  	_ =	shalt  }
0x50: {  	_ =	shalt  }
0x51: {  	_ =	shalt  }
0x52: {  	_ =	shalt  }
0x53: {  	_ =	shalt  }
0x54: {  	_ =	shalt  }
0x55: {  	_ =	shalt  }
0x56: {  	_ =	shalt  }
0x57: {  	_ =	shalt  }
0x58: {  	_ =	shalt  }
0x59: {  	_ =	shalt  }
0x5a: {  	_ =	shalt  }
0x5b: {  	_ =	shalt  }
0x5c: {  	_ =	shalt  }
0x5d: {  	_ =	shalt  }
0x5e: {  	_ =	shalt  }
0x5f: {  	_ =	shalt  }
0x60: {  	_ =	shalt  }
0x61: {  	_ =	shalt  }
0x62: {  	_ =	shalt  }
0x63: {  	_ =	shalt  }
0x64: {  	_ =	shalt  }
0x65: {  	_ =	shalt  }
0x66: {  	_ =	shalt  }
0x67: {  	_ =	shalt  }
0x68: {  	_ =	shalt  }
0x69: {  	_ =	shalt  }
0x6a: {  	_ =	shalt  }
0x6b: {  	_ =	shalt  }
0x6c: {  	_ =	shalt  }
0x6d: {  	_ =	shalt  }
0x6e: {  	_ =	shalt  }
0x6f: {  	_ =	shalt  }
0x70: {  	_ =	shalt  }
0x71: {  	_ =	shalt  }
0x72: {  	_ =	shalt  }
0x73: {  	_ =	shalt  }
0x74: {  	_ =	shalt  }
0x75: {  	_ =	shalt  }
0x76: {  	_ =	shalt  }
0x77: {  	_ =	shalt  }
0x78: {  	_ =	shalt  }
0x79: {  	_ =	shalt  }
0x7a: {  	_ =	shalt  }
0x7b: {  	_ =	shalt  }
0x7c: {  	_ =	shalt  }
0x7d: {  	_ =	shalt  }
0x7e: {  	_ =	shalt  }
0x7f: {  	_ =	shalt  }
0x80: {  	_ =	shalt  }
0x81: {  	_ =	shalt  }
0x82: {  	_ =	shalt  }
0x83: {  	_ =	shalt  }
0x84: {  	_ =	shalt  }
0x85: {  	_ =	shalt  }
0x86: {  	_ =	shalt  }
0x87: {  	_ =	shalt  }
.Lfunc_end0:
.L_simem_size_0:
called_computation.1_lowered:
.L_overlay_start_0:
0x88: {  	s2 =	sld [smem:$0x3FD9]  }
0x89: {  	s3 =	sld [smem:$0x3FFE];
	_ =	sdelay $0x1  }
0x8a: {  	s1 =	srdreg.scid  }
0x8b: {  	s0 =	sand.u32 $0x1, s1  }
0x8c: {  	s15 =	sshll.u32 s0, $0xA;
	s2 =	sadd.s32 s3, s2  }
0x8d: {  	s2 =	sadd.s32 s2, s15  }
0x8e: {  	[smem:$0x3FAB] =	sst s2  }
0x8f: {  	_ = 	snop  }
0x90: {  	(tm) =	ssettm $0x1  }
0x91: {  	s16 =	sld [smem:$0x3FFB];
	_ =	sdelay $0x3  }
0x92: {  	_ =	strace s16  }
0x93: {  	s2 =	sld [smem:$0x3FFC];
	_ =	sdelay $0x3  }
0x94: {  	_ =	strace s2  }
0x95: {  	s2 =	sld [smem:$0x3FFD];
	_ =	sdelay $0x3  }
0x96: {  	_ =	strace s2  }
0x97: {  	_ =	strace $0x8FFFFFFF  }
0x98: {  	s17 =	sld [smem:$0x3FDB];
	_ =	sdelay $0x1  }
0x99: {  	s18 =	simm.s32 $_scs_section_size  }
0x9a: {  	s4 =	simm.s32 $_size__tile_overlayer_lowered;
	s5 =	simm.s32 $_tile_overlayer_lowered  }
0x9b: {  	s6 =	simm.s32 $0x1BFF;
	s19 =	sshll.u32 s5, $0x1;
	s3 =	sadd.s32 s18, s17  }
0x9c: {  	s20 =	simm.s32 $0x0;
	s4 =	sshll.u32 s4, $0x1;
	s5 =	sadd.s32 s19, s3  }
0x9d: {  	[timem:s20], [sflag:s6] =	dma.local [hbm:s5], s4  }
0x9e: {  	_ =	swait.ge [sflag:s6], s4  }
0x9f: {  	s4 =	ssub.s32 $0x0, s4;
	[sflag:s6] =	ssyncset.done $0x0  }
0xa0: {  	[sflag:s6] =	ssyncadd.s32 s4;
	_ =	sdelay $0x1  }
0xa1: {  	s21 =	simm.s32 $0x1B8B  }
0xa2: {  	_ =	swait.ge [sflag:s21], $0x1  }
0xa3: {  	[sflag:s21] =	ssyncset.done $0x0  }
0xa4: {  	s22 =	sld [smem:$0x3FFE];
	[sflag:s21] =	ssyncadd.s32 $0xFFFFFFFF  }
0xa5: {  	s24 =	simm.s32 $0x1B8E;
	s23 =	sld [smem:$0x0]  }
0xa6: {  	s25 =	simm.s32 $execute0_lowered;
	[smem:$0x3FD2] =	sst s24  }
0xa7: {  	s6 =	sshll.u32 s25, $0x1;
	_ =	strace $0x8000004C;
	[dreg:$0x1] =	wrdreg $0xFFFFFFFF  }
0xa8: {  	s7 =	simm.s32 $_size_execute0_lowered;
	s6 =	sadd.s32 s3, s6;
	[dreg:$0x0] =	wrdreg $0x0  }
0xa9: {  	s7 =	sshll.u32 s7, $0x1;
	[dreg:$0x2] =	wrdreg s6  }
0xaa: {  	[dreg:$0x3] =	wrdreg s7  }
0xab: {  	[dreg:$0x4] =	wrdreg $0xC0  }
0xac: {  	s26 =	simm.s32 $execute1_lowered;
	_ =	task [dreg:s20], $0x5FFFF  }
0xad: {  	s6 =	sshll.u32 s26, $0x1;
	[dreg:$0x1] =	wrdreg $0xFFFFFFFF  }
0xae: {  	s3 =	sadd.s32 s3, s6;
	[dreg:$0x0] =	wrdreg $0x60  }
0xaf: {  	[dreg:$0x2] =	wrdreg s3  }
0xb0: {  	[dreg:$0x3] =	wrdreg s22  }
0xb1: {  	[dreg:$0x4] =	wrdreg $0x9  }
0xb2: {  	_ =	task.clear_ibuf [dreg:s20], $0x5FFFF;
	_ =	strace $0x9000004C  }
0xb3: {  	s28 =	simm.s32 $0x9;
	_ =	strace $0x8000004E  }
0xb4: {  	_ =	swait.ge [sflag:s28], $0x1  }
0xb5: {  	[sflag:s28] =	ssyncadd.s32 $0xFFFFFFFF  }
0xb6: {  	_ =	strace $0x9000004E  }
0xb7: {  	s3 =	sld [smem:$0x0]  }
0xb8: {  	s6 =	sand.u32 $0xFFFFFFFE, s1  }
0xb9: {  	p0 =	sne.s32 s1, s6  }
0xba: {  	s6 =	sshll.u32 @p0 s6, $0xE  }
0xbb: {  	s6 =	sadd.s32 @p0 $0x11BF3, s6;
	s7 =	sshll.u32 @p0 s3, $0x11  }
0xbc: {  	s6 =	sor.u32 @p0 s7, s6  }
0xbd: {  	[sflag:s6] =	ssyncadd.remote.s32 @p0 $0x1;
	_ =	sdelay $0x1  }
0xbe: {  	s6 =	simm.s32 @p0 $0x1BF3  }
0xbf: {  	_ =	swait.eq @p0 [sflag:s6], $0x1  }
0xc0: {  	[sflag:s6] =	ssyncadd.s32 @p0 $0xFFFFFFFF  }
0xc1: {  	s7 =	sshll.u32 @!p0 s1, $0xE  }
0xc2: {  	s7 =	sor.u32 @!p0 $0x4000, s7;
	s6 =	simm.s32 @!p0 $0x1BF3  }
0xc3: {  	s3 =	sshll.u32 @!p0 s3, $0x11;
	s7 =	sadd.s32 @!p0 $0x11BF3, s7;
	_ =	swait.eq @!p0 [sflag:s6], $0x1  }
0xc4: {  	s3 =	sor.u32 @!p0 s3, s7;
	[sflag:s6] =	ssyncadd.s32 @!p0 $0xFFFFFFFF  }
0xc5: {  	[sflag:s3] =	ssyncadd.remote.s32 @!p0 $0x1  }
0xc6: {  	_ =	strace $0x8000004F;
	[dreg:$0x1] =	wrdreg $0xFFFFFFFF  }
0xc7: {  	[dreg:$0x0] =	wrdreg $0x2030  }
0xc8: {  	[dreg:$0x2] =	wrdreg s22  }
0xc9: {  	[dreg:$0x3] =	wrdreg s1  }
0xca: {  	[dreg:$0x4] =	wrdreg s23  }
0xcb: {  	[dreg:$0x5] =	wrdreg $0xA  }
0xcc: {  	_ =	task.clear_ibuf [dreg:s20], $0x6FFFF;
	_ =	strace $0x9000004F  }
0xcd: {  	s29 =	simm.s32 $0xA;
	_ =	strace $0x80000051  }
0xce: {  	_ =	swait.ge [sflag:s29], $0x1  }
0xcf: {  	[sflag:s29] =	ssyncadd.s32 $0xFFFFFFFF  }
0xd0: {  	_ =	strace $0x90000051  }
0xd1: {  	_ =	sfence  }
0xd2: {  	s30 =	sld [smem:$0x0];
	_ =	sdelay $0x2  }
0xd3: {  	s31 =	sshll.u32 s1, $0xD;
	s1 =	sshrl.u32 s1, $0x2  }
0xd4: {  	s4 =	sand.u32 $0x4000, s31;
	s1 =	sadd.s32 s1, s30  }
0xd5: {  	s0 =	sor.u32 s4, s0;
	s1 =	sshll.u32 s1, $0x11  }
0xd6: {  	s0 =	sor.u32 s1, s0  }
0xd7: {  	s0 =	sadd.s32 $0x8F2B, s0  }
0xd8: {  	[sflag:s0] =	ssyncadd.remote.s32 $0x1  }
0xd9: {  	_ =	sfence.sel $0xFFFF  }
0xda: {  	[dreg:$0x0] =	wrdreg $0xFFFFFFFF;
	(pc) =	sbr.abs _section_cstart, $3  }
0xdb: {  	[dreg:$0x1] =	wrdreg $0xFFFFFFFF  }
0xdc: {  	_ =	task.clear_ibuf [dreg:s20], $0x2FFFF;
	_ =	strace $0x9FFFFFFF  }
0xdd: {  	(tm) =	ssettm $0x7FFFFFFF  }
tec
execute0_lowered:
.L_overlay_start_1:
0x0: {  	(tag) =	ssettag $0x1  }
0x1: {  	s2 =	rddreg [dreg:$0x0]  }
0x2: {  	s5 =	rddreg [dreg:$0x1]  }
0x3: {  	s0 =	rddreg [dreg:$0x2];
	s3 =	stileid.u32;
	[bflag:$0x3] =	sbarrier.arrive $0xFFFF  }
0x4: {  	s1 =	simm.s32 $_size_execute1_lowered;
	s30 =	srdreg.scid;
	p0 =	sne.s32 s3, $0x0  }
0x5: {  	s1 =	sshll.u32 s1, $0x1;
	s4 =	simm.s32 @!p0 $0x1C3F;
	s6 =	simm.s32 @!p0 $0x4060  }
0x6: {  	[timem:s6], [sflag:s4] =	dma.local @!p0 [hbm:s2], s1  }
0x7: {  	s8 =	simm.s32 $0x2;
	s2 =	sshll.u32 s30, $0x8  }
0x8: {  	s13 =	simm.s32 $0x0;
	s3 =	sshll.u32 s3, $0x9;
	s2 =	sand.u32 $0x100, s2  }
0x9: {  	s9 =	simm.s32 $0x80;
	s10 =	simm.s32 $0x0;
	s2 =	sor.u32 s3, s2  }
0xa: {  	s12 =	simm.s32 $0x0;
	s4 =	simm.s32 $0x1;
	s31 =	ssub.s32 $0xC400, s2  }
.Ltmp0:
0xb: {  	_ =	strace $0x8000004D;
	s7 =	sand.u32 $0x1F00, s31;
	(pc) =	sbr.rel .LBB2_1-.Ltmp0, $4  }
0xc: {  	s3 =	sadd.s32 $0x4C200, s5;
	p1 =	sne.s32 s7, $0x0;
	s7 =	simm.s32 $0x1  }
0xd: {  	[sflag:s4] =	ssyncpa.u1 $0x0;
	s6 =	sshrl.u32 s31, $0xD;
	s7 =	simm.s32 @!p1 $0x0  }
0xe: {  	s5 =	sadd.s32 $0x110200, s5;
	[sflag:s8] =	ssyncpa.u1 $0x0;
	s6 =	sadd.s32 s7, s6  }
0xf: {  	s8 =	simm.s32 $0x40;
	s11 =	smov.u32 s2;
	s7 =	sadd.s32 $0x1, s6  }
.LBB2_4:
0x10: {  	s13 =	sand.u32 $0x1FFFFFF, s13  }
0x11: {  	s16 =	smulhi.u32 $0x14E5E0B, s13;
	_ =	sdelay $0x1  }
0x12: {  	s16 =	sshrl.u32 s16, $0x8  }
0x13: {  	s16 =	smul.u32 $0xC400, s16  }
0x14: {  	[tilespmem:v2+s14+$0x30 ss:$0x1] =	vst.idx.msk $0xffff, v1  }
0x15: {  	[tilespmem:v2+s14+$0x0 ss:$0x1] =	vst.idx.msk $0xffff, v3;
	s13 =	ssub.s32 s13, s16  }
0x16: {  	[tilespmem:v2+s14+$0x10 ss:$0x1] =	vst.idx.msk $0xffff, v4;
	s13 =	sshll.u32 s13, $0x4  }
0x17: {  	[tilespmem:v2+s14+$0x20 ss:$0x1] =	vst.idx.msk $0xffff, v5;
	s13 =	sadd.s32 s5, s13  }
0x18: {  	[hbm4b:s13+s8] =	stream.strided.scatter [tilespmem:s15], [sflag:$0x2], $0x4000, s9, s8, $0x38;
	[tilespmem:$0x10000] =	vst v63  }
.LBB2_5:
0x19: {  	s15 =	sadd.s32 $0x2000, s11  }
0x1a: {  	p2 =	sgt.s32 s15, $0xC3FF  }
0x1b: {  	s15 =	smov.u32 @p2 s2;
	p2 =	sne.s32 s12, s7  }
.Ltmp1:
0x1c: {  	p1 =	slt.u32 s12, $0x2;
	(pc) =	sbr.rel @!p2 .LBB2_6-.Ltmp1, $4  }
0x1d: {  	s14 =	simm.s32 @!p1 $0x2  }
0x1e: {  	s16 =	sadd.s32 $0x1, s12;
	_ =	swait.ge @!p1 [sflag:s14], $0x4000  }
0x1f: {  	s13 =	smov.u32 s11;
	s10 =	sadd.s32 $0x4000, s10;
	[sflag:s14] =	ssyncset.done @!p1 $0x0  }
0x20: {  	s12 =	smov.u32 s16;
	s11 =	smov.u32 s15;
	[sflag:s14] =	ssyncadd.s32 @!p1 $0xFFFFC000  }
.LBB2_1:
0x21: {  	p1 =	sge.u32 s12, s6  }
0x22: {  	s14 =	sand.u32 @!p1 $0x1FFFFFF, s11  }
0x23: {  	s15 =	smulhi.u32 @!p1 $0x14E5E0B, s14;
	_ =	sdelay $0x1  }
0x24: {  	s15 =	sshrl.u32 @!p1 s15, $0x8  }
0x25: {  	s15 =	smul.u32 @!p1 $0xC400, s15;
	_ =	sdelay $0x1  }
0x26: {  	s31 =	sadd.s32 $0xFFFFFFFF, s12;
	s16 =	sxor.u32 @!p1 $0xFFFFFFFF, s12;
	s14 =	ssub.s32 @!p1 s14, s15  }
0x27: {  	s17 =	simm.s32 @!p1 $0x80;
	s16 =	sshll.u32 @!p1 s16, $0xE;
	s14 =	sshll.u32 @!p1 s14, $0x4  }
0x28: {  	s15 =	sand.u32 @!p1 $0x4000, s16;
	s16 =	simm.s32 @!p1 $0x40;
	s14 =	sadd.s32 @!p1 s3, s14  }
0x29: {  	[tilespmem:s15], [sflag:$0x1] =	stream.strided.gather @!p1 [hbm4b:s14+s16], $0x4000, s17, s16, $0x38;
	[tilespmem:$0x10000] =	vst v63  }
0x2a: {  	p1 =	sge.u32 s31, s6  }
.Ltmp2:
0x2b: {  	_ = 	snop;
	(pc) =	sbr.rel @p1 .LBB2_5-.Ltmp2, $1  }
0x2c: {  	_ =	sdelay $0x3  }
0x2d: {  	s15 =	sand.u32 $0x4000, s10  }
0x2e: {  	s14 =	sor.u32 $0x20, s15  }
0x2f: {  	v0 =	vmov s14;
	_ =	sdelay $0x1  }
0x30: {  	_ =	swait.ge [sflag:s4], $0x4000  }
0x31: {  	[sflag:s4] =	ssyncset.done $0x0  }
0x32: {  	[sflag:s4] =	ssyncadd.s32 $0xFFFFC000;
	s14 =	simm.s32 $0x0  }
0x33: {  	s17 =	sor.u32 $0x8000, s15;
	v1 =	vld.idx.msk [tilespmem:v0+s14+$0x10 ss:$0x1], $0xffff  }
0x34: {  	s16 =	sshll.u32 s12, $0xE;
	v2 =	vmov s17;
	v3 =	vld.idx.msk [tilespmem:v0+s14+$0xFFFFFFE0 ss:$0x1], $0xffff  }
0x35: {  	s31 =	sand.u32 $0x4000, s16;
	v4 =	vld.idx.msk [tilespmem:v0+s14+$0xFFFFFFF0 ss:$0x1], $0xffff  }
0x36: {  	s16 =	simm.s32 $0x100;
	s15 =	sor.u32 $0x8000, s31;
	v5 =	vld.idx.msk [tilespmem:v0+s14+$0x0 ss:$0x1], $0xffff  }
.LBB2_3:
0x37: {  	p1 =	sne.s32 s16, $0xFF00  }
.Ltmp3:
0x38: {  	s17 =	sshra.s32 s16, $0x2;
	s16 =	sadd.s32 $0x100, s16;
	(pc) =	sbr.rel @p1 .LBB2_3-.Ltmp3, $4  }
0x39: {  	[tilespmem:v2+s14+$0x30 ss:$0x1] =	vst.idx.msk $0xffff, v1;
	v1 =	vld.idx.msk [tilespmem:v0+s17+$0x10 ss:$0x1], $0xffff  }
0x3a: {  	[tilespmem:v2+s14+$0x0 ss:$0x1] =	vst.idx.msk $0xffff, v3;
	v3 =	vld.idx.msk [tilespmem:v0+s17+$0xFFFFFFE0 ss:$0x1], $0xffff  }
0x3b: {  	[tilespmem:v2+s14+$0x10 ss:$0x1] =	vst.idx.msk $0xffff, v4;
	v4 =	vld.idx.msk [tilespmem:v0+s17+$0xFFFFFFF0 ss:$0x1], $0xffff  }
0x3c: {  	[tilespmem:v2+s14+$0x20 ss:$0x1] =	vst.idx.msk $0xffff, v5;
	v5 =	vld.idx.msk [tilespmem:v0+s17+$0x0 ss:$0x1], $0xffff;
	s14 =	smov.u32 s17  }
.Ltmp4:
0x3d: {  	_ = 	snop;
	(pc) =	sbr.rel .LBB2_4-.Ltmp4, $1  }
0x3e: {  	_ =	sdelay $0x3  }
.LBB2_6:
0x3f: {  	_ =	sfence.sel $0x180000  }
0x40: {  	s2 =	simm.s32 $0x1;
	[bflag:$0x0] =	sbarrier.arrive $0xFFFF  }
0x41: {  	s31 =	simm.s32 $0x2;
	[sflag:s2] =	ssyncpa.u1 $0x1  }
0x42: {  	[sflag:s31] =	ssyncpa.u1 $0x1  }
0x43: {  	_ =	strace $0x9000004D  }
0x44: {  	s0 =	sadd.s32 @!p0 $0x100000, s0;
	[bflag:$0x2] =	sbarrier.arrive $0xFFFF  }
0x45: {  	[sflag:s0] =	ssyncadd.tile.s32 @!p0 $0x1;
	s0 =	simm.s32 @!p0 $0x3F  }
0x46: {  	_ =	swait.ge @!p0 [sflag:s0], s1  }
0x47: {  	s1 =	ssub.s32 @!p0 $0x0, s1;
	[sflag:s0] =	ssyncset.done @!p0 $0x0  }
0x48: {  	[sflag:s0] =	ssyncadd.s32 @!p0 s1  }
0x49: {  	[bflag:$0x3] =	sbarrier.arrive $0xFFFF  }
0x4a: {  	_ =	shalt  }
.Lfunc_end2:
execute1_lowered:
.L_overlay_start_2:
0x4b: {  	(tag) =	ssettag $0x2  }
0x4c: {  	s2 =	rddreg [dreg:$0x0]  }
0x4d: {  	s4 =	rddreg [dreg:$0x1];
	_ =	strace $0x80000050;
	s0 =	simm.s32 $0x1  }
0x4e: {  	s3 =	simm.s32 $0x88;
	v0 =	vimm.s32 $0x0;
	[sflag:s0] =	ssyncpa.u1 $0x0  }
0x4f: {  	s1 =	sadd.s32 $0x110200, s2;
	[tilespmem:s3+$0x30] =	vst v0  }
0x50: {  	s0 =	sadd.s32 $0x2A00, s2;
	s6 =	sadd.s32 $0x298200, s2;
	[tilespmem:s3+$0x20] =	vst v0  }
0x51: {  	s2 =	sadd.s32 $0x33A00, s2;
	s7 =	sand.u32 $0x1, s4;
	s4 =	simm.s32 $0x40;
	[tilespmem:s3+$0x10] =	vst v0  }
.LBB3_1:
0x52: {  	s4 =	sadd.s32 $0x40, s4  }
0x53: {  	[tilespmem:s3+$0x0] =	vst v0;
	s3 =	sadd.s32 $0x40, s3;
	p0 =	slt.u32 s4, $0x5040  }
.Ltmp5:
0x54: {  	(pc) =	sbr.rel @p0 .LBB3_1-.Ltmp5, $4  }
0x55: {  	_ = 	snop  }
0x56: {  	[tilespmem:s3+$0x30] =	vst v0  }
0x57: {  	[tilespmem:s3+$0x20] =	vst v0  }
0x58: {  	[tilespmem:s3+$0x10] =	vst v0  }
0x59: {  	s8 =	stileid.u32  }
0x5a: {  	s4 =	smul.u32 $0x4E, s8  }
0x5b: {  	s5 =	smin.u32 s8, $0x2  }
0x5c: {  	s4 =	sadd.s32 s5, s4  }
0x5d: {  	p0 =	slt.u32 s8, $0x2;
	s12 =	smul.u32 $0x140, s4;
	s4 =	simm.s32 $0x62C0  }
0x5e: {  	s4 =	simm.s32 @!p0 $0x6180  }
0x5f: {  	s25 =	simm.s32 $0x2;
	s4 =	sadd.s32 s4, s12  }
0x60: {  	s28 =	simm.s32 $0x9;
	s9 =	simm.s32 $0xA;
	s14 =	smin.u32 s4, $0x61A80  }
0x61: {  	s30 =	simm.s32 $0xB;
	[dreg:$0x4] =	wrdreg s7;
	s4 =	ssub.s32 s14, s12  }
0x62: {  	s31 =	smul.u32 $0xC350, s7;
	s13 =	simm.s32 $0x1;
	p0 =	sgt.s32 s4, $0x0  }
0x63: {  	s19 =	simm.s32 $0x0;
	s20 =	simm.s32 $0xA808;
	s4 =	simm.s32 @!p0 $0x0  }
0x64: {  	s21 =	simm.s32 $0xFFFFFFFF;
	p1 =	por $0x0, $0x0;
	s26 =	smulhi.u32 $0x66666667, s4  }
0x65: {  	[tilespmem:s3+$0x0] =	vst v0;
	s23 =	simm.s32 $0x0;
	[sflag:s25] =	ssyncpa.u1 $0x0;
	s18 =	sshll.u32 s8, $0x7  }
0x66: {  	s0 =	sadd.s32 s31, s0;
	[dreg:$0xa] =	wrdreg s18;
	s3 =	sshrl.u32 s26, $0x7  }
0x67: {  	v0 =	vimm.s32 $0xFFFFFFFF;
	s17 =	sadd.s32 s31, s2;
	[dreg:$0x9] =	wrdreg s0;
	s29 =	smul.u32 $0x140, s3  }
0x68: {  	s25 =	simm.s32 $0x0;
	[tilespmem:$0xA108] =	vst v0;
	[sflag:s28] =	ssyncpa.u1 $0x0;
	[dreg:$0x8] =	wrdreg s17  }
.Ltmp6:
0x69: {  	p0 =	sne.s32 s4, s29;
	s4 =	simm.s32 $0x1;
	(pc) =	sbr.rel .LBB3_3-.Ltmp6, $4  }
0x6a: {  	[sflag:s9] =	ssyncpa.u1 $0x0;
	[dreg:$0x5] =	wrdreg s12;
	s4 =	simm.s32 @!p0 $0x0  }
0x6b: {  	[sflag:s30] =	ssyncpa.u1 $0x0;
	[dreg:$0x6] =	wrdreg s14;
	s15 =	sadd.s32 s4, s3  }
0x6c: {  	s24 =	smov.u32 s12;
	s22 =	sadd.s32 $0x1, s15;
	[dreg:$0x7] =	wrdreg s15  }
0x6d: {  	v0 =	vlaneseq.u32;
	s26 =	simm.s32 $0x0;
	p0 =	por $0x1, $0x1;
	[dreg:$0xb] =	wrdreg s22  }
.LBB3_22:
0x6e: {  	s0 =	sshrl.u32 s3, $0x2  }
.LBB3_24:
0x6f: {  	s3 =	simm.s32 $0xC  }
0x70: {  	_ =	swait.ge [sflag:s3], s0  }
0x71: {  	s31 =	ssub.s32 $0x0, s0;
	v1 =	vmov s4;
	vm0 =	veq.s32 v0, $0x0;
	[sflag:s3] =	ssyncset.done $0x0  }
0x72: {  	vm15 =	veq.s32 v0, $0x2;
	v1 =	vsel vm0, s2, v1;
	[sflag:s3] =	ssyncadd.s32 s31  }
0x73: {  	v1 =	vsel vm15, s26, v1;
	[sflag:s3] =	ssyncpa.u1 $0x1  }
0x74: {  	[tilespmem:$0xA108] =	vst v1  }
.LBB3_25:
0x75: {  	s0 =	sadd.s32 $0x140, s24  }
0x76: {  	s2 =	smov.u32 s12;
	p2 =	slt.s32 s0, s14  }
0x77: {  	s2 =	smov.u32 @p2 s0;
	p2 =	sne.s32 s25, s22  }
.Ltmp7:
0x78: {  	_ = 	snop;
	(pc) =	sbr.rel @!p2 .LBB3_26-.Ltmp7, $4  }
0x79: {  	_ = 	snop  }
0x7a: {  	s26 =	smov.u32 s23;
	s31 =	sadd.s32 $0x1, s25;
	p0 =	por !p0, !p0  }
0x7b: {  	s23 =	smov.u32 s24;
	s20 =	sadd.s32 $0x140, s20;
	s21 =	sadd.s32 $0x1, s21  }
0x7c: {  	p1 =	por !p1, !p1;
	s25 =	smov.u32 s31;
	s24 =	smov.u32 s2  }
.LBB3_3:
0x7d: {  	p2 =	sge.u32 s25, s15  }
0x7e: {  	s0 =	smulhi.u32 @!p2 $0xAAAAAAAB, s25  }
0x7f: {  	s2 =	smov.u32 s24;
	p3 =	sgt.s32 @!p2 s24, $0x61940  }
0x80: {  	s3 =	sshra.s32 @!p2 s24, $0x1F;
	p3 =	por !p3, p2;
	s0 =	sshrl.u32 @!p2 s0, $0x1  }
0x81: {  	s3 =	sand.u32 @!p2 s3, s24;
	s2 =	simm.s32 @p3 $0x61940;
	s0 =	smul.u32 @!p2 $0x3, s0  }
0x82: {  	s2 =	ssub.s32 @!p2 s2, s3  }
0x83: {  	s2 =	sadd.s32 @!p2 $0xFFF9E6C0, s2;
	s0 =	ssub.s32 @!p2 s25, s0  }
0x84: {  	s3 =	sshll.u32 @!p2 s2, $0x2;
	p3 =	sgt.s32 @!p2 s2, $0x13F;
	s0 =	smul.u32 @!p2 $0x500, s0  }
0x85: {  	s4 =	sand.u32 @!p2 $0x7, s24;
	s2 =	ssub.s32 @!p2 $0x500, s3;
	p3 =	por !p3, p2  }
0x86: {  	s3 =	sshrl.u32 @!p2 s24, $0x3;
	s2 =	sshrl.u32 @!p2 s2, $0x2;
	s0 =	sshrl.u32 @!p2 s0, $0x2  }
0x87: {  	s3 =	sadd.s32 @!p2 s3, s17;
	s2 =	simm.s32 @!p3 $0x0;
	s0 =	sadd.s32 @!p2 $0xA948, s0  }
0x88: {  	[tilespmem:s0], [sflag:$0xA] =	stream.linear.gather @!p2 [hbm4b:s3+s4], s2, $0x38;
	[tilespmem:$0x1EF88] =	vst v63  }
0x89: {  	s0 =	sadd.s32 $0xFFFFFFFF, s25  }
0x8a: {  	p2 =	sge.u32 s0, s15  }
.Ltmp8:
0x8b: {  	_ = 	snop;
	(pc) =	sbr.rel @p2 .LBB3_7-.Ltmp8, $1  }
0x8c: {  	_ =	sdelay $0x3  }
0x8d: {  	p2 =	sgt.s32 s23, $0x61940;
	s2 =	smov.u32 s23;
	s3 =	sshra.s32 s23, $0x1F  }
0x8e: {  	s2 =	simm.s32 @!p2 $0x61940;
	s3 =	sand.u32 s3, s23  }
0x8f: {  	s17 =	smulhi.u32 $0xAAAAAAAB, s21;
	s2 =	ssub.s32 s2, s3  }
0x90: {  	s0 =	sand.u32 $0x1, s0;
	s2 =	sadd.s32 $0xFFF9E6C0, s2  }
0x91: {  	s5 =	simm.s32 $0xA;
	s3 =	sshrl.u32 s17, $0x1;
	s4 =	sshll.u32 s2, $0x2  }
0x92: {  	s7 =	sshrl.u32 s23, $0x3;
	s3 =	smul.u32 $0xFFFFF100, s3;
	s4 =	ssub.s32 $0x500, s4  }
0x93: {  	s18 =	smul.u32 $0x500, s0;
	p2 =	sgt.s32 s2, $0x13F;
	s2 =	sshrl.u32 s4, $0x2  }
0x94: {  	s9 =	sand.u32 $0x7, s23;
	s3 =	sshra.s32 s3, $0x2;
	s2 =	simm.s32 @p2 $0x0  }
0x95: {  	s0 =	sadd.s32 s3, s20;
	s4 =	sshrl.u32 s18, $0x2;
	_ =	swait.ge [sflag:s5], s2  }
0x96: {  	s22 =	ssub.s32 $0x0, s2;
	[sflag:s5] =	ssyncset.done $0x0;
	s8 =	rddreg [dreg:$0x9]  }
0x97: {  	s4 =	sadd.s32 $0xAD08, s4;
	[sflag:s5] =	ssyncadd.s32 s22;
	s3 =	sadd.s32 s7, s8  }
0x98: {  	[tilespmem:s4], [sflag:$0xB] =	stream.linear.gather [hbm4b:s3+s9], s2, $0x38;
	[tilespmem:$0x1EF88] =	vst v63  }
0x99: {  	v1 =	vld.msk [tilespmem:s0+$0x0], $0xffff;
	_ =	sdelay $0x4  }
0x9a: {  	v1 =	vshll.u32 v1, $0x4  }
0x9b: {  	(v2sf) =	vpush v1, $0x0  }
0x9c: {  	(v2sf) =	vpush v1, $0x1  }
0x9d: {  	(v2sf) =	vpush v1, $0x2;
	_ =	sdelay $0x3  }
0x9e: {  	(v2sf) =	vpush v1, $0x3;
	_ =	sdelay $0x1  }
0x9f: {  	(v2sf) =	vpush v1, $0x4  }
0xa0: {  	s2 =	simm.s32 $0x1;
	(v2sf) =	vpush v1, $0x5  }
0xa1: {  	s2 =	simm.s32 @!p0 $0x0  }
0xa2: {  	s2 =	smul.u32 $0x28000, s2;
	(v2sf) =	vpush v1, $0x6;
	_ =	sdelay $0x1  }
0xa3: {  	s2 =	sshrl.u32 s2, $0x2  }
0xa4: {  	s28 =	sadd.s32 $0xB708, s2  }
0xa5: {  	s12 =	sadd.s32 $0xFFFFF880, s28;
	s17 =	sadd.s32 $0xFFFFF900, s28;
	s10 =	spop (v2sf);
	(v2sf) =	vpush v1, $0x7  }
0xa6: {  	s18 =	sadd.s32 $0xFFFFF980, s28;
	s11 =	sand.u32 $0x1FFFFFF0, s10;
	s14 =	spop (v2sf)  }
0xa7: {  	(v2sf) =	vpush v1, $0x8;
	s2 =	sadd.s32 s6, s11;
	s15 =	sand.u32 $0x1FFFFFF0, s14;
	s16 =	spop (v2sf)  }
0xa8: {  	[tilespmem:s12], [sflag:$0x9] =	stream.linear.gather [hbm4b:s2+s19], $0x40, $0x38;
	[tilespmem:$0x1EF88] =	vst v63  }
0xa9: {  	s5 =	sadd.s32 $0xFFFFFA00, s28;
	s2 =	sadd.s32 s6, s15;
	s3 =	sand.u32 $0x1FFFFFF0, s16  }
0xaa: {  	(v2sf) =	vpush v1, $0x9;
	[tilespmem:s17], [sflag:$0x9] =	stream.linear.gather [hbm4b:s2+s19], $0x40, $0x38;
	[tilespmem:$0x1EF88] =	vst v63  }
0xab: {  	s7 =	sadd.s32 $0xFFFFFA80, s28;
	s22 =	spop (v2sf);
	s3 =	sadd.s32 s6, s3  }
0xac: {  	(v2sf) =	vpush v1, $0xA;
	[tilespmem:s18], [sflag:$0x9] =	stream.linear.gather [hbm4b:s3+s19], $0x40, $0x38;
	[tilespmem:$0x1EF88] =	vst v63  }
0xad: {  	s11 =	sadd.s32 $0xFFFFFB00, s28;
	s4 =	spop (v2sf);
	(v2sf) =	vpush v1, $0xB;
	s3 =	sand.u32 $0x1FFFFFF0, s22  }
0xae: {  	s8 =	spop (v2sf);
	s2 =	sadd.s32 s6, s3;
	s3 =	sand.u32 $0x1FFFFFF0, s4  }
0xaf: {  	(v2sf) =	vpush v1, $0xC;
	[tilespmem:s5], [sflag:$0x9] =	stream.linear.gather [hbm4b:s2+s19], $0x40, $0x38;
	[tilespmem:$0x1EF88] =	vst v63  }
0xb0: {  	s9 =	sand.u32 $0x1FFFFFF0, s8;
	s10 =	spop (v2sf);
	s3 =	sadd.s32 s6, s3  }
0xb1: {  	(v2sf) =	vpush v1, $0xD;
	[tilespmem:s7], [sflag:$0x9] =	stream.linear.gather [hbm4b:s3+s19], $0x40, $0x38;
	[tilespmem:$0x1EF88] =	vst v63  }
0xb2: {  	s12 =	sadd.s32 $0xFFFFFB80, s28;
	s2 =	sadd.s32 s6, s9;
	s3 =	sand.u32 $0x1FFFFFF0, s10  }
0xb3: {  	[tilespmem:s11], [sflag:$0x9] =	stream.linear.gather [hbm4b:s2+s19], $0x40, $0x38;
	[tilespmem:$0x1EF88] =	vst v63  }
0xb4: {  	s17 =	sadd.s32 $0xFFFFFC00, s28;
	s3 =	sadd.s32 s6, s3;
	s14 =	spop (v2sf)  }
0xb5: {  	[tilespmem:s12], [sflag:$0x9] =	stream.linear.gather [hbm4b:s3+s19], $0x40, $0x38;
	(v2sf) =	vpush v1, $0xE;
	[tilespmem:$0x1EF88] =	vst v63  }
0xb6: {  	s18 =	sadd.s32 $0xFFFFFC80, s28;
	s15 =	sand.u32 $0x1FFFFFF0, s14;
	s16 =	spop (v2sf)  }
0xb7: {  	s5 =	sadd.s32 $0xFFFFFD00, s28;
	(v2sf) =	vpush v1, $0xF;
	s2 =	sadd.s32 s6, s15;
	s3 =	sand.u32 $0x1FFFFFF0, s16  }
0xb8: {  	[tilespmem:s17], [sflag:$0x9] =	stream.linear.gather [hbm4b:s2+s19], $0x40, $0x38;
	[tilespmem:$0x1EF88] =	vst v63  }
0xb9: {  	s7 =	sadd.s32 $0xFFFFFD80, s28;
	s22 =	spop (v2sf);
	s3 =	sadd.s32 s6, s3  }
0xba: {  	[tilespmem:s18], [sflag:$0x9] =	stream.linear.gather [hbm4b:s3+s19], $0x40, $0x38;
	[tilespmem:$0x1EF88] =	vst v63  }
0xbb: {  	s11 =	sadd.s32 $0xFFFFFE00, s28;
	s4 =	spop (v2sf);
	s3 =	sand.u32 $0x1FFFFFF0, s22  }
0xbc: {  	s8 =	spop (v2sf);
	s2 =	sadd.s32 s6, s3;
	s3 =	sand.u32 $0x1FFFFFF0, s4  }
0xbd: {  	[tilespmem:s5], [sflag:$0x9] =	stream.linear.gather [hbm4b:s2+s19], $0x40, $0x38;
	[tilespmem:$0x1EF88] =	vst v63  }
0xbe: {  	s9 =	sand.u32 $0x1FFFFFF0, s8;
	s10 =	spop (v2sf);
	s3 =	sadd.s32 s6, s3  }
0xbf: {  	[tilespmem:s7], [sflag:$0x9] =	stream.linear.gather [hbm4b:s3+s19], $0x40, $0x38;
	[tilespmem:$0x1EF88] =	vst v63  }
0xc0: {  	s14 =	spop (v2sf);
	s2 =	sadd.s32 s6, s9;
	s3 =	sand.u32 $0x1FFFFFF0, s10  }
0xc1: {  	[tilespmem:s11], [sflag:$0x9] =	stream.linear.gather [hbm4b:s2+s19], $0x40, $0x38;
	[tilespmem:$0x1EF88] =	vst v63  }
0xc2: {  	s12 =	sadd.s32 $0xFFFFFE80, s28;
	s15 =	sand.u32 $0x1FFFFFF0, s14;
	s3 =	sadd.s32 s6, s3  }
0xc3: {  	[tilespmem:s12], [sflag:$0x9] =	stream.linear.gather [hbm4b:s3+s19], $0x40, $0x38;
	[tilespmem:$0x1EF88] =	vst v63  }
0xc4: {  	s17 =	sadd.s32 $0xFFFFFF00, s28;
	s2 =	sadd.s32 s6, s15;
	s16 =	spop (v2sf)  }
0xc5: {  	[tilespmem:s17], [sflag:$0x9] =	stream.linear.gather [hbm4b:s2+s19], $0x40, $0x38;
	[tilespmem:$0x1EF88] =	vst v63  }
0xc6: {  	s29 =	simm.s32 $0x0;
	s3 =	sand.u32 $0x1FFFFFF0, s16;
	s18 =	spop (v2sf)  }
0xc7: {  	s22 =	sadd.s32 $0xFFFFFF80, s28;
	s3 =	sadd.s32 s6, s3;
	s2 =	sand.u32 $0x1FFFFFF0, s18  }
0xc8: {  	[tilespmem:s22], [sflag:$0x9] =	stream.linear.gather [hbm4b:s3+s19], $0x40, $0x38;
	[tilespmem:$0x1EF88] =	vst v63  }
0xc9: {  	s31 =	sadd.s32 $0x10, s0;
	s30 =	sadd.s32 $0x800, s28;
	s2 =	sadd.s32 s6, s2  }
.LBB3_5:
0xca: {  	[tilespmem:s28], [sflag:$0x9] =	stream.linear.gather [hbm4b:s2+s19], $0x40, $0x38;
	[tilespmem:$0x1EF88] =	vst v63  }
0xcb: {  	s29 =	sadd.s32 $0x10, s29;
	s28 =	smov.u32 s30  }
0xcc: {  	p2 =	slt.u32 s29, $0x130;
	v1 =	vld.msk [tilespmem:s31+$0x0], $0xffff;
	_ =	sdelay $0x4  }
0xcd: {  	v1 =	vshll.u32 v1, $0x4  }
0xce: {  	(v2sf) =	vpush v1, $0x0  }
0xcf: {  	(v2sf) =	vpush v1, $0x1  }
0xd0: {  	(v2sf) =	vpush v1, $0x2;
	_ =	sdelay $0x1  }
0xd1: {  	(v2sf) =	vpush v1, $0x3;
	_ =	sdelay $0x1  }
0xd2: {  	(v2sf) =	vpush v1, $0x4;
	_ =	sdelay $0x1  }
0xd3: {  	(v2sf) =	vpush v1, $0x5;
	_ =	sdelay $0x1  }
0xd4: {  	(v2sf) =	vpush v1, $0x6  }
0xd5: {  	s4 =	sadd.s32 $0xFFFFFE80, s30;
	s0 =	sadd.s32 $0xFFFFFF00, s30  }
0xd6: {  	s3 =	sadd.s32 $0xFFFFFD00, s30;
	s2 =	sadd.s32 $0xFFFFFD80, s30;
	s5 =	sadd.s32 $0xFFFFFE00, s30;
	(v2sf) =	vpush v1, $0x7  }
0xd7: {  	s10 =	sadd.s32 $0xFFFFFB80, s30;
	s9 =	sadd.s32 $0xFFFFFC00, s30;
	s16 =	sadd.s32 $0xFFFFFC80, s30  }
0xd8: {  	s11 =	sadd.s32 $0xFFFFFA00, s30;
	s12 =	sadd.s32 $0xFFFFFA80, s30;
	s15 =	sadd.s32 $0xFFFFFB00, s30;
	(v2sf) =	vpush v1, $0x8  }
0xd9: {  	s18 =	sadd.s32 $0xFFFFF900, s30;
	s7 =	sadd.s32 $0xFFFFF980, s30;
	s22 =	spop (v2sf)  }
0xda: {  	s8 =	sadd.s32 $0xFFFFF880, s30;
	s22 =	sand.u32 $0x1FFFFFF0, s22;
	s14 =	spop (v2sf);
	(v2sf) =	vpush v1, $0x9  }
0xdb: {  	s22 =	sadd.s32 s6, s22;
	s14 =	sand.u32 $0x1FFFFFF0, s14;
	s17 =	spop (v2sf)  }
0xdc: {  	[tilespmem:s8], [sflag:$0x9] =	stream.linear.gather [hbm4b:s22+s19], $0x40, $0x38;
	(v2sf) =	vpush v1, $0xA;
	[tilespmem:$0x1EF88] =	vst v63  }
0xdd: {  	s8 =	sadd.s32 s6, s14;
	s14 =	sand.u32 $0x1FFFFFF0, s17;
	s17 =	spop (v2sf)  }
0xde: {  	[tilespmem:s18], [sflag:$0x9] =	stream.linear.gather [hbm4b:s8+s19], $0x40, $0x38;
	(v2sf) =	vpush v1, $0xB;
	[tilespmem:$0x1EF88] =	vst v63  }
0xdf: {  	s8 =	sadd.s32 s6, s14;
	s14 =	sand.u32 $0x1FFFFFF0, s17;
	s17 =	spop (v2sf)  }
0xe0: {  	[tilespmem:s7], [sflag:$0x9] =	stream.linear.gather [hbm4b:s8+s19], $0x40, $0x38;
	(v2sf) =	vpush v1, $0xC;
	[tilespmem:$0x1EF88] =	vst v63  }
0xe1: {  	s7 =	sadd.s32 s6, s14;
	s8 =	sand.u32 $0x1FFFFFF0, s17;
	s14 =	spop (v2sf)  }
0xe2: {  	[tilespmem:s11], [sflag:$0x9] =	stream.linear.gather [hbm4b:s7+s19], $0x40, $0x38;
	(v2sf) =	vpush v1, $0xD;
	[tilespmem:$0x1EF88] =	vst v63  }
0xe3: {  	s7 =	sadd.s32 s6, s8;
	s8 =	sand.u32 $0x1FFFFFF0, s14;
	s11 =	spop (v2sf)  }
0xe4: {  	[tilespmem:s12], [sflag:$0x9] =	stream.linear.gather [hbm4b:s7+s19], $0x40, $0x38;
	(v2sf) =	vpush v1, $0xE;
	[tilespmem:$0x1EF88] =	vst v63  }
0xe5: {  	s7 =	sadd.s32 s6, s8;
	s8 =	sand.u32 $0x1FFFFFF0, s11;
	s11 =	spop (v2sf)  }
0xe6: {  	[tilespmem:s15], [sflag:$0x9] =	stream.linear.gather [hbm4b:s7+s19], $0x40, $0x38;
	(v2sf) =	vpush v1, $0xF;
	[tilespmem:$0x1EF88] =	vst v63  }
0xe7: {  	s7 =	sadd.s32 s6, s8;
	s8 =	sand.u32 $0x1FFFFFF0, s11;
	s11 =	spop (v2sf)  }
0xe8: {  	[tilespmem:s10], [sflag:$0x9] =	stream.linear.gather [hbm4b:s7+s19], $0x40, $0x38;
	[tilespmem:$0x1EF88] =	vst v63  }
0xe9: {  	s7 =	sadd.s32 s6, s8;
	s8 =	sand.u32 $0x1FFFFFF0, s11;
	s10 =	spop (v2sf)  }
0xea: {  	[tilespmem:s9], [sflag:$0x9] =	stream.linear.gather [hbm4b:s7+s19], $0x40, $0x38;
	[tilespmem:$0x1EF88] =	vst v63  }
0xeb: {  	s7 =	sadd.s32 s6, s8;
	s8 =	sand.u32 $0x1FFFFFF0, s10;
	s9 =	spop (v2sf)  }
0xec: {  	[tilespmem:s16], [sflag:$0x9] =	stream.linear.gather [hbm4b:s7+s19], $0x40, $0x38;
	[tilespmem:$0x1EF88] =	vst v63  }
0xed: {  	s7 =	sadd.s32 s6, s8;
	s8 =	sand.u32 $0x1FFFFFF0, s9;
	s9 =	spop (v2sf)  }
0xee: {  	[tilespmem:s3], [sflag:$0x9] =	stream.linear.gather [hbm4b:s7+s19], $0x40, $0x38;
	[tilespmem:$0x1EF88] =	vst v63  }
0xef: {  	s3 =	sadd.s32 s6, s8;
	s7 =	sand.u32 $0x1FFFFFF0, s9;
	s8 =	spop (v2sf)  }
0xf0: {  	[tilespmem:s2], [sflag:$0x9] =	stream.linear.gather [hbm4b:s3+s19], $0x40, $0x38;
	[tilespmem:$0x1EF88] =	vst v63  }
0xf1: {  	s2 =	sadd.s32 s6, s7;
	s3 =	sand.u32 $0x1FFFFFF0, s8;
	s7 =	spop (v2sf)  }
0xf2: {  	[tilespmem:s5], [sflag:$0x9] =	stream.linear.gather [hbm4b:s2+s19], $0x40, $0x38;
	[tilespmem:$0x1EF88] =	vst v63  }
0xf3: {  	s2 =	sadd.s32 s6, s3;
	s3 =	sand.u32 $0x1FFFFFF0, s7;
	s5 =	spop (v2sf)  }
0xf4: {  	[tilespmem:s4], [sflag:$0x9] =	stream.linear.gather [hbm4b:s2+s19], $0x40, $0x38;
	[tilespmem:$0x1EF88] =	vst v63  }
0xf5: {  	s2 =	sadd.s32 s6, s3  }
.Ltmp9:
0xf6: {  	s3 =	sand.u32 $0x1FFFFFF0, s5;
	s4 =	spop (v2sf);
	(pc) =	sbr.rel @p2 .LBB3_5-.Ltmp9, $4  }
0xf7: {  	[tilespmem:s0], [sflag:$0x9] =	stream.linear.gather [hbm4b:s2+s19], $0x40, $0x38;
	[tilespmem:$0x1EF88] =	vst v63  }
0xf8: {  	s0 =	sadd.s32 s6, s3;
	s2 =	sadd.s32 $0xFFFFFF80, s30;
	s3 =	sand.u32 $0x1FFFFFF0, s4  }
0xf9: {  	[tilespmem:s2], [sflag:$0x9] =	stream.linear.gather [hbm4b:s0+s19], $0x40, $0x38;
	[tilespmem:$0x1EF88] =	vst v63  }
0xfa: {  	s31 =	sadd.s32 $0x10, s31;
	s30 =	sadd.s32 $0x800, s30;
	s2 =	sadd.s32 s6, s3  }
0xfb: {  	[tilespmem:s28], [sflag:$0x9] =	stream.linear.gather [hbm4b:s2+s19], $0x40, $0x38;
	[tilespmem:$0x1EF88] =	vst v63  }
0xfc: {  	s12 =	rddreg [dreg:$0x5]  }
0xfd: {  	s14 =	rddreg [dreg:$0x6]  }
0xfe: {  	s15 =	rddreg [dreg:$0x7]  }
0xff: {  	s17 =	rddreg [dreg:$0x8]  }
0x100: {  	s18 =	rddreg [dreg:$0xa]  }
0x101: {  	s22 =	rddreg [dreg:$0xb]  }
.LBB3_7:
0x102: {  	p2 =	slt.u32 s25, $0x2  }
.Ltmp10:
0x103: {  	_ = 	snop;
	(pc) =	sbr.rel @p2 .LBB3_25-.Ltmp10, $1  }
0x104: {  	_ =	sdelay $0x3  }
0x105: {  	p2 =	sgt.s32 s26, $0x61940;
	s0 =	smov.u32 s26;
	s2 =	sshra.s32 s26, $0x1F  }
0x106: {  	s0 =	simm.s32 @!p2 $0x61940;
	s2 =	sand.u32 s2, s26  }
0x107: {  	s0 =	ssub.s32 s0, s2  }
0x108: {  	s0 =	sadd.s32 $0xFFF9E6C0, s0  }
0x109: {  	s3 =	simm.s32 $0x9;
	s29 =	sshll.u32 s0, $0x2  }
0x10a: {  	_ =	swait.ge [sflag:s3], $0x5000;
	s2 =	ssub.s32 $0x500, s29  }
0x10b: {  	[sflag:s3] =	ssyncset.done $0x0;
	p2 =	sgt.s32 s0, $0x13F;
	s0 =	sshrl.u32 s2, $0x2  }
0x10c: {  	s30 =	simm.s32 $0xB;
	[sflag:s3] =	ssyncadd.s32 $0xFFFFB000;
	s0 =	simm.s32 @p2 $0x0  }
0x10d: {  	_ =	swait.ge [sflag:s30], s0  }
0x10e: {  	s0 =	ssub.s32 $0x0, s0;
	[sflag:s30] =	ssyncset.done $0x0  }
0x10f: {  	[sflag:s30] =	ssyncadd.s32 s0  }
0x110: {  	v1 =	vld [tilespmem:$0xA108];
	_ =	sdelay $0x4  }
0x111: {  	(v2sf) =	vpush v1, $0x0  }
0x112: {  	(v2sf) =	vpush v1, $0x1  }
0x113: {  	(v2sf) =	vpush v1, $0x2;
	_ =	sdelay $0x3  }
0x114: {  	s0 =	sadd.s32 $0x140, s26  }
0x115: {  	s4 =	ssub.s32 $0xC3500, s26;
	p2 =	slt.s32 s14, s0  }
0x116: {  	s0 =	smov.u32 @p2 s14;
	p2 =	sgt.s32 s4, $0x0  }
0x117: {  	s0 =	ssub.s32 s0, s26;
	s4 =	simm.s32 @!p2 $0x0  }
0x118: {  	p2 =	slt.s32 s4, s0  }
0x119: {  	s0 =	smov.u32 @p2 s4  }
0x11a: {  	s2 =	simm.s32 $0x1;
	p2 =	slt.s32 s0, $0x1  }
.Ltmp11:
0x11b: {  	s2 =	simm.s32 @!p1 $0x0;
	(pc) =	sbr.rel @p2 .LBB3_12-.Ltmp11, $4  }
0x11c: {  	s7 =	smul.u32 $0x500, s2  }
0x11d: {  	s3 =	spop (v2sf)  }
0x11e: {  	s31 =	sshrl.u32 s7, $0x2;
	s5 =	spop (v2sf)  }
0x11f: {  	s28 =	sadd.s32 $0xAD08, s31;
	s26 =	spop (v2sf)  }
0x120: {  	s4 =	smin.u32 s0, $0x10  }
0x121: {  	v1 =	vmov s4  }
0x122: {  	p3 =	sgt.s32 s0, $0x10;
	vm1 =	vgt.u32 v1, v0  }
.Ltmp12:
0x123: {  	_ = 	snop;
	(pc) =	sbr.rel @!p3 .LBB3_11-.Ltmp12, $2  }
0x124: {  	_ =	sdelay $0x2  }
0x125: {  	s9 =	simm.s32 $0x10;
	s10 =	sadd.s32 $0xFFFFFFF0, s0;
	s4 =	smov.u32 s28;
	vm0 =	vmmov vm1  }
.LBB3_10:
0x126: {  	s7 =	smin.u32 s10, $0x10;
	s9 =	sadd.s32 $0x10, s9;
	v1 =	vld.msk [tilespmem:s4+$0x0 ss:$0x1], vm1  }
0x127: {  	v2 =	vmov s7;
	p3 =	slt.s32 s9, s0  }
0x128: {  	vm1 =	vgt.u32 v2, v0  }
.Ltmp13:
0x129: {  	(pc) =	sbr.rel @p3 .LBB3_10-.Ltmp13, $3  }
0x12a: {  	_ =	sdelay $0x1  }
0x12b: {  	v1 =	vshll.u32 v1, $0x4  }
0x12c: {  	s10 =	sadd.s32 $0xFFFFFFF0, s10;
	[tilespmem:s4+$0x0] =	vst.msk vm0, v1;
	s4 =	sadd.s32 $0x10, s4;
	vm0 =	vmmov vm1  }
.LBB3_11:
0x12d: {  	_ =	sdelay $0x4  }
0x12e: {  	v1 =	vld.msk [tilespmem:s4+$0x0 ss:$0x1], vm1;
	_ =	sdelay $0x4  }
0x12f: {  	v1 =	vshll.u32 v1, $0x4  }
0x130: {  	[tilespmem:s4+$0x0] =	vst.msk vm0, v1  }
.LBB3_12:
0x131: {  	s4 =	sand.u32 $0x1, s25  }
0x132: {  	s4 =	smul.u32 $0x140, s4  }
0x133: {  	p3 =	sne.s32 s5, $0xFFFFFFFF  }
0x134: {  	v1 =	vld.msk @!p3 [tilespmem:s4+$0xAD08], $0x1;
	_ =	sdelay $0x4  }
0x135: {  	(v2sf) =	vpush @!p3 v1, $0x0;
	_ =	sdelay $0xc  }
.Ltmp14:
0x136: {  	_ = 	snop;
	(pc) =	sbr.rel @p2 .LBB3_23-.Ltmp14, $4  }
0x137: {  	_ = 	snop  }
0x138: {  	s29 =	spop @!p3 (v2sf)  }
0x139: {  	s31 =	simm.s32 $0xC;
	s26 =	simm.s32 @!p3 $0x0;
	s4 =	smov.u32 s29  }
0x13a: {  	[sflag:s31] =	ssyncpa.u1 $0x0;
	s29 =	smov.u32 @p3 s3;
	s4 =	smov.u32 @p3 s5  }
0x13b: {  	v1 =	vld.msk [tilespmem:s28+$0x0], $0x1;
	_ =	sdelay $0x4  }
0x13c: {  	(v2sf) =	vpush v1, $0x0;
	_ =	sdelay $0xe  }
0x13d: {  	s2 =	smul.u32 $0x28000, s2;
	s5 =	spop (v2sf)  }
0x13e: {  	s31 =	ssub.s32 $0x0, s0;
	p2 =	seq.s32 s29, s5  }
0x13f: {  	s3 =	smov.u32 s29;
	s2 =	sshrl.u32 s2, $0x2;
	p3 =	sgt.s32 @!p2 s29, $0x0  }
0x140: {  	s30 =	sadd.s32 $0xAFA8, s2;
	s2 =	sadd.s32 $0x1, s31;
	p3 =	por !p3, p2  }
0x141: {  	s3 =	simm.s32 @p3 $0x0;
	p3 =	seq.s32 s2, $0x0  }
.Ltmp15:
0x142: {  	_ = 	snop;
	(pc) =	sbr.rel @p3 .LBB3_15-.Ltmp15, $4  }
0x143: {  	_ = 	snop  }
0x144: {  	s0 =	simm.s32 $0x0;
	s9 =	simm.s32 @!p2 $0x1;
	s3 =	smin.u32 @!p2 s3, $0xC3FF8  }
0x145: {  	s10 =	simm.s32 @!p2 $0x50C8;
	s9 =	smov.u32 @p2 s0;
	s7 =	sand.u32 @!p2 $0xFFFF8, s3  }
0x146: {  	s16 =	sand.u32 @!p2 $0x7, s3;
	s3 =	sadd.s32 $0x1, s28;
	s11 =	sadd.s32 @!p2 s1, s7  }
.LBB3_14:
0x147: {  	s7 =	smov.u32 s9  }
0x148: {  	[tilespmem:s10], [sflag:$0x2] =	stream.linear.gather @!p2 [hbm4b:s11+s16], $0x40, $0x38;
	[tilespmem:$0x1EF88] =	vst v63  }
0x149: {  	s2 =	sadd.s32 $0x1, s2;
	s8 =	smov.u32 s5;
	v1 =	vld.msk [tilespmem:s3+$0x0], $0x1  }
0x14a: {  	p3 =	seq.s32 s2, $0x0;
	_ =	sdelay $0x3  }
0x14b: {  	(v2sf) =	vpush v1, $0x0;
	_ =	sdelay $0xe  }
0x14c: {  	s5 =	spop (v2sf)  }
0x14d: {  	p2 =	seq.s32 s8, s5  }
0x14e: {  	p4 =	sgt.s32 @!p2 s8, $0x0;
	s10 =	sshll.u32 @!p2 s9, $0x8;
	s9 =	sadd.s32 @!p2 $0x1, s9  }
.Ltmp16:
0x14f: {  	p4 =	por !p4, p2;
	s10 =	sshra.s32 @!p2 s10, $0x2;
	(pc) =	sbr.rel @!p3 .LBB3_14-.Ltmp16, $4  }
0x150: {  	s9 =	smov.u32 @p2 s7;
	s8 =	simm.s32 @p4 $0x0;
	s10 =	sadd.s32 @!p2 $0x50C8, s10  }
0x151: {  	s7 =	smin.u32 @!p2 s8, $0xC3FF8  }
0x152: {  	s8 =	sand.u32 @!p2 $0xFFFF8, s7;
	s16 =	sand.u32 @!p2 $0x7, s7  }
0x153: {  	s3 =	sadd.s32 $0x1, s3;
	s11 =	sadd.s32 @!p2 s1, s8  }
.LBB3_15:
0x154: {  	[tilespmem:s10], [sflag:$0x2] =	stream.linear.gather @!p2 [hbm4b:s11+s16], $0x40, $0x38;
	[tilespmem:$0x1EF88] =	vst v63  }
.Ltmp17:
0x155: {  	s2 =	sshll.u32 s9, $0x6;
	(pc) =	sbr.rel .LBB3_16-.Ltmp17, $4  }
0x156: {  	s3 =	simm.s32 $0x2;
	s2 =	sand.u32 $0x3FFFFFC0, s2  }
0x157: {  	_ =	swait.ge [sflag:s3], s2  }
0x158: {  	s2 =	ssub.s32 $0x0, s2;
	[sflag:s3] =	ssyncset.done $0x0  }
0x159: {  	[sflag:s3] =	ssyncadd.s32 s2;
	s3 =	simm.s32 $0x0  }
.LBB3_17:
0x15a: {  	v1 =	vld [tilespmem:s30+$0xFFFFFFE0];
	_ =	sdelay $0x4  }
0x15b: {  	[tilespmem:s5+$0x88] =	vst.add.f32.msk $0xffff, v1  }
0x15c: {  	v1 =	vld [tilespmem:s30+$0xFFFFFFF0];
	_ =	sdelay $0x4  }
0x15d: {  	[tilespmem:s5+$0x98] =	vst.add.f32.msk $0xffff, v1  }
0x15e: {  	v1 =	vld [tilespmem:s30+$0x0];
	_ =	sdelay $0x4  }
0x15f: {  	[tilespmem:s5+$0xA8] =	vst.add.f32.msk $0xffff, v1  }
0x160: {  	v1 =	vld [tilespmem:s30+$0x10];
	_ =	sdelay $0x4  }
0x161: {  	[tilespmem:s5+$0xB8] =	vst.add.f32.msk $0xffff, v1  }
.LBB3_21:
0x162: {  	s31 =	sadd.s32 $0x1, s31  }
0x163: {  	p2 =	seq.s32 s31, $0x0  }
.Ltmp18:
0x164: {  	_ = 	snop;
	(pc) =	sbr.rel @p2 .LBB3_22-.Ltmp18, $2  }
0x165: {  	_ =	sdelay $0x2  }
0x166: {  	s30 =	sadd.s32 $0x80, s30;
	s28 =	sadd.s32 $0x1, s28;
	s29 =	smov.u32 s2  }
.LBB3_16:
0x167: {  	v1 =	vld.msk [tilespmem:s28+$0x0], $0x1;
	_ =	sdelay $0x4  }
0x168: {  	(v2sf) =	vpush v1, $0x0;
	_ =	sdelay $0xe  }
0x169: {  	s2 =	spop (v2sf)  }
0x16a: {  	p2 =	sne.s32 s29, s2  }
.Ltmp19:
0x16b: {  	_ = 	snop;
	(pc) =	sbr.rel @!p2 .LBB3_17-.Ltmp19, $3  }
0x16c: {  	_ =	sdelay $0x1  }
0x16d: {  	s5 =	sshll.u32 s26, $0x8  }
0x16e: {  	s5 =	sshra.s32 s5, $0x2  }
0x16f: {  	p2 =	seq.s32 s29, s4  }
.Ltmp20:
0x170: {  	_ = 	snop;
	(pc) =	sbr.rel @!p2 .LBB3_19-.Ltmp20, $1  }
0x171: {  	_ =	sdelay $0x3  }
.Ltmp21:
0x172: {  	s5 =	sadd.s32 $0x88, s5;
	(pc) =	sbr.rel .LBB3_20-.Ltmp21, $4  }
0x173: {  	[spmem:s18] =	stream.linear.scatter [tilespmem:s5], [sflag:$0x1], $0x40, $0x38;
	[tilespmem:$0x1EF88] =	vst v63  }
0x174: {  	_ =	swait.ge [sflag:s13], $0x40  }
0x175: {  	[sflag:s13] =	ssyncset.done $0x0  }
0x176: {  	[sflag:s13] =	ssyncadd.s32 $0xFFFFFFC0  }
.LBB3_19:
0x177: {  	s7 =	sshll.u32 s0, $0x8  }
0x178: {  	s7 =	sshra.s32 s7, $0x2  }
0x179: {  	v1 =	vld [tilespmem:s7+$0x50C8];
	_ =	sdelay $0x4  }
0x17a: {  	[tilespmem:s5+$0x88] =	vst.add.f32.msk $0xffff, v1  }
0x17b: {  	v1 =	vld [tilespmem:s7+$0x50D8];
	_ =	sdelay $0x4  }
0x17c: {  	[tilespmem:s5+$0x98] =	vst.add.f32.msk $0xffff, v1  }
0x17d: {  	v1 =	vld [tilespmem:s7+$0x50E8];
	_ =	sdelay $0x4  }
0x17e: {  	[tilespmem:s5+$0xA8] =	vst.add.f32.msk $0xffff, v1  }
0x17f: {  	v1 =	vld [tilespmem:s7+$0x50F8];
	_ =	sdelay $0x2  }
0x180: {  	p2 =	sgt.u32 s29, $0xC3FF8  }
0x181: {  	s7 =	sand.u32 @!p2 $0xFFFF8, s29  }
0x182: {  	s8 =	sadd.s32 $0x88, s5;
	[tilespmem:s5+$0xB8] =	vst.add.f32.msk $0xffff, v1;
	s5 =	sadd.s32 @!p2 s1, s7;
	s7 =	sand.u32 @!p2 $0x7, s29  }
0x183: {  	[hbm4b:s5+s7] =	stream.linear.scatter @!p2 [tilespmem:s8], [sflag:$0xC], $0x40, $0x38;
	[tilespmem:$0x1EF88] =	vst v63  }
0x184: {  	s5 =	simm.s32 $0x0  }
0x185: {  	s5 =	simm.s32 @!p2 $0x100  }
0x186: {  	s3 =	sadd.s32 s5, s3  }
.LBB3_20:
0x187: {  	s5 =	sadd.s32 $0x1, s26  }
0x188: {  	s7 =	smulhi.u32 $0xCCCCCCCD, s5;
	_ =	sdelay $0x1  }
0x189: {  	v1 =	vld [tilespmem:s30+$0xFFFFFFE0];
	s7 =	sshrl.u32 s7, $0x8  }
0x18a: {  	s7 =	smul.u32 $0x140, s7;
	_ =	sdelay $0x1  }
0x18b: {  	s26 =	ssub.s32 s5, s7  }
0x18c: {  	s5 =	sshll.u32 s26, $0x6  }
0x18d: {  	[tilespmem:s5+$0x88] =	vst v1  }
0x18e: {  	v1 =	vld [tilespmem:s30+$0xFFFFFFF0];
	_ =	sdelay $0x4  }
0x18f: {  	[tilespmem:s5+$0x98] =	vst v1  }
0x190: {  	v1 =	vld [tilespmem:s30+$0x0];
	_ =	sdelay $0x4  }
0x191: {  	[tilespmem:s5+$0xA8] =	vst v1  }
0x192: {  	v1 =	vld [tilespmem:s30+$0x10]  }
.Ltmp22:
0x193: {  	_ = 	snop;
	(pc) =	sbr.rel .LBB3_21-.Ltmp22, $2  }
0x194: {  	_ =	sdelay $0x2  }
0x195: {  	s0 =	sadd.s32 $0x1, s0;
	[tilespmem:s5+$0xB8] =	vst v1  }
.LBB3_23:
.Ltmp23:
0x196: {  	(pc) =	sbr.rel .LBB3_24-.Ltmp23, $4  }
0x197: {  	_ = 	snop  }
0x198: {  	s0 =	simm.s32 $0x2  }
0x199: {  	_ =	swait.ge [sflag:s0], $0x0  }
0x19a: {  	s2 =	smov.u32 s29;
	[sflag:s0] =	ssyncset.done $0x0;
	s0 =	simm.s32 $0x0  }
.LBB3_26:
0x19b: {  	_ =	sfence.sel $0x180000  }
0x19c: {  	s0 =	simm.s32 $0x9;
	[bflag:$0x0] =	sbarrier.arrive $0xFFFF  }
0x19d: {  	s24 =	simm.s32 $0xA;
	[sflag:s0] =	ssyncpa.u1 $0x1  }
0x19e: {  	s25 =	simm.s32 $0xB;
	[sflag:s24] =	ssyncpa.u1 $0x1  }
0x19f: {  	s26 =	simm.s32 $0x2;
	[sflag:s25] =	ssyncpa.u1 $0x1  }
0x1a0: {  	[sflag:s26] =	ssyncpa.u1 $0x1  }
0x1a1: {  	v0 =	vld [tilespmem:$0xA108];
	_ =	sdelay $0x4  }
0x1a2: {  	(v2sf) =	vpush v0, $0x0  }
0x1a3: {  	(v2sf) =	vpush v0, $0x1;
	_ =	sdelay $0x1  }
0x1a4: {  	(v2sf) =	vpush v0, $0x2;
	_ =	sdelay $0xb  }
0x1a5: {  	s0 =	spop (v2sf)  }
0x1a6: {  	s2 =	spop (v2sf)  }
0x1a7: {  	s3 =	smov.u32 s0;
	p0 =	sne.s32 s0, s2  }
0x1a8: {  	s4 =	spop (v2sf);
	s3 =	simm.s32 @!p0 $0xFFFFFFFF  }
0x1a9: {  	v2 =	vimm.s32 $0x1;
	v3 =	vlaneseq.u32;
	p0 =	seq.s32 s4, $0xFFFFFFFF;
	v1 =	vmov s3  }
0x1aa: {  	s14 =	stileid.u32;
	v0 =	vperm.xlane v0, v2;
	p1 =	sne.s32 @!p0 s0, s2;
	v1 =	vperm.xlane v1, v3  }
0x1ab: {  	vm0 =	vcmask $0x3F04;
	s6 =	simm.s32 $0xA108;
	s0 =	simm.s32 @!p0 $0x1;
	p1 =	por !p1, p0  }
0x1ac: {  	s3 =	sshll.u32 s14, $0x1;
	s2 =	sshll.u32 @!p0 s4, $0x8;
	s0 =	simm.s32 @p1 $0x0;
	v0 =	vsel vm0, v1, v0  }
0x1ad: {  	s5 =	sor.u32 $0x800, s3;
	s2 =	sshra.s32 @!p0 s2, $0x2;
	s0 =	sor.u32 @!p0 s0, s3;
	[tilespmem:$0xA108] =	vst v0  }
0x1ae: {  	[spmem:s5] =	stream.linear.scatter [tilespmem:s6], [sflag:$0x1], $0x2, $0x38;
	[tilespmem:$0x1EF88] =	vst v63  }
0x1af: {  	s2 =	sadd.s32 @!p0 $0x88, s2;
	s0 =	sshll.u32 @!p0 s0, $0x6  }
0x1b0: {  	[spmem:s0] =	stream.linear.scatter @!p0 [tilespmem:s2], [sflag:$0x1], $0x40, $0x38;
	[tilespmem:$0x1EF88] =	vst v63  }
0x1b1: {  	s0 =	simm.s32 @!p0 $0x42  }
0x1b2: {  	s28 =	simm.s32 $0x1;
	s0 =	simm.s32 @p0 $0x2  }
0x1b3: {  	_ =	swait.ge [sflag:s28], s0  }
0x1b4: {  	s0 =	ssub.s32 $0x0, s0;
	[sflag:s28] =	ssyncset.done $0x0  }
0x1b5: {  	p0 =	sne.s32 s14, $0x0;
	[sflag:s28] =	ssyncadd.s32 s0  }
.Ltmp24:
0x1b6: {  	_ =	sfence.stream.spmem;
	(pc) =	sbr.rel @p0 .LBB3_43-.Ltmp24, $4  }
0x1b7: {  	s29 =	simm.s32 $0x3;
	[bflag:$0x0] =	sbarrier.arrive $0xFFFF  }
0x1b8: {  	s30 =	simm.s32 $0x4;
	[sflag:s29] =	ssyncpa.u1 $0x1  }
0x1b9: {  	s31 =	simm.s32 $0x3C;
	[sflag:s30] =	ssyncpa.u1 $0x1  }
0x1ba: {  	s13 =	rddreg [dreg:$0x4];
	[sflag:s31] =	ssyncpa.u1 $0x1  }
0x1bb: {  	_ =	sfence.stream.spmem;
	s0 =	simm.s32 $0x5  }
0x1bc: {  	s2 =	simm.s32 $0x800;
	s3 =	simm.s32 $0xA118;
	[sflag:s0] =	ssyncpa.u1 $0x0  }
0x1bd: {  	[tilespmem:s3], [sflag:$0x5] =	stream.linear.gather [spmem:s2], $0x20, $0x38;
	[tilespmem:$0x1EF88] =	vst v63  }
0x1be: {  	s26 =	simm.s32 $0x0;
	s28 =	simm.s32 $0xA138  }
0x1bf: {  	[tilespmem:s28], [sflag:$0x5] =	stream.linear.gather [spmem:s26], $0x800, $0x38;
	[tilespmem:$0x1EF88] =	vst v63  }
0x1c0: {  	_ =	swait.ge [sflag:s0], $0x820  }
0x1c1: {  	[sflag:s0] =	ssyncset.done $0x0  }
0x1c2: {  	s29 =	simm.s32 $0x0;
	[sflag:s0] =	ssyncadd.s32 $0xFFFFF7E0  }
0x1c3: {  	v0 =	vld.msk [tilespmem:s29+$0xA118], $0x1;
	_ =	sdelay $0x1  }
0x1c4: {  	s30 =	simm.s32 $0x1  }
0x1c5: {  	v1 =	vld.msk [tilespmem:s30+$0xA118], $0x1;
	_ =	sdelay $0x1  }
0x1c6: {  	(v2sf) =	vpush v0, $0x0;
	_ =	sdelay $0x2  }
0x1c7: {  	(v2sf) =	vpush v1, $0x0;
	_ =	sdelay $0x2  }
0x1c8: {  	s31 =	simm.s32 $0x2  }
0x1c9: {  	v0 =	vld.msk [tilespmem:s31+$0xA118], $0x1;
	_ =	sdelay $0x2  }
0x1ca: {  	s2 =	simm.s32 $0xFFFFFFFF;
	s3 =	simm.s32 $0xFFFFFFFF;
	s0 =	simm.s32 $0xC  }
.LBB3_28:
0x1cb: {  	s4 =	smov.u32 s3;
	s5 =	smov.u32 s2  }
0x1cc: {  	s2 =	sshra.s32 s0, $0x2;
	p1 =	sne.s32 s0, $0x7C;
	s0 =	sadd.s32 $0x4, s0;
	(v2sf) =	vpush v0, $0x0  }
0x1cd: {  	v0 =	vld.msk [tilespmem:s2+$0xA118], $0x1  }
.Ltmp25:
0x1ce: {  	(pc) =	sbr.rel @p1 .LBB3_28-.Ltmp25, $4  }
0x1cf: {  	s3 =	spop (v2sf)  }
0x1d0: {  	p2 =	sne.s32 s5, $0xFFFFFFFF;
	s2 =	smov.u32 s3  }
0x1d1: {  	p3 =	seq.s32 s3, $0xFFFFFFFF;
	s2 =	smov.u32 @p2 s5  }
0x1d2: {  	s3 =	smov.u32 @p3 s4;
	s2 =	smov.u32 @p3 s5  }
0x1d3: {  	(v2sf) =	vpush v0, $0x0;
	_ =	sdelay $0x8  }
0x1d4: {  	s0 =	spop (v2sf)  }
0x1d5: {  	p1 =	sne.s32 s2, $0xFFFFFFFF;
	s4 =	smov.u32 s0  }
0x1d6: {  	s6 =	simm.s32 $0x0;
	p2 =	seq.s32 s0, $0xFFFFFFFF;
	s4 =	smov.u32 @p1 s2  }
0x1d7: {  	s9 =	simm.s32 $0xA0C8;
	s4 =	smov.u32 @p2 s2;
	s2 =	spop (v2sf)  }
0x1d8: {  	s0 =	smov.u32 @p2 s3;
	p1 =	sne.s32 s4, $0xFFFFFFFF;
	s5 =	smov.u32 s2  }
.Ltmp26:
0x1d9: {  	p2 =	seq.s32 s2, $0xFFFFFFFF;
	s5 =	smov.u32 @p1 s4;
	(pc) =	sbr.rel .LBB3_30-.Ltmp26, $4  }
0x1da: {  	s10 =	simm.s32 $0x0;
	s5 =	smov.u32 @p2 s4;
	s7 =	spop (v2sf)  }
0x1db: {  	s2 =	smov.u32 @p2 s0;
	p1 =	sne.s32 s5, $0xFFFFFFFF;
	s8 =	smov.u32 s7  }
0x1dc: {  	s0 =	simm.s32 $0x6;
	p2 =	seq.s32 s7, $0xFFFFFFFF;
	s8 =	smov.u32 @p1 s5  }
0x1dd: {  	[sflag:s0] =	ssyncpa.u1 $0x0;
	s7 =	smov.u32 @p2 s2;
	s8 =	smov.u32 @p2 s5  }
.LBB3_36:
0x1de: {  	p1 =	sgt.u32 s2, $0xC3FF8  }
0x1df: {  	p2 =	seq.s32 @!p1 s2, s8  }
0x1e0: {  	p1 =	por p1, p2  }
0x1e1: {  	p2 =	sne.s32 @!p1 s2, s7  }
0x1e2: {  	p1 =	por p1, !p2  }
0x1e3: {  	s2 =	sshll.u32 @p1 s10, $0x8  }
0x1e4: {  	s3 =	sand.u32 @!p1 $0xFFFF8, s2  }
0x1e5: {  	s2 =	sand.u32 @!p1 $0x7, s2;
	s3 =	sadd.s32 @!p1 s1, s3  }
0x1e6: {  	[tilespmem:s9], [sflag:$0x6] =	stream.linear.gather @!p1 [hbm4b:s3+s2], $0x40, $0x38;
	[tilespmem:$0x1EF88] =	vst v63  }
0x1e7: {  	_ =	swait.ge @!p1 [sflag:s0], $0x40  }
0x1e8: {  	[sflag:s0] =	ssyncset.done @!p1 $0x0  }
0x1e9: {  	[sflag:s0] =	ssyncadd.s32 @!p1 $0xFFFFFFC0  }
0x1ea: {  	v1 =	vld @!p1 [tilespmem:$0xA0C8];
	_ =	sdelay $0x2  }
0x1eb: {  	s2 =	sshll.u32 @!p1 s10, $0x8  }
0x1ec: {  	s3 =	sshrl.u32 @!p1 s2, $0x2  }
0x1ed: {  	[tilespmem:s3+$0xA138] =	vst.add.f32.msk @!p1 $0xffff, v1  }
0x1ee: {  	v1 =	vld @!p1 [tilespmem:$0xA0D8];
	_ =	sdelay $0x4  }
0x1ef: {  	[tilespmem:s3+$0xA148] =	vst.add.f32.msk @!p1 $0xffff, v1  }
0x1f0: {  	v1 =	vld @!p1 [tilespmem:$0xA0E8];
	_ =	sdelay $0x4  }
0x1f1: {  	[tilespmem:s3+$0xA158] =	vst.add.f32.msk @!p1 $0xffff, v1  }
0x1f2: {  	v1 =	vld @!p1 [tilespmem:$0xA0F8];
	_ =	sdelay $0x4  }
0x1f3: {  	[tilespmem:s3+$0xA168] =	vst.add.f32.msk @!p1 $0xffff, v1  }
0x1f4: {  	s2 =	sshrl.u32 s2, $0x2;
	[tilespmem:s6+$0xA118] =	vst.msk $0x1, v0  }
0x1f5: {  	v0 =	vld [tilespmem:s2+$0xA138];
	_ =	sdelay $0x2  }
0x1f6: {  	s31 =	sshll.u32 s6, $0x8  }
0x1f7: {  	s3 =	sshra.s32 s31, $0x2  }
0x1f8: {  	[tilespmem:s3+$0xA138] =	vst v0  }
0x1f9: {  	v0 =	vld [tilespmem:s2+$0xA148];
	_ =	sdelay $0x4  }
0x1fa: {  	[tilespmem:s3+$0xA148] =	vst v0  }
0x1fb: {  	v0 =	vld [tilespmem:s2+$0xA158];
	_ =	sdelay $0x4  }
0x1fc: {  	[tilespmem:s3+$0xA158] =	vst v0  }
0x1fd: {  	v0 =	vld [tilespmem:s2+$0xA168];
	_ =	sdelay $0x4  }
0x1fe: {  	s6 =	sadd.s32 $0x1, s6;
	[tilespmem:s3+$0xA168] =	vst v0  }
.LBB3_37:
0x1ff: {  	s10 =	sadd.s32 $0x1, s10  }
0x200: {  	p1 =	sne.s32 s10, $0x20  }
.Ltmp27:
0x201: {  	_ = 	snop;
	(pc) =	sbr.rel @!p1 .LBB3_38-.Ltmp27, $1  }
0x202: {  	_ =	sdelay $0x3  }
.LBB3_30:
0x203: {  	v0 =	vld.msk [tilespmem:s10+$0xA118], $0x1;
	_ =	sdelay $0x4  }
0x204: {  	(v2sf) =	vpush v0, $0x0;
	_ =	sdelay $0xe  }
0x205: {  	s2 =	spop (v2sf)  }
0x206: {  	p1 =	seq.s32 s2, $0xFFFFFFFF  }
.Ltmp28:
0x207: {  	_ = 	snop;
	(pc) =	sbr.rel @p1 .LBB3_37-.Ltmp28, $1  }
0x208: {  	_ =	sdelay $0x3  }
0x209: {  	p1 =	slt.s32 s6, $0x1  }
.Ltmp29:
0x20a: {  	_ = 	snop;
	(pc) =	sbr.rel @p1 .LBB3_36-.Ltmp29, $1  }
0x20b: {  	_ =	sdelay $0x3  }
0x20c: {  	s3 =	simm.s32 $0xA118;
	p1 =	por $0x0, $0x0  }
0x20d: {  	v1 =	vld.msk @!p1 [tilespmem:s3+$0x0], $0x1;
	_ =	sdelay $0x4  }
0x20e: {  	(v2sf) =	vpush @!p1 v1, $0x0;
	_ =	sdelay $0xd  }
0x20f: {  	p3 =	sne.s32 s6, $0x1  }
.Ltmp30:
0x210: {  	s4 =	spop @!p1 (v2sf);
	(pc) =	sbr.rel @!p3 .LBB3_34-.Ltmp30, $4  }
0x211: {  	p2 =	seq.s32 @!p1 s2, s4  }
0x212: {  	s4 =	simm.s32 $0x0;
	p2 =	por !p2, p1  }
0x213: {  	s11 =	simm.s32 $0xFFFFFFFF;
	s4 =	simm.s32 @p2 $0xFFFFFFFF  }
0x214: {  	s5 =	simm.s32 $0x1;
	s4 =	smov.u32 @p1 s11  }
.LBB3_33:
0x215: {  	s11 =	smov.u32 s4;
	p1 =	sne.s32 s4, $0xFFFFFFFF  }
0x216: {  	s3 =	sadd.s32 $0x1, s3;
	s4 =	smov.u32 s5;
	s5 =	sadd.s32 $0x1, s5  }
0x217: {  	p2 =	sne.s32 s6, s5;
	v1 =	vld.msk @!p1 [tilespmem:s3+$0x0], $0x1;
	_ =	sdelay $0x4  }
0x218: {  	(v2sf) =	vpush @!p1 v1, $0x0;
	_ =	sdelay $0xe  }
.Ltmp31:
0x219: {  	s12 =	spop @!p1 (v2sf);
	(pc) =	sbr.rel @p2 .LBB3_33-.Ltmp31, $4  }
0x21a: {  	p3 =	seq.s32 @!p1 s2, s12  }
0x21b: {  	p3 =	por !p3, p1  }
0x21c: {  	s4 =	simm.s32 @p3 $0xFFFFFFFF  }
0x21d: {  	s4 =	smov.u32 @p1 s11  }
.LBB3_34:
0x21e: {  	p1 =	seq.s32 s4, $0xFFFFFFFF  }
.Ltmp32:
0x21f: {  	_ = 	snop;
	(pc) =	sbr.rel @p1 .LBB3_36-.Ltmp32, $1  }
0x220: {  	_ =	sdelay $0x3  }
0x221: {  	s2 =	sshll.u32 s10, $0x6  }
0x222: {  	s2 =	sand.u32 $0x3FFFFFC0, s2  }
0x223: {  	v0 =	vld [tilespmem:s2+$0xA138];
	_ =	sdelay $0x2  }
0x224: {  	s3 =	sshll.u32 s4, $0x8  }
0x225: {  	s3 =	sshra.s32 s3, $0x2  }
0x226: {  	[tilespmem:s3+$0xA138] =	vst.add.f32.msk $0xffff, v0  }
0x227: {  	v0 =	vld [tilespmem:s2+$0xA148];
	_ =	sdelay $0x4  }
0x228: {  	[tilespmem:s3+$0xA148] =	vst.add.f32.msk $0xffff, v0  }
0x229: {  	v0 =	vld [tilespmem:s2+$0xA158];
	_ =	sdelay $0x4  }
0x22a: {  	[tilespmem:s3+$0xA158] =	vst.add.f32.msk $0xffff, v0  }
0x22b: {  	v0 =	vld [tilespmem:s2+$0xA168]  }
.Ltmp33:
0x22c: {  	_ = 	snop;
	(pc) =	sbr.rel .LBB3_37-.Ltmp33, $2  }
0x22d: {  	_ =	sdelay $0x2  }
0x22e: {  	[tilespmem:s3+$0xA168] =	vst.add.f32.msk $0xffff, v0  }
.LBB3_38:
0x22f: {  	s0 =	simm.s32 $0x6;
	p1 =	seq.s32 s6, $0x0  }
0x230: {  	[sflag:s0] =	ssyncpa.u1 $0x1;
	v0 =	vimm.s32 @p1 $0xFFFFFFFF  }
0x231: {  	s0 =	sadd.s32 $0xFFFFFFFF, s6;
	[tilespmem:$0xA938] =	vst @p1 v0  }
0x232: {  	v0 =	vld.msk @!p1 [tilespmem:s0+$0xA118], $0x1;
	_ =	sdelay $0x1  }
0x233: {  	v1 =	vld.msk @!p1 [tilespmem:$0xA118], $0x1;
	_ =	sdelay $0x2  }
0x234: {  	p2 =	seq.s32 @!p1 s0, $0x0;
	v0 =	vbroadcast @!p1 v0, $0x0  }
0x235: {  	vm0 =	vmmov @!p1 $0x1;
	p2 =	por !p2, p1  }
0x236: {  	v1 =	vnsel @!p1 vm0, $0xFFFFFFFF, v1;
	vm0 =	vcmask @!p1 $0x308;
	v0 =	vpsel !p2, $0xFFFFFFFF, v0  }
0x237: {  	p2 =	sne.s32 @!p1 s8, s7;
	v0 =	vsel @!p1 vm0, v1, v0  }
0x238: {  	s2 =	simm.s32 @!p1 $0xA138;
	s3 =	simm.s32 @!p1 $0x0;
	p3 =	por !p2, p1;
	[tilespmem:$0xA938] =	vst @!p1 v0  }
0x239: {  	[spmem:s3] =	stream.linear.scatter @!p1 [tilespmem:s2], [sflag:$0x1], $0x40, $0x38;
	[tilespmem:$0x1EF88] =	vst v63  }
0x23a: {  	s2 =	sshll.u32 @!p3 s0, $0x8  }
0x23b: {  	s2 =	sshra.s32 @!p3 s2, $0x2  }
0x23c: {  	s3 =	simm.s32 @!p3 $0x40;
	s2 =	sadd.s32 @!p3 $0xA138, s2  }
0x23d: {  	[spmem:s3] =	stream.linear.scatter @!p3 [tilespmem:s2], [sflag:$0x1], $0x40, $0x38;
	[tilespmem:$0x1EF88] =	vst v63  }
0x23e: {  	s2 =	simm.s32 @!p3 $0x1  }
0x23f: {  	_ =	swait.ge @!p3 [sflag:s2], $0x80  }
0x240: {  	p1 =	por p2, p1;
	[sflag:s2] =	ssyncset.done @!p3 $0x0  }
0x241: {  	[sflag:s2] =	ssyncadd.s32 @!p3 $0xFFFFFF80;
	s2 =	simm.s32 @!p1 $0x1  }
0x242: {  	_ =	swait.ge @!p1 [sflag:s2], $0x40  }
0x243: {  	s29 =	simm.s32 $0xA938;
	[sflag:s2] =	ssyncset.done @!p1 $0x0  }
0x244: {  	s30 =	simm.s32 $0x800;
	s31 =	simm.s32 $0x1;
	[sflag:s2] =	ssyncadd.s32 @!p1 $0xFFFFFFC0  }
0x245: {  	[spmem:s30] =	stream.linear.scatter [tilespmem:s29], [sflag:$0x1], $0x10, $0x38;
	[tilespmem:$0x1EF88] =	vst v63  }
0x246: {  	_ =	swait.ge [sflag:s31], $0x10  }
0x247: {  	[sflag:s31] =	ssyncset.done $0x0  }
0x248: {  	p1 =	seq.s32 s13, $0x0;
	s9 =	rddreg [dreg:$0x1];
	[sflag:s31] =	ssyncadd.s32 $0xFFFFFFF0  }
0x249: {  	s3 =	sshll.u32 @p1 s9, $0xE;
	s8 =	rddreg [dreg:$0x2]  }
0x24a: {  	s2 =	sadd.s32 @p1 $0x15C3C, s3;
	s3 =	sshll.u32 @p1 s8, $0x11  }
0x24b: {  	_ =	sfence.stream.spmem;
	s2 =	sor.u32 @p1 s3, s2  }
0x24c: {  	[sflag:s2] =	ssyncadd.remote.s32 @p1 $0x1;
	s2 =	simm.s32 @p1 $0x4  }
0x24d: {  	s4 =	simm.s32 @!p1 $0x3C;
	s3 =	sand.u32 $0xFFFFFFFE, s9;
	_ =	swait.ge @p1 [sflag:s2], $0x12  }
0x24e: {  	s5 =	simm.s32 @!p1 $0x0;
	s3 =	sadd.s32 @!p1 $0x4, s3;
	[sflag:s2] =	ssyncset.done @p1 $0x0  }
0x24f: {  	s7 =	simm.s32 @!p1 $0x80;
	[sflag:s2] =	ssyncadd.s32 @p1 $0xFFFFFFEE;
	s2 =	sshll.u32 @!p1 s3, $0x1A  }
0x250: {  	s3 =	sshll.u32 @!p1 s3, $0xD;
	s2 =	sor.u32 @!p1 s2, s8;
	_ =	swait.eq @!p1 [sflag:s4], $0x1  }
0x251: {  	s3 =	sor.u32 @!p1 $0x1C04, s3;
	s4 =	simm.s32 @!p1 $0x1C03;
	s2 =	sor.u32 @!p1 $0x80004000, s2  }
0x252: {  	[spmem:s7], [sflag:s3] =	dma.general @!p1 [spmem:s5], [sflag:s4], length:$0x10, [dreg:$0x0], stride_count:$0x0, ici_dest:s2, dma_misc:DstOpCode:WRITE  }
0x253: {  	p2 =	slt.s32 s0, $0x2;
	s5 =	simm.s32 @!p1 $0x100;
	s7 =	simm.s32 @!p1 $0x102  }
0x254: {  	[spmem:s7], [sflag:s3] =	dma.general @!p1 [spmem:s5], [sflag:s4], length:$0x2, [dreg:$0x0], stride_count:$0x0, ici_dest:s2, dma_misc:DstOpCode:WRITE  }
.Ltmp34:
0x255: {  	s2 =	simm.s32 @!p1 $0x3;
	(pc) =	sbr.rel @p2 .LBB3_42-.Ltmp34, $4  }
0x256: {  	s3 =	sshll.u32 @!p1 s9, $0xE;
	_ =	swait.ge @!p1 [sflag:s2], $0x12  }
0x257: {  	s4 =	sshll.u32 @!p1 s8, $0x11;
	s3 =	sadd.s32 @!p1 $0x11C3C, s3;
	[sflag:s2] =	ssyncset.done @!p1 $0x0  }
0x258: {  	[sflag:s2] =	ssyncadd.s32 @!p1 $0xFFFFFFEE;
	s2 =	sor.u32 @!p1 s4, s3  }
0x259: {  	s0 =	simm.s32 $0x0;
	[sflag:s2] =	ssyncadd.remote.s32 @!p1 $0xFFFFFFFF  }
0x25a: {  	s0 =	simm.s32 $0xA119  }
0x25b: {  	v0 =	vld.msk [tilespmem:s0+$0x0], $0x1;
	_ =	sdelay $0x4  }
0x25c: {  	(v2sf) =	vpush v0, $0x0;
	_ =	sdelay $0xc  }
0x25d: {  	s2 =	sadd.s32 $0xFFFFFFFE, s6  }
0x25e: {  	s2 =	sadd.s32 $0xFFFFFFFF, s2  }
0x25f: {  	p2 =	sne.s32 s2, $0x0;
	s3 =	spop (v2sf)  }
.Ltmp35:
0x260: {  	p1 =	sgt.u32 s3, $0xC3FF8;
	(pc) =	sbr.rel @!p2 .LBB3_41-.Ltmp35, $4  }
0x261: {  	s5 =	simm.s32 $0x0;
	s4 =	sand.u32 @!p1 $0xFFFF8, s3  }
0x262: {  	s0 =	simm.s32 $0xA178;
	s3 =	sand.u32 @!p1 $0x7, s3;
	s4 =	sadd.s32 @!p1 s1, s4  }
0x263: {  	[hbm4b:s4+s3] =	stream.linear.scatter @!p1 [tilespmem:s0], [sflag:$0x5], $0x40, $0x38;
	[tilespmem:$0x1EF88] =	vst v63  }
0x264: {  	s5 =	simm.s32 @!p1 $0x100;
	s3 =	simm.s32 $0x0;
	s4 =	simm.s32 $0xA11A  }
.LBB3_40:
0x265: {  	v0 =	vld.msk [tilespmem:s4+$0x0], $0x1;
	s2 =	sadd.s32 $0xFFFFFFFF, s2;
	s3 =	sadd.s32 s3, s5  }
0x266: {  	p1 =	sne.s32 s2, $0x0;
	_ =	sdelay $0x3  }
0x267: {  	(v2sf) =	vpush v0, $0x0;
	_ =	sdelay $0xe  }
.Ltmp36:
0x268: {  	s6 =	spop (v2sf);
	(pc) =	sbr.rel @p1 .LBB3_40-.Ltmp36, $4  }
0x269: {  	s5 =	simm.s32 $0x0;
	p2 =	sgt.u32 s6, $0xC3FF8  }
0x26a: {  	s0 =	sadd.s32 $0x40, s0;
	s5 =	simm.s32 @!p2 $0x100;
	s7 =	sand.u32 @!p2 $0xFFFF8, s6  }
0x26b: {  	s4 =	sadd.s32 $0x1, s4;
	s6 =	sand.u32 @!p2 $0x7, s6;
	s7 =	sadd.s32 @!p2 s1, s7  }
0x26c: {  	[hbm4b:s7+s6] =	stream.linear.scatter @!p2 [tilespmem:s0], [sflag:$0x5], $0x40, $0x38;
	[tilespmem:$0x1EF88] =	vst v63  }
.LBB3_41:
0x26d: {  	s0 =	sadd.s32 s3, s5  }
0x26e: {  	s0 =	sshrl.u32 s0, $0x2  }
.LBB3_42:
0x26f: {  	s2 =	simm.s32 $0x5  }
0x270: {  	_ =	swait.ge [sflag:s2], s0  }
0x271: {  	s31 =	ssub.s32 $0x0, s0;
	[sflag:s2] =	ssyncset.done $0x0  }
0x272: {  	[sflag:s2] =	ssyncadd.s32 s31  }
0x273: {  	[sflag:s2] =	ssyncpa.u1 $0x1  }
.LBB3_43:
0x274: {  	s0 =	sor.u32 s13, s14  }
0x275: {  	p1 =	sne.s32 s0, $0x0  }
.Ltmp37:
0x276: {  	_ = 	snop;
	(pc) =	sbr.rel @p1 .LBB3_58-.Ltmp37, $3  }
0x277: {  	_ =	sdelay $0x1  }
0x278: {  	[bflag:$0x0] =	sbarrier.arrive $0xFFFF  }
0x279: {  	_ =	sfence  }
0x27a: {  	s2 =	simm.s32 $0x7  }
0x27b: {  	s0 =	simm.s32 $0x800;
	s3 =	simm.s32 $0xA118;
	[sflag:s2] =	ssyncpa.u1 $0x0  }
0x27c: {  	[tilespmem:s3], [sflag:$0x7] =	stream.linear.gather [spmem:s0], $0x20, $0x38;
	[tilespmem:$0x1EF88] =	vst v63  }
0x27d: {  	s30 =	simm.s32 $0xA138;
	s0 =	simm.s32 $0x0  }
0x27e: {  	[tilespmem:s30], [sflag:$0x7] =	stream.linear.gather [spmem:s0], $0x800, $0x38;
	[tilespmem:$0x1EF88] =	vst v63  }
.Ltmp38:
0x27f: {  	_ = 	snop;
	(pc) =	sbr.rel .LBB3_45-.Ltmp38, $4  }
0x280: {  	_ =	swait.ge [sflag:s2], $0x820  }
0x281: {  	[sflag:s2] =	ssyncset.done $0x0  }
0x282: {  	s31 =	simm.s32 $0x8;
	[sflag:s2] =	ssyncadd.s32 $0xFFFFF7E0  }
0x283: {  	s2 =	simm.s32 $0x0;
	[sflag:s31] =	ssyncpa.u1 $0x0  }
.LBB3_51:
0x284: {  	p1 =	slt.u32 s3, $0xC3FF9  }
0x285: {  	s4 =	sand.u32 @p1 $0xFFFF8, s3  }
0x286: {  	s3 =	sand.u32 @p1 $0x7, s3;
	s5 =	simm.s32 @p1 $0xA0C8;
	s4 =	sadd.s32 @p1 s1, s4  }
0x287: {  	[tilespmem:s5], [sflag:$0x8] =	stream.linear.gather @p1 [hbm4b:s4+s3], $0x40, $0x38;
	[tilespmem:$0x1EF88] =	vst v63  }
0x288: {  	s3 =	simm.s32 @p1 $0x8  }
0x289: {  	_ =	swait.ge @p1 [sflag:s3], $0x40  }
0x28a: {  	[sflag:s3] =	ssyncset.done @p1 $0x0  }
0x28b: {  	[sflag:s3] =	ssyncadd.s32 @p1 $0xFFFFFFC0  }
0x28c: {  	v1 =	vld @p1 [tilespmem:$0xA0C8];
	_ =	sdelay $0x2  }
0x28d: {  	s3 =	sshll.u32 @p1 s2, $0x8  }
0x28e: {  	s4 =	sshrl.u32 @p1 s3, $0x2  }
0x28f: {  	[tilespmem:s4+$0xA138] =	vst.add.f32.msk @p1 $0xffff, v1  }
0x290: {  	v1 =	vld @p1 [tilespmem:$0xA0D8];
	_ =	sdelay $0x4  }
0x291: {  	[tilespmem:s4+$0xA148] =	vst.add.f32.msk @p1 $0xffff, v1  }
0x292: {  	v1 =	vld @p1 [tilespmem:$0xA0E8];
	_ =	sdelay $0x4  }
0x293: {  	[tilespmem:s4+$0xA158] =	vst.add.f32.msk @p1 $0xffff, v1  }
0x294: {  	v1 =	vld @p1 [tilespmem:$0xA0F8];
	_ =	sdelay $0x3  }
0x295: {  	s5 =	sshll.u32 @!p1 s2, $0x8  }
0x296: {  	s5 =	smov.u32 @p1 s3;
	[tilespmem:s4+$0xA168] =	vst.add.f32.msk @p1 $0xffff, v1  }
0x297: {  	s3 =	sshrl.u32 s5, $0x2;
	[tilespmem:s0+$0xA118] =	vst.msk $0x1, v0  }
0x298: {  	v0 =	vld [tilespmem:s3+$0xA138];
	_ =	sdelay $0x2  }
0x299: {  	s31 =	sshll.u32 s0, $0x8  }
0x29a: {  	s4 =	sshra.s32 s31, $0x2  }
0x29b: {  	[tilespmem:s4+$0xA138] =	vst v0  }
0x29c: {  	v0 =	vld [tilespmem:s3+$0xA148];
	_ =	sdelay $0x4  }
0x29d: {  	[tilespmem:s4+$0xA148] =	vst v0  }
0x29e: {  	v0 =	vld [tilespmem:s3+$0xA158];
	_ =	sdelay $0x4  }
0x29f: {  	[tilespmem:s4+$0xA158] =	vst v0  }
0x2a0: {  	v0 =	vld [tilespmem:s3+$0xA168];
	_ =	sdelay $0x4  }
0x2a1: {  	s0 =	sadd.s32 $0x1, s0;
	[tilespmem:s4+$0xA168] =	vst v0  }
.LBB3_52:
0x2a2: {  	s2 =	sadd.s32 $0x1, s2  }
0x2a3: {  	p1 =	sne.s32 s2, $0x20  }
.Ltmp39:
0x2a4: {  	_ = 	snop;
	(pc) =	sbr.rel @!p1 .LBB3_53-.Ltmp39, $1  }
0x2a5: {  	_ =	sdelay $0x3  }
.LBB3_45:
0x2a6: {  	v0 =	vld.msk [tilespmem:s2+$0xA118], $0x1;
	_ =	sdelay $0x4  }
0x2a7: {  	(v2sf) =	vpush v0, $0x0;
	_ =	sdelay $0xe  }
0x2a8: {  	s3 =	spop (v2sf)  }
0x2a9: {  	p1 =	seq.s32 s3, $0xFFFFFFFF  }
.Ltmp40:
0x2aa: {  	_ = 	snop;
	(pc) =	sbr.rel @p1 .LBB3_52-.Ltmp40, $1  }
0x2ab: {  	_ =	sdelay $0x3  }
0x2ac: {  	p1 =	slt.s32 s0, $0x1  }
.Ltmp41:
0x2ad: {  	_ = 	snop;
	(pc) =	sbr.rel @p1 .LBB3_51-.Ltmp41, $1  }
0x2ae: {  	_ =	sdelay $0x3  }
0x2af: {  	s4 =	simm.s32 $0xA118;
	p1 =	por $0x0, $0x0  }
0x2b0: {  	v1 =	vld.msk @!p1 [tilespmem:s4+$0x0], $0x1;
	_ =	sdelay $0x4  }
0x2b1: {  	(v2sf) =	vpush @!p1 v1, $0x0;
	_ =	sdelay $0xd  }
0x2b2: {  	p3 =	sne.s32 s0, $0x1  }
.Ltmp42:
0x2b3: {  	s5 =	spop @!p1 (v2sf);
	(pc) =	sbr.rel @!p3 .LBB3_49-.Ltmp42, $4  }
0x2b4: {  	p2 =	seq.s32 @!p1 s3, s5  }
0x2b5: {  	s5 =	simm.s32 $0x0;
	p2 =	por !p2, p1  }
0x2b6: {  	s7 =	simm.s32 $0xFFFFFFFF;
	s5 =	simm.s32 @p2 $0xFFFFFFFF  }
0x2b7: {  	s6 =	simm.s32 $0x1;
	s5 =	smov.u32 @p1 s7  }
.LBB3_48:
0x2b8: {  	s7 =	smov.u32 s5;
	p1 =	sne.s32 s5, $0xFFFFFFFF  }
0x2b9: {  	s4 =	sadd.s32 $0x1, s4;
	s5 =	smov.u32 s6;
	s6 =	sadd.s32 $0x1, s6  }
0x2ba: {  	p2 =	sne.s32 s0, s6;
	v1 =	vld.msk @!p1 [tilespmem:s4+$0x0], $0x1;
	_ =	sdelay $0x4  }
0x2bb: {  	(v2sf) =	vpush @!p1 v1, $0x0;
	_ =	sdelay $0xe  }
.Ltmp43:
0x2bc: {  	s8 =	spop @!p1 (v2sf);
	(pc) =	sbr.rel @p2 .LBB3_48-.Ltmp43, $4  }
0x2bd: {  	p3 =	seq.s32 @!p1 s3, s8  }
0x2be: {  	p3 =	por !p3, p1  }
0x2bf: {  	s5 =	simm.s32 @p3 $0xFFFFFFFF  }
0x2c0: {  	s5 =	smov.u32 @p1 s7  }
.LBB3_49:
0x2c1: {  	p1 =	seq.s32 s5, $0xFFFFFFFF  }
.Ltmp44:
0x2c2: {  	_ = 	snop;
	(pc) =	sbr.rel @p1 .LBB3_51-.Ltmp44, $1  }
0x2c3: {  	_ =	sdelay $0x3  }
0x2c4: {  	s3 =	sshll.u32 s2, $0x6  }
0x2c5: {  	s3 =	sand.u32 $0x3FFFFFC0, s3  }
0x2c6: {  	v0 =	vld [tilespmem:s3+$0xA138];
	_ =	sdelay $0x2  }
0x2c7: {  	s4 =	sshll.u32 s5, $0x8  }
0x2c8: {  	s4 =	sshra.s32 s4, $0x2  }
0x2c9: {  	[tilespmem:s4+$0xA138] =	vst.add.f32.msk $0xffff, v0  }
0x2ca: {  	v0 =	vld [tilespmem:s3+$0xA148];
	_ =	sdelay $0x4  }
0x2cb: {  	[tilespmem:s4+$0xA148] =	vst.add.f32.msk $0xffff, v0  }
0x2cc: {  	v0 =	vld [tilespmem:s3+$0xA158];
	_ =	sdelay $0x4  }
0x2cd: {  	[tilespmem:s4+$0xA158] =	vst.add.f32.msk $0xffff, v0  }
0x2ce: {  	v0 =	vld [tilespmem:s3+$0xA168]  }
.Ltmp45:
0x2cf: {  	_ = 	snop;
	(pc) =	sbr.rel .LBB3_52-.Ltmp45, $2  }
0x2d0: {  	_ =	sdelay $0x2  }
0x2d1: {  	[tilespmem:s4+$0xA168] =	vst.add.f32.msk $0xffff, v0  }
.LBB3_53:
0x2d2: {  	p1 =	slt.s32 s0, $0x1  }
.Ltmp46:
0x2d3: {  	_ = 	snop;
	(pc) =	sbr.rel @p1 .LBB3_57-.Ltmp46, $3  }
0x2d4: {  	_ =	sdelay $0x1  }
0x2d5: {  	s2 =	simm.s32 $0x8  }
0x2d6: {  	[sflag:s2] =	ssyncpa.u1 $0x1;
	s2 =	simm.s32 $0x0  }
0x2d7: {  	s3 =	simm.s32 $0xA118  }
0x2d8: {  	v0 =	vld.msk [tilespmem:s3+$0x0], $0x1;
	_ =	sdelay $0x4  }
0x2d9: {  	(v2sf) =	vpush v0, $0x0;
	_ =	sdelay $0xe  }
0x2da: {  	s0 =	sadd.s32 $0xFFFFFFFF, s0;
	s4 =	spop (v2sf)  }
0x2db: {  	p2 =	sne.s32 s0, $0x0;
	p1 =	sgt.u32 s4, $0xC3FF8  }
.Ltmp47:
0x2dc: {  	s5 =	sand.u32 @!p1 $0xFFFF8, s4;
	(pc) =	sbr.rel @!p2 .LBB3_56-.Ltmp47, $4  }
0x2dd: {  	s3 =	simm.s32 $0xA138;
	s4 =	sand.u32 @!p1 $0x7, s4;
	s5 =	sadd.s32 @!p1 s1, s5  }
0x2de: {  	[hbm4b:s5+s4] =	stream.linear.scatter @!p1 [tilespmem:s3], [sflag:$0x7], $0x40, $0x38;
	[tilespmem:$0x1EF88] =	vst v63  }
0x2df: {  	s5 =	simm.s32 $0x0  }
0x2e0: {  	s4 =	simm.s32 $0xA119;
	s5 =	simm.s32 @!p1 $0x100  }
.LBB3_55:
0x2e1: {  	v0 =	vld.msk [tilespmem:s4+$0x0], $0x1;
	s0 =	sadd.s32 $0xFFFFFFFF, s0;
	s2 =	sadd.s32 s2, s5  }
0x2e2: {  	p1 =	sne.s32 s0, $0x0;
	_ =	sdelay $0x3  }
0x2e3: {  	(v2sf) =	vpush v0, $0x0;
	_ =	sdelay $0xe  }
.Ltmp48:
0x2e4: {  	s6 =	spop (v2sf);
	(pc) =	sbr.rel @p1 .LBB3_55-.Ltmp48, $4  }
0x2e5: {  	s5 =	simm.s32 $0x0;
	p2 =	sgt.u32 s6, $0xC3FF8  }
0x2e6: {  	s3 =	sadd.s32 $0x40, s3;
	s5 =	simm.s32 @!p2 $0x100;
	s7 =	sand.u32 @!p2 $0xFFFF8, s6  }
0x2e7: {  	s4 =	sadd.s32 $0x1, s4;
	s6 =	sand.u32 @!p2 $0x7, s6;
	s7 =	sadd.s32 @!p2 s1, s7  }
0x2e8: {  	[hbm4b:s7+s6] =	stream.linear.scatter @!p2 [tilespmem:s3], [sflag:$0x7], $0x40, $0x38;
	[tilespmem:$0x1EF88] =	vst v63  }
.LBB3_56:
0x2e9: {  	s0 =	sadd.s32 s2, s5  }
0x2ea: {  	s2 =	sshrl.u32 s0, $0x2  }
.LBB3_57:
0x2eb: {  	s0 =	simm.s32 $0x7  }
0x2ec: {  	_ =	swait.ge [sflag:s0], s2  }
0x2ed: {  	s1 =	ssub.s32 $0x0, s2;
	[sflag:s0] =	ssyncset.done $0x0  }
0x2ee: {  	[sflag:s0] =	ssyncadd.s32 s1  }
0x2ef: {  	[sflag:s0] =	ssyncpa.u1 $0x1  }
.LBB3_58:
0x2f0: {  	_ =	sfence;
	s0 =	simm.s32 $0x1  }
0x2f1: {  	[sflag:s0] =	ssyncpa.u1 $0x1  }
0x2f2: {  	_ =	strace $0x90000050  }
0x2f3: {  	[bflag:$0x2] =	sbarrier.arrive $0xFFFF  }
0x2f4: {  	s0 =	rddreg [dreg:$0x3]  }
0x2f5: {  	s0 =	sadd.s32 @!p0 $0x100000, s0  }
0x2f6: {  	[sflag:s0] =	ssyncadd.tile.s32 @!p0 $0x1;
	_ =	shalt  }
.Lfunc_end3:
_tile_overlayer_lowered:
.L_overlay_start_3:
0x2f7: {  	(tag) =	ssettag $0x3  }
0x2f8: {  	s0 =	rddreg [dreg:$0x0];
	s2 =	stileid.u32  }
0x2f9: {  	s1 =	rddreg [dreg:$0x1];
	p0 =	sne.s32 s2, $0x0  }
0x2fa: {  	s3 =	rddreg [dreg:$0x2];
	[bflag:$0x3] =	sbarrier.arrive $0xFFFF;
	s2 =	simm.s32 @!p0 $0x1C01  }
0x2fb: {  	[timem:s3], [sflag:s2] =	dma.local @!p0 [hbm:s0], s1  }
0x2fc: {  	s0 =	simm.s32 @!p0 $0x1  }
0x2fd: {  	_ =	swait.ge @!p0 [sflag:s0], s1  }
0x2fe: {  	s1 =	ssub.s32 @!p0 $0x0, s1;
	[sflag:s0] =	ssyncset.done @!p0 $0x0  }
0x2ff: {  	[sflag:s0] =	ssyncadd.s32 @!p0 s1  }
0x300: {  	[bflag:$0x3] =	sbarrier.arrive $0xFFFF  }
0x301: {  	_ =	shalt  }

// kernel: scatter_offload_async_start.2
scs
__scs_entry_jumppad:
0x0: {  	(pc) =	sbr.rel $0x88, $3  }
0x1: {  	(tag) =	ssettag $0x0;
	lr =	simm.s32 $0x1  }
0x2: {  	[smem:$0x3F84] =	sst lr;
	_ =	strace $0xD0000000  }
0x3: {  	_ = 	snop  }
0x4: {  	_ = 	snop  }
0x5: {  	_ = 	snop  }
0x6: {  	_ = 	snop  }
0x7: {  	_ = 	snop  }
__scs_overlays_trampoline_lowered:
0x8: {  	[smem:$0x3F93] =	sst s0  }
0x9: {  	[smem:$0x3F94] =	sst s1  }
0xa: {  	[smem:$0x3F95] =	sst s2  }
0xb: {  	[smem:$0x3F96] =	sst s3  }
0xc: {  	[smem:$0x3F97] =	sst s4  }
0xd: {  	[smem:$0x3F98] =	sst s5  }
0xe: {  	[smem:$0x3F99] =	sst s6  }
0xf: {  	[smem:$0x3F9A] =	sst s7  }
0x10: {  	[smem:$0x3F9B] =	sst s8  }
0x11: {  	[smem:$0x3F9C] =	sst s9;
	s0 =	simm.s32 @!p0 $0x0  }
0x12: {  	s1 =	sld [smem:$0x3F82];
	s0 =	simm.s32 @p0 $0x1  }
0x13: {  	[smem:$0x3F9D] =	sst s0;
	s0 =	simm.s32 @!p1 $0x0  }
0x14: {  	s2 =	sld [smem:$0x3F81];
	s0 =	simm.s32 @p1 $0x1  }
0x15: {  	[smem:$0x3F9E] =	sst s0;
	s0 =	simm.s32 @!p2 $0x0  }
0x16: {  	s3 =	sld [smem:$0x3FDB];
	s0 =	simm.s32 @p2 $0x1  }
0x17: {  	s4 =	simm.s32 $0x1BF5;
	[smem:$0x3FA0] =	sst s0  }
0x18: {  	s0 =	sld [smem:$0x3F83];
	_ =	swait.ge [sflag:s4], $0x0  }
0x19: {  	s7 =	sld [smem:$0x3F84]  }
0x1a: {  	s8 =	sadd.s32 $0xFFFFE003, lr  }
0x1b: {  	s9 =	sadd.s32 $0xFFFFFEF7, lr;
	s5 =	simm.s32 $0xFFFFFFFF;
	p2 =	slt.u32 s8, $0xFFFFF086  }
0x1c: {  	p1 =	slt.u32 s9, $0xF7A;
	s5 =	simm.s32 @!p2 $0x0  }
0x1d: {  	s5 =	simm.s32 @p1 $0x1;
	p0 =	seq.s32 s7, s2  }
0x1e: {  	s7 =	smul.u32 @!p0 $0xF7A, s2;
	p2 =	seq.s32 @!p0 s5, $0x0  }
0x1f: {  	s9 =	smul.u32 $0xF7A, s1;
	s8 =	simm.s32 @!p0 $0x1BF5;
	p2 =	por !p2, p0  }
0x20: {  	[sflag:s8] =	ssyncset.s32 @!p0 $0xFFFFF086;
	s6 =	sadd.s32 @!p0 s3, s7;
	s7 =	simm.s32 @!p0 $0x108  }
0x21: {  	s3 =	sadd.s32 s3, s9;
	s6 =	sadd.s32 @!p0 $0x88, s6;
	s7 =	simm.s32 @p2 $0x1082  }
0x22: {  	[simem:s7], [sflag:s8] =	dma.local @!p0 [hbm:s6], $0xF7A  }
0x23: {  	s9 =	sor.u32 $0xD0000000, s2;
	s6 =	simm.s32 $0x108;
	_ =	swait.ge @!p0 [sflag:s8], $0x0  }
0x24: {  	s3 =	sadd.s32 $0x88, s3;
	s6 =	simm.s32 @!p1 $0x1082;
	[sflag:s4] =	ssyncset.s32 $0xFFFFF086  }
0x25: {  	[simem:s6], [sflag:s4] =	dma.local [hbm:s3], $0xF7A  }
0x26: {  	[smem:$0x3F84] =	sst s1;
	(tag) =	ssettag s2;
	_ =	strace s9  }
0x27: {  	s1 =	sld [smem:$0x3F94]  }
0x28: {  	s2 =	sld [smem:$0x3F95]  }
0x29: {  	s4 =	sld [smem:$0x3F97]  }
0x2a: {  	p0 =	seq.s32 s5, $0x0;
	s5 =	sld [smem:$0x3F98]  }
0x2b: {  	s6 =	sld [smem:$0x3F99]  }
0x2c: {  	s7 =	sld [smem:$0x3F9A]  }
0x2d: {  	s3 =	simm.s32 $0x108;
	s8 =	sld [smem:$0x3F9B]  }
0x2e: {  	s3 =	simm.s32 @!p0 $0x1082;
	s9 =	sld [smem:$0x3F9C]  }
0x2f: {  	lr =	sadd.s32 s0, s3;
	s0 =	sld [smem:$0x3F93]  }
0x30: {  	s3 =	sld [smem:$0x3F96]  }
0x31: {  	[smem:$0x3F9F] =	sst s10  }
0x32: {  	s10 =	sld [smem:$0x3F9D];
	_ =	sdelay $0x3  }
0x33: {  	p0 =	seq.s32 s10, $0x1;
	s10 =	sld [smem:$0x3F9F];
	_ =	sdelay $0x3  }
0x34: {  	[smem:$0x3F9F] =	sst s10  }
0x35: {  	s10 =	sld [smem:$0x3F9E];
	_ =	sdelay $0x3  }
0x36: {  	p1 =	seq.s32 s10, $0x1;
	s10 =	sld [smem:$0x3F9F];
	_ =	sdelay $0x3  }
0x37: {  	[smem:$0x3F9F] =	sst s10  }
0x38: {  	s10 =	sld [smem:$0x3FA0]  }
0x39: {  	_ = 	snop;
	(pc) =	sbr.ind lr, $3  }
0x3a: {  	_ = 	snop  }
0x3b: {  	_ = 	snop  }
0x3c: {  	p2 =	seq.s32 s10, $0x1;
	s10 =	sld [smem:$0x3F9F]  }
0x3d: {  	_ =	shalt  }
0x3e: {  	_ =	shalt  }
0x3f: {  	_ =	shalt  }
0x40: {  	_ =	shalt  }
0x41: {  	_ =	shalt  }
0x42: {  	_ =	shalt  }
0x43: {  	_ =	shalt  }
0x44: {  	_ =	shalt  }
0x45: {  	_ =	shalt  }
0x46: {  	_ =	shalt  }
0x47: {  	_ =	shalt  }
0x48: {  	_ =	shalt  }
0x49: {  	_ =	shalt  }
0x4a: {  	_ =	shalt  }
0x4b: {  	_ =	shalt  }
0x4c: {  	_ =	shalt  }
0x4d: {  	_ =	shalt  }
0x4e: {  	_ =	shalt  }
0x4f: {  	_ =	shalt  }
0x50: {  	_ =	shalt  }
0x51: {  	_ =	shalt  }
0x52: {  	_ =	shalt  }
0x53: {  	_ =	shalt  }
0x54: {  	_ =	shalt  }
0x55: {  	_ =	shalt  }
0x56: {  	_ =	shalt  }
0x57: {  	_ =	shalt  }
0x58: {  	_ =	shalt  }
0x59: {  	_ =	shalt  }
0x5a: {  	_ =	shalt  }
0x5b: {  	_ =	shalt  }
0x5c: {  	_ =	shalt  }
0x5d: {  	_ =	shalt  }
0x5e: {  	_ =	shalt  }
0x5f: {  	_ =	shalt  }
0x60: {  	_ =	shalt  }
0x61: {  	_ =	shalt  }
0x62: {  	_ =	shalt  }
0x63: {  	_ =	shalt  }
0x64: {  	_ =	shalt  }
0x65: {  	_ =	shalt  }
0x66: {  	_ =	shalt  }
0x67: {  	_ =	shalt  }
0x68: {  	_ =	shalt  }
0x69: {  	_ =	shalt  }
0x6a: {  	_ =	shalt  }
0x6b: {  	_ =	shalt  }
0x6c: {  	_ =	shalt  }
0x6d: {  	_ =	shalt  }
0x6e: {  	_ =	shalt  }
0x6f: {  	_ =	shalt  }
0x70: {  	_ =	shalt  }
0x71: {  	_ =	shalt  }
0x72: {  	_ =	shalt  }
0x73: {  	_ =	shalt  }
0x74: {  	_ =	shalt  }
0x75: {  	_ =	shalt  }
0x76: {  	_ =	shalt  }
0x77: {  	_ =	shalt  }
0x78: {  	_ =	shalt  }
0x79: {  	_ =	shalt  }
0x7a: {  	_ =	shalt  }
0x7b: {  	_ =	shalt  }
0x7c: {  	_ =	shalt  }
0x7d: {  	_ =	shalt  }
0x7e: {  	_ =	shalt  }
0x7f: {  	_ =	shalt  }
0x80: {  	_ =	shalt  }
0x81: {  	_ =	shalt  }
0x82: {  	_ =	shalt  }
0x83: {  	_ =	shalt  }
0x84: {  	_ =	shalt  }
0x85: {  	_ =	shalt  }
0x86: {  	_ =	shalt  }
0x87: {  	_ =	shalt  }
.Lfunc_end0:
.L_simem_size_0:
called_computation.2_lowered:
.L_overlay_start_0:
0x88: {  	s2 =	sld [smem:$0x3FD9]  }
0x89: {  	s3 =	sld [smem:$0x3FFE];
	_ =	sdelay $0x1  }
0x8a: {  	s1 =	srdreg.scid  }
0x8b: {  	s0 =	sand.u32 $0x1, s1  }
0x8c: {  	s15 =	sshll.u32 s0, $0xA;
	s2 =	sadd.s32 s3, s2  }
0x8d: {  	s2 =	sadd.s32 s2, s15  }
0x8e: {  	[smem:$0x3FAB] =	sst s2  }
0x8f: {  	_ = 	snop  }
0x90: {  	(tm) =	ssettm $0x1  }
0x91: {  	s16 =	sld [smem:$0x3FFB];
	_ =	sdelay $0x3  }
0x92: {  	_ =	strace s16  }
0x93: {  	s2 =	sld [smem:$0x3FFC];
	_ =	sdelay $0x3  }
0x94: {  	_ =	strace s2  }
0x95: {  	s2 =	sld [smem:$0x3FFD];
	_ =	sdelay $0x3  }
0x96: {  	_ =	strace s2  }
0x97: {  	_ =	strace $0x8FFFFFFF  }
0x98: {  	s17 =	sld [smem:$0x3FDB];
	_ =	sdelay $0x1  }
0x99: {  	s18 =	simm.s32 $_scs_section_size  }
0x9a: {  	s4 =	simm.s32 $_size__tile_overlayer_lowered;
	s5 =	simm.s32 $_tile_overlayer_lowered  }
0x9b: {  	s21 =	simm.s32 $0x1BFF;
	s20 =	sshll.u32 s5, $0x1;
	s2 =	sadd.s32 s18, s17  }
0x9c: {  	s6 =	simm.s32 $0x0;
	s19 =	sshll.u32 s4, $0x1;
	s4 =	sadd.s32 s20, s2  }
0x9d: {  	[timem:s6], [sflag:s21] =	dma.local [hbm:s4], s19  }
0x9e: {  	_ =	swait.ge [sflag:s21], s19  }
0x9f: {  	s3 =	ssub.s32 $0x0, s19;
	[sflag:s21] =	ssyncset.done $0x0  }
0xa0: {  	[sflag:s21] =	ssyncadd.s32 s3;
	_ =	sdelay $0x1  }
0xa1: {  	s22 =	simm.s32 $0x1B8B  }
0xa2: {  	_ =	swait.ge [sflag:s22], $0x1  }
0xa3: {  	[sflag:s22] =	ssyncset.done $0x0  }
0xa4: {  	s23 =	sld [smem:$0x3FFE];
	[sflag:s22] =	ssyncadd.s32 $0xFFFFFFFF  }
0xa5: {  	s25 =	simm.s32 $0x1B8E;
	s24 =	sld [smem:$0x0]  }
0xa6: {  	s26 =	simm.s32 $execute0_lowered;
	[smem:$0x3FD2] =	sst s25  }
0xa7: {  	s5 =	sshll.u32 s26, $0x1;
	_ =	strace $0x80000052;
	[dreg:$0x1] =	wrdreg $0xFFFFFFFF  }
0xa8: {  	s28 =	simm.s32 $_size_execute0_lowered;
	s2 =	sadd.s32 s2, s5;
	[dreg:$0x0] =	wrdreg $0x0  }
0xa9: {  	s5 =	sshll.u32 s28, $0x1;
	[dreg:$0x2] =	wrdreg s2  }
0xaa: {  	[dreg:$0x3] =	wrdreg s5  }
0xab: {  	[dreg:$0x4] =	wrdreg $0xC0  }
0xac: {  	_ =	task [dreg:s6], $0x5FFFF  }
0xad: {  	[dreg:$0x1] =	wrdreg $0xFFFFFFFF  }
0xae: {  	[dreg:$0x0] =	wrdreg $0x60  }
0xaf: {  	[dreg:$0x2] =	wrdreg s23  }
0xb0: {  	[dreg:$0x3] =	wrdreg s1  }
0xb1: {  	[dreg:$0x4] =	wrdreg s24  }
0xb2: {  	[dreg:$0x5] =	wrdreg $0x9  }
0xb3: {  	_ =	task.clear_ibuf [dreg:s6], $0x6FFFF;
	_ =	strace $0x90000052  }
0xb4: {  	s29 =	simm.s32 $0x9;
	_ =	strace $0x80000054  }
0xb5: {  	_ =	swait.ge [sflag:s29], $0x1  }
0xb6: {  	[sflag:s29] =	ssyncadd.s32 $0xFFFFFFFF  }
0xb7: {  	_ =	strace $0x90000054  }
0xb8: {  	_ =	sfence  }
0xb9: {  	s30 =	sld [smem:$0x0];
	_ =	sdelay $0x2  }
0xba: {  	s31 =	sshll.u32 s1, $0xD;
	s1 =	sshrl.u32 s1, $0x2  }
0xbb: {  	s3 =	sand.u32 $0x4000, s31;
	s1 =	sadd.s32 s1, s30  }
0xbc: {  	s0 =	sor.u32 s3, s0;
	s1 =	sshll.u32 s1, $0x11  }
0xbd: {  	s0 =	sor.u32 s1, s0  }
0xbe: {  	s0 =	sadd.s32 $0x8F2B, s0  }
0xbf: {  	[sflag:s0] =	ssyncadd.remote.s32 $0x1  }
0xc0: {  	_ =	sfence.sel $0xFFFF  }
0xc1: {  	[dreg:$0x0] =	wrdreg $0xFFFFFFFF;
	(pc) =	sbr.abs _section_cstart, $3  }
0xc2: {  	[dreg:$0x1] =	wrdreg $0xFFFFFFFF  }
0xc3: {  	_ =	task.clear_ibuf [dreg:s6], $0x2FFFF;
	_ =	strace $0x9FFFFFFF  }
0xc4: {  	(tm) =	ssettm $0x7FFFFFFF  }
0xc5: {  	_ =	shalt  }
tec
execute0_lowered:
.L_overlay_start_1:
0x0: {  	(tag) =	ssettag $0x1  }
0x1: {  	s2 =	rddreg [dreg:$0x0]  }
0x2: {  	s4 =	rddreg [dreg:$0x1];
	_ =	strace $0x80000053;
	s0 =	simm.s32 $0x1  }
0x3: {  	s3 =	simm.s32 $0x88;
	v0 =	vimm.s32 $0x0;
	[sflag:s0] =	ssyncpa.u1 $0x0  }
0x4: {  	[tilespmem:s3+$0x30] =	vst v0  }
0x5: {  	s1 =	sadd.s32 $0x4C200, s2;
	s0 =	sadd.s32 $0x2A00, s2;
	s6 =	sadd.s32 $0x35C200, s2;
	[tilespmem:s3+$0x20] =	vst v0  }
0x6: {  	s2 =	sadd.s32 $0x33A00, s2;
	s7 =	sand.u32 $0x1, s4;
	s4 =	simm.s32 $0x40;
	[tilespmem:s3+$0x10] =	vst v0  }
.LBB2_1:
0x7: {  	s4 =	sadd.s32 $0x40, s4  }
0x8: {  	[tilespmem:s3+$0x0] =	vst v0;
	s3 =	sadd.s32 $0x40, s3;
	p0 =	slt.u32 s4, $0x5040  }
.Ltmp0:
0x9: {  	(pc) =	sbr.rel @p0 .LBB2_1-.Ltmp0, $4  }
0xa: {  	_ = 	snop  }
0xb: {  	[tilespmem:s3+$0x30] =	vst v0  }
0xc: {  	[tilespmem:s3+$0x20] =	vst v0  }
0xd: {  	[tilespmem:s3+$0x10] =	vst v0  }
0xe: {  	s8 =	stileid.u32  }
0xf: {  	s4 =	smul.u32 $0x4E, s8  }
0x10: {  	s5 =	smin.u32 s8, $0x2  }
0x11: {  	s4 =	sadd.s32 s5, s4  }
0x12: {  	p0 =	slt.u32 s8, $0x2;
	s12 =	smul.u32 $0x140, s4;
	s4 =	simm.s32 $0x62C0  }
0x13: {  	s4 =	simm.s32 @!p0 $0x6180  }
0x14: {  	s25 =	simm.s32 $0x2;
	s4 =	sadd.s32 s4, s12  }
0x15: {  	s28 =	simm.s32 $0x9;
	s9 =	simm.s32 $0xA;
	s14 =	smin.u32 s4, $0x61A80  }
0x16: {  	s30 =	simm.s32 $0xB;
	[dreg:$0x4] =	wrdreg s7;
	s4 =	ssub.s32 s14, s12  }
0x17: {  	s31 =	smul.u32 $0xC350, s7;
	s13 =	simm.s32 $0x1;
	p0 =	sgt.s32 s4, $0x0  }
0x18: {  	s19 =	simm.s32 $0x0;
	s20 =	simm.s32 $0xA808;
	s4 =	simm.s32 @!p0 $0x0  }
0x19: {  	s21 =	simm.s32 $0xFFFFFFFF;
	p1 =	por $0x0, $0x0;
	s26 =	smulhi.u32 $0x66666667, s4  }
0x1a: {  	[tilespmem:s3+$0x0] =	vst v0;
	s23 =	simm.s32 $0x0;
	[sflag:s25] =	ssyncpa.u1 $0x0;
	s18 =	sshll.u32 s8, $0x7  }
0x1b: {  	s0 =	sadd.s32 s31, s0;
	[dreg:$0xa] =	wrdreg s18;
	s3 =	sshrl.u32 s26, $0x7  }
0x1c: {  	v0 =	vimm.s32 $0xFFFFFFFF;
	s17 =	sadd.s32 s31, s2;
	[dreg:$0x9] =	wrdreg s0;
	s29 =	smul.u32 $0x140, s3  }
0x1d: {  	s25 =	simm.s32 $0x0;
	[tilespmem:$0xA108] =	vst v0;
	[sflag:s28] =	ssyncpa.u1 $0x0;
	[dreg:$0x8] =	wrdreg s17  }
.Ltmp1:
0x1e: {  	p0 =	sne.s32 s4, s29;
	s4 =	simm.s32 $0x1;
	(pc) =	sbr.rel .LBB2_3-.Ltmp1, $4  }
0x1f: {  	[sflag:s9] =	ssyncpa.u1 $0x0;
	[dreg:$0x5] =	wrdreg s12;
	s4 =	simm.s32 @!p0 $0x0  }
0x20: {  	[sflag:s30] =	ssyncpa.u1 $0x0;
	[dreg:$0x6] =	wrdreg s14;
	s15 =	sadd.s32 s4, s3  }
0x21: {  	s24 =	smov.u32 s12;
	s22 =	sadd.s32 $0x1, s15;
	[dreg:$0x7] =	wrdreg s15  }
0x22: {  	v0 =	vlaneseq.u32;
	s26 =	simm.s32 $0x0;
	p0 =	por $0x1, $0x1;
	[dreg:$0xb] =	wrdreg s22  }
.LBB2_22:
0x23: {  	s0 =	sshrl.u32 s3, $0x2  }
.LBB2_24:
0x24: {  	s3 =	simm.s32 $0xC  }
0x25: {  	_ =	swait.ge [sflag:s3], s0  }
0x26: {  	s31 =	ssub.s32 $0x0, s0;
	v1 =	vmov s4;
	vm0 =	veq.s32 v0, $0x0;
	[sflag:s3] =	ssyncset.done $0x0  }
0x27: {  	vm15 =	veq.s32 v0, $0x2;
	v1 =	vsel vm0, s2, v1;
	[sflag:s3] =	ssyncadd.s32 s31  }
0x28: {  	v1 =	vsel vm15, s26, v1;
	[sflag:s3] =	ssyncpa.u1 $0x1  }
0x29: {  	[tilespmem:$0xA108] =	vst v1  }
.LBB2_25:
0x2a: {  	s0 =	sadd.s32 $0x140, s24  }
0x2b: {  	s2 =	smov.u32 s12;
	p2 =	slt.s32 s0, s14  }
0x2c: {  	s2 =	smov.u32 @p2 s0;
	p2 =	sne.s32 s25, s22  }
.Ltmp2:
0x2d: {  	_ = 	snop;
	(pc) =	sbr.rel @!p2 .LBB2_26-.Ltmp2, $4  }
0x2e: {  	_ = 	snop  }
0x2f: {  	s26 =	smov.u32 s23;
	s31 =	sadd.s32 $0x1, s25;
	p0 =	por !p0, !p0  }
0x30: {  	s23 =	smov.u32 s24;
	s20 =	sadd.s32 $0x140, s20;
	s21 =	sadd.s32 $0x1, s21  }
0x31: {  	p1 =	por !p1, !p1;
	s25 =	smov.u32 s31;
	s24 =	smov.u32 s2  }
.LBB2_3:
0x32: {  	p2 =	sge.u32 s25, s15  }
0x33: {  	s0 =	smulhi.u32 @!p2 $0xAAAAAAAB, s25  }
0x34: {  	s2 =	smov.u32 s24;
	p3 =	sgt.s32 @!p2 s24, $0x61940  }
0x35: {  	s3 =	sshra.s32 @!p2 s24, $0x1F;
	p3 =	por !p3, p2;
	s0 =	sshrl.u32 @!p2 s0, $0x1  }
0x36: {  	s3 =	sand.u32 @!p2 s3, s24;
	s2 =	simm.s32 @p3 $0x61940;
	s0 =	smul.u32 @!p2 $0x3, s0  }
0x37: {  	s2 =	ssub.s32 @!p2 s2, s3  }
0x38: {  	s2 =	sadd.s32 @!p2 $0xFFF9E6C0, s2;
	s0 =	ssub.s32 @!p2 s25, s0  }
0x39: {  	s3 =	sshll.u32 @!p2 s2, $0x2;
	p3 =	sgt.s32 @!p2 s2, $0x13F;
	s0 =	smul.u32 @!p2 $0x500, s0  }
0x3a: {  	s4 =	sand.u32 @!p2 $0x7, s24;
	s2 =	ssub.s32 @!p2 $0x500, s3;
	p3 =	por !p3, p2  }
0x3b: {  	s3 =	sshrl.u32 @!p2 s24, $0x3;
	s2 =	sshrl.u32 @!p2 s2, $0x2;
	s0 =	sshrl.u32 @!p2 s0, $0x2  }
0x3c: {  	s3 =	sadd.s32 @!p2 s3, s17;
	s2 =	simm.s32 @!p3 $0x0;
	s0 =	sadd.s32 @!p2 $0xA948, s0  }
0x3d: {  	[tilespmem:s0], [sflag:$0xA] =	stream.linear.gather @!p2 [hbm4b:s3+s4], s2, $0x38;
	[tilespmem:$0x1EF88] =	vst v63  }
0x3e: {  	s0 =	sadd.s32 $0xFFFFFFFF, s25  }
0x3f: {  	p2 =	sge.u32 s0, s15  }
.Ltmp3:
0x40: {  	_ = 	snop;
	(pc) =	sbr.rel @p2 .LBB2_7-.Ltmp3, $1  }
0x41: {  	_ =	sdelay $0x3  }
0x42: {  	p2 =	sgt.s32 s23, $0x61940;
	s2 =	smov.u32 s23;
	s3 =	sshra.s32 s23, $0x1F  }
0x43: {  	s2 =	simm.s32 @!p2 $0x61940;
	s3 =	sand.u32 s3, s23  }
0x44: {  	s17 =	smulhi.u32 $0xAAAAAAAB, s21;
	s2 =	ssub.s32 s2, s3  }
0x45: {  	s0 =	sand.u32 $0x1, s0;
	s2 =	sadd.s32 $0xFFF9E6C0, s2  }
0x46: {  	s5 =	simm.s32 $0xA;
	s3 =	sshrl.u32 s17, $0x1;
	s4 =	sshll.u32 s2, $0x2  }
0x47: {  	s7 =	sshrl.u32 s23, $0x3;
	s3 =	smul.u32 $0xFFFFF100, s3;
	s4 =	ssub.s32 $0x500, s4  }
0x48: {  	s18 =	smul.u32 $0x500, s0;
	p2 =	sgt.s32 s2, $0x13F;
	s2 =	sshrl.u32 s4, $0x2  }
0x49: {  	s9 =	sand.u32 $0x7, s23;
	s3 =	sshra.s32 s3, $0x2;
	s2 =	simm.s32 @p2 $0x0  }
0x4a: {  	s0 =	sadd.s32 s3, s20;
	s4 =	sshrl.u32 s18, $0x2;
	_ =	swait.ge [sflag:s5], s2  }
0x4b: {  	s22 =	ssub.s32 $0x0, s2;
	[sflag:s5] =	ssyncset.done $0x0;
	s8 =	rddreg [dreg:$0x9]  }
0x4c: {  	s4 =	sadd.s32 $0xAD08, s4;
	[sflag:s5] =	ssyncadd.s32 s22;
	s3 =	sadd.s32 s7, s8  }
0x4d: {  	[tilespmem:s4], [sflag:$0xB] =	stream.linear.gather [hbm4b:s3+s9], s2, $0x38;
	[tilespmem:$0x1EF88] =	vst v63  }
0x4e: {  	v1 =	vld.msk [tilespmem:s0+$0x0], $0xffff;
	_ =	sdelay $0x4  }
0x4f: {  	v1 =	vshll.u32 v1, $0x4  }
0x50: {  	(v2sf) =	vpush v1, $0x0  }
0x51: {  	(v2sf) =	vpush v1, $0x1  }
0x52: {  	(v2sf) =	vpush v1, $0x2;
	_ =	sdelay $0x3  }
0x53: {  	(v2sf) =	vpush v1, $0x3;
	_ =	sdelay $0x1  }
0x54: {  	(v2sf) =	vpush v1, $0x4  }
0x55: {  	s2 =	simm.s32 $0x1;
	(v2sf) =	vpush v1, $0x5  }
0x56: {  	s2 =	simm.s32 @!p0 $0x0  }
0x57: {  	s2 =	smul.u32 $0x28000, s2;
	(v2sf) =	vpush v1, $0x6;
	_ =	sdelay $0x1  }
0x58: {  	s2 =	sshrl.u32 s2, $0x2  }
0x59: {  	s28 =	sadd.s32 $0xB708, s2  }
0x5a: {  	s12 =	sadd.s32 $0xFFFFF880, s28;
	s17 =	sadd.s32 $0xFFFFF900, s28;
	s10 =	spop (v2sf);
	(v2sf) =	vpush v1, $0x7  }
0x5b: {  	s18 =	sadd.s32 $0xFFFFF980, s28;
	s11 =	sand.u32 $0x1FFFFFF0, s10;
	s14 =	spop (v2sf)  }
0x5c: {  	(v2sf) =	vpush v1, $0x8;
	s2 =	sadd.s32 s6, s11;
	s15 =	sand.u32 $0x1FFFFFF0, s14;
	s16 =	spop (v2sf)  }
0x5d: {  	[tilespmem:s12], [sflag:$0x9] =	stream.linear.gather [hbm4b:s2+s19], $0x40, $0x38;
	[tilespmem:$0x1EF88] =	vst v63  }
0x5e: {  	s5 =	sadd.s32 $0xFFFFFA00, s28;
	s2 =	sadd.s32 s6, s15;
	s3 =	sand.u32 $0x1FFFFFF0, s16  }
0x5f: {  	(v2sf) =	vpush v1, $0x9;
	[tilespmem:s17], [sflag:$0x9] =	stream.linear.gather [hbm4b:s2+s19], $0x40, $0x38;
	[tilespmem:$0x1EF88] =	vst v63  }
0x60: {  	s7 =	sadd.s32 $0xFFFFFA80, s28;
	s22 =	spop (v2sf);
	s3 =	sadd.s32 s6, s3  }
0x61: {  	(v2sf) =	vpush v1, $0xA;
	[tilespmem:s18], [sflag:$0x9] =	stream.linear.gather [hbm4b:s3+s19], $0x40, $0x38;
	[tilespmem:$0x1EF88] =	vst v63  }
0x62: {  	s11 =	sadd.s32 $0xFFFFFB00, s28;
	s4 =	spop (v2sf);
	(v2sf) =	vpush v1, $0xB;
	s3 =	sand.u32 $0x1FFFFFF0, s22  }
0x63: {  	s8 =	spop (v2sf);
	s2 =	sadd.s32 s6, s3;
	s3 =	sand.u32 $0x1FFFFFF0, s4  }
0x64: {  	(v2sf) =	vpush v1, $0xC;
	[tilespmem:s5], [sflag:$0x9] =	stream.linear.gather [hbm4b:s2+s19], $0x40, $0x38;
	[tilespmem:$0x1EF88] =	vst v63  }
0x65: {  	s9 =	sand.u32 $0x1FFFFFF0, s8;
	s10 =	spop (v2sf);
	s3 =	sadd.s32 s6, s3  }
0x66: {  	(v2sf) =	vpush v1, $0xD;
	[tilespmem:s7], [sflag:$0x9] =	stream.linear.gather [hbm4b:s3+s19], $0x40, $0x38;
	[tilespmem:$0x1EF88] =	vst v63  }
0x67: {  	s12 =	sadd.s32 $0xFFFFFB80, s28;
	s2 =	sadd.s32 s6, s9;
	s3 =	sand.u32 $0x1FFFFFF0, s10  }
0x68: {  	[tilespmem:s11], [sflag:$0x9] =	stream.linear.gather [hbm4b:s2+s19], $0x40, $0x38;
	[tilespmem:$0x1EF88] =	vst v63  }
0x69: {  	s17 =	sadd.s32 $0xFFFFFC00, s28;
	s3 =	sadd.s32 s6, s3;
	s14 =	spop (v2sf)  }
0x6a: {  	[tilespmem:s12], [sflag:$0x9] =	stream.linear.gather [hbm4b:s3+s19], $0x40, $0x38;
	(v2sf) =	vpush v1, $0xE;
	[tilespmem:$0x1EF88] =	vst v63  }
0x6b: {  	s18 =	sadd.s32 $0xFFFFFC80, s28;
	s15 =	sand.u32 $0x1FFFFFF0, s14;
	s16 =	spop (v2sf)  }
0x6c: {  	s5 =	sadd.s32 $0xFFFFFD00, s28;
	(v2sf) =	vpush v1, $0xF;
	s2 =	sadd.s32 s6, s15;
	s3 =	sand.u32 $0x1FFFFFF0, s16  }
0x6d: {  	[tilespmem:s17], [sflag:$0x9] =	stream.linear.gather [hbm4b:s2+s19], $0x40, $0x38;
	[tilespmem:$0x1EF88] =	vst v63  }
0x6e: {  	s7 =	sadd.s32 $0xFFFFFD80, s28;
	s22 =	spop (v2sf);
	s3 =	sadd.s32 s6, s3  }
0x6f: {  	[tilespmem:s18], [sflag:$0x9] =	stream.linear.gather [hbm4b:s3+s19], $0x40, $0x38;
	[tilespmem:$0x1EF88] =	vst v63  }
0x70: {  	s11 =	sadd.s32 $0xFFFFFE00, s28;
	s4 =	spop (v2sf);
	s3 =	sand.u32 $0x1FFFFFF0, s22  }
0x71: {  	s8 =	spop (v2sf);
	s2 =	sadd.s32 s6, s3;
	s3 =	sand.u32 $0x1FFFFFF0, s4  }
0x72: {  	[tilespmem:s5], [sflag:$0x9] =	stream.linear.gather [hbm4b:s2+s19], $0x40, $0x38;
	[tilespmem:$0x1EF88] =	vst v63  }
0x73: {  	s9 =	sand.u32 $0x1FFFFFF0, s8;
	s10 =	spop (v2sf);
	s3 =	sadd.s32 s6, s3  }
0x74: {  	[tilespmem:s7], [sflag:$0x9] =	stream.linear.gather [hbm4b:s3+s19], $0x40, $0x38;
	[tilespmem:$0x1EF88] =	vst v63  }
0x75: {  	s14 =	spop (v2sf);
	s2 =	sadd.s32 s6, s9;
	s3 =	sand.u32 $0x1FFFFFF0, s10  }
0x76: {  	[tilespmem:s11], [sflag:$0x9] =	stream.linear.gather [hbm4b:s2+s19], $0x40, $0x38;
	[tilespmem:$0x1EF88] =	vst v63  }
0x77: {  	s12 =	sadd.s32 $0xFFFFFE80, s28;
	s15 =	sand.u32 $0x1FFFFFF0, s14;
	s3 =	sadd.s32 s6, s3  }
0x78: {  	[tilespmem:s12], [sflag:$0x9] =	stream.linear.gather [hbm4b:s3+s19], $0x40, $0x38;
	[tilespmem:$0x1EF88] =	vst v63  }
0x79: {  	s17 =	sadd.s32 $0xFFFFFF00, s28;
	s2 =	sadd.s32 s6, s15;
	s16 =	spop (v2sf)  }
0x7a: {  	[tilespmem:s17], [sflag:$0x9] =	stream.linear.gather [hbm4b:s2+s19], $0x40, $0x38;
	[tilespmem:$0x1EF88] =	vst v63  }
0x7b: {  	s29 =	simm.s32 $0x0;
	s3 =	sand.u32 $0x1FFFFFF0, s16;
	s18 =	spop (v2sf)  }
0x7c: {  	s22 =	sadd.s32 $0xFFFFFF80, s28;
	s3 =	sadd.s32 s6, s3;
	s2 =	sand.u32 $0x1FFFFFF0, s18  }
0x7d: {  	[tilespmem:s22], [sflag:$0x9] =	stream.linear.gather [hbm4b:s3+s19], $0x40, $0x38;
	[tilespmem:$0x1EF88] =	vst v63  }
0x7e: {  	s31 =	sadd.s32 $0x10, s0;
	s30 =	sadd.s32 $0x800, s28;
	s2 =	sadd.s32 s6, s2  }
.LBB2_5:
0x7f: {  	[tilespmem:s28], [sflag:$0x9] =	stream.linear.gather [hbm4b:s2+s19], $0x40, $0x38;
	[tilespmem:$0x1EF88] =	vst v63  }
0x80: {  	s29 =	sadd.s32 $0x10, s29;
	s28 =	smov.u32 s30  }
0x81: {  	p2 =	slt.u32 s29, $0x130;
	v1 =	vld.msk [tilespmem:s31+$0x0], $0xffff;
	_ =	sdelay $0x4  }
0x82: {  	v1 =	vshll.u32 v1, $0x4  }
0x83: {  	(v2sf) =	vpush v1, $0x0  }
0x84: {  	(v2sf) =	vpush v1, $0x1  }
0x85: {  	(v2sf) =	vpush v1, $0x2;
	_ =	sdelay $0x1  }
0x86: {  	(v2sf) =	vpush v1, $0x3;
	_ =	sdelay $0x1  }
0x87: {  	(v2sf) =	vpush v1, $0x4;
	_ =	sdelay $0x1  }
0x88: {  	(v2sf) =	vpush v1, $0x5;
	_ =	sdelay $0x1  }
0x89: {  	(v2sf) =	vpush v1, $0x6  }
0x8a: {  	s4 =	sadd.s32 $0xFFFFFE80, s30;
	s0 =	sadd.s32 $0xFFFFFF00, s30  }
0x8b: {  	s3 =	sadd.s32 $0xFFFFFD00, s30;
	s2 =	sadd.s32 $0xFFFFFD80, s30;
	s5 =	sadd.s32 $0xFFFFFE00, s30;
	(v2sf) =	vpush v1, $0x7  }
0x8c: {  	s10 =	sadd.s32 $0xFFFFFB80, s30;
	s9 =	sadd.s32 $0xFFFFFC00, s30;
	s16 =	sadd.s32 $0xFFFFFC80, s30  }
0x8d: {  	s11 =	sadd.s32 $0xFFFFFA00, s30;
	s12 =	sadd.s32 $0xFFFFFA80, s30;
	s15 =	sadd.s32 $0xFFFFFB00, s30;
	(v2sf) =	vpush v1, $0x8  }
0x8e: {  	s18 =	sadd.s32 $0xFFFFF900, s30;
	s7 =	sadd.s32 $0xFFFFF980, s30;
	s22 =	spop (v2sf)  }
0x8f: {  	s8 =	sadd.s32 $0xFFFFF880, s30;
	s22 =	sand.u32 $0x1FFFFFF0, s22;
	s14 =	spop (v2sf);
	(v2sf) =	vpush v1, $0x9  }
0x90: {  	s22 =	sadd.s32 s6, s22;
	s14 =	sand.u32 $0x1FFFFFF0, s14;
	s17 =	spop (v2sf)  }
0x91: {  	[tilespmem:s8], [sflag:$0x9] =	stream.linear.gather [hbm4b:s22+s19], $0x40, $0x38;
	(v2sf) =	vpush v1, $0xA;
	[tilespmem:$0x1EF88] =	vst v63  }
0x92: {  	s8 =	sadd.s32 s6, s14;
	s14 =	sand.u32 $0x1FFFFFF0, s17;
	s17 =	spop (v2sf)  }
0x93: {  	[tilespmem:s18], [sflag:$0x9] =	stream.linear.gather [hbm4b:s8+s19], $0x40, $0x38;
	(v2sf) =	vpush v1, $0xB;
	[tilespmem:$0x1EF88] =	vst v63  }
0x94: {  	s8 =	sadd.s32 s6, s14;
	s14 =	sand.u32 $0x1FFFFFF0, s17;
	s17 =	spop (v2sf)  }
0x95: {  	[tilespmem:s7], [sflag:$0x9] =	stream.linear.gather [hbm4b:s8+s19], $0x40, $0x38;
	(v2sf) =	vpush v1, $0xC;
	[tilespmem:$0x1EF88] =	vst v63  }
0x96: {  	s7 =	sadd.s32 s6, s14;
	s8 =	sand.u32 $0x1FFFFFF0, s17;
	s14 =	spop (v2sf)  }
0x97: {  	[tilespmem:s11], [sflag:$0x9] =	stream.linear.gather [hbm4b:s7+s19], $0x40, $0x38;
	(v2sf) =	vpush v1, $0xD;
	[tilespmem:$0x1EF88] =	vst v63  }
0x98: {  	s7 =	sadd.s32 s6, s8;
	s8 =	sand.u32 $0x1FFFFFF0, s14;
	s11 =	spop (v2sf)  }
0x99: {  	[tilespmem:s12], [sflag:$0x9] =	stream.linear.gather [hbm4b:s7+s19], $0x40, $0x38;
	(v2sf) =	vpush v1, $0xE;
	[tilespmem:$0x1EF88] =	vst v63  }
0x9a: {  	s7 =	sadd.s32 s6, s8;
	s8 =	sand.u32 $0x1FFFFFF0, s11;
	s11 =	spop (v2sf)  }
0x9b: {  	[tilespmem:s15], [sflag:$0x9] =	stream.linear.gather [hbm4b:s7+s19], $0x40, $0x38;
	(v2sf) =	vpush v1, $0xF;
	[tilespmem:$0x1EF88] =	vst v63  }
0x9c: {  	s7 =	sadd.s32 s6, s8;
	s8 =	sand.u32 $0x1FFFFFF0, s11;
	s11 =	spop (v2sf)  }
0x9d: {  	[tilespmem:s10], [sflag:$0x9] =	stream.linear.gather [hbm4b:s7+s19], $0x40, $0x38;
	[tilespmem:$0x1EF88] =	vst v63  }
0x9e: {  	s7 =	sadd.s32 s6, s8;
	s8 =	sand.u32 $0x1FFFFFF0, s11;
	s10 =	spop (v2sf)  }
0x9f: {  	[tilespmem:s9], [sflag:$0x9] =	stream.linear.gather [hbm4b:s7+s19], $0x40, $0x38;
	[tilespmem:$0x1EF88] =	vst v63  }
0xa0: {  	s7 =	sadd.s32 s6, s8;
	s8 =	sand.u32 $0x1FFFFFF0, s10;
	s9 =	spop (v2sf)  }
0xa1: {  	[tilespmem:s16], [sflag:$0x9] =	stream.linear.gather [hbm4b:s7+s19], $0x40, $0x38;
	[tilespmem:$0x1EF88] =	vst v63  }
0xa2: {  	s7 =	sadd.s32 s6, s8;
	s8 =	sand.u32 $0x1FFFFFF0, s9;
	s9 =	spop (v2sf)  }
0xa3: {  	[tilespmem:s3], [sflag:$0x9] =	stream.linear.gather [hbm4b:s7+s19], $0x40, $0x38;
	[tilespmem:$0x1EF88] =	vst v63  }
0xa4: {  	s3 =	sadd.s32 s6, s8;
	s7 =	sand.u32 $0x1FFFFFF0, s9;
	s8 =	spop (v2sf)  }
0xa5: {  	[tilespmem:s2], [sflag:$0x9] =	stream.linear.gather [hbm4b:s3+s19], $0x40, $0x38;
	[tilespmem:$0x1EF88] =	vst v63  }
0xa6: {  	s2 =	sadd.s32 s6, s7;
	s3 =	sand.u32 $0x1FFFFFF0, s8;
	s7 =	spop (v2sf)  }
0xa7: {  	[tilespmem:s5], [sflag:$0x9] =	stream.linear.gather [hbm4b:s2+s19], $0x40, $0x38;
	[tilespmem:$0x1EF88] =	vst v63  }
0xa8: {  	s2 =	sadd.s32 s6, s3;
	s3 =	sand.u32 $0x1FFFFFF0, s7;
	s5 =	spop (v2sf)  }
0xa9: {  	[tilespmem:s4], [sflag:$0x9] =	stream.linear.gather [hbm4b:s2+s19], $0x40, $0x38;
	[tilespmem:$0x1EF88] =	vst v63  }
0xaa: {  	s2 =	sadd.s32 s6, s3  }
.Ltmp4:
0xab: {  	s3 =	sand.u32 $0x1FFFFFF0, s5;
	s4 =	spop (v2sf);
	(pc) =	sbr.rel @p2 .LBB2_5-.Ltmp4, $4  }
0xac: {  	[tilespmem:s0], [sflag:$0x9] =	stream.linear.gather [hbm4b:s2+s19], $0x40, $0x38;
	[tilespmem:$0x1EF88] =	vst v63  }
0xad: {  	s0 =	sadd.s32 s6, s3;
	s2 =	sadd.s32 $0xFFFFFF80, s30;
	s3 =	sand.u32 $0x1FFFFFF0, s4  }
0xae: {  	[tilespmem:s2], [sflag:$0x9] =	stream.linear.gather [hbm4b:s0+s19], $0x40, $0x38;
	[tilespmem:$0x1EF88] =	vst v63  }
0xaf: {  	s31 =	sadd.s32 $0x10, s31;
	s30 =	sadd.s32 $0x800, s30;
	s2 =	sadd.s32 s6, s3  }
0xb0: {  	[tilespmem:s28], [sflag:$0x9] =	stream.linear.gather [hbm4b:s2+s19], $0x40, $0x38;
	[tilespmem:$0x1EF88] =	vst v63  }
0xb1: {  	s12 =	rddreg [dreg:$0x5]  }
0xb2: {  	s14 =	rddreg [dreg:$0x6]  }
0xb3: {  	s15 =	rddreg [dreg:$0x7]  }
0xb4: {  	s17 =	rddreg [dreg:$0x8]  }
0xb5: {  	s18 =	rddreg [dreg:$0xa]  }
0xb6: {  	s22 =	rddreg [dreg:$0xb]  }
.LBB2_7:
0xb7: {  	p2 =	slt.u32 s25, $0x2  }
.Ltmp5:
0xb8: {  	_ = 	snop;
	(pc) =	sbr.rel @p2 .LBB2_25-.Ltmp5, $1  }
0xb9: {  	_ =	sdelay $0x3  }
0xba: {  	p2 =	sgt.s32 s26, $0x61940;
	s0 =	smov.u32 s26;
	s2 =	sshra.s32 s26, $0x1F  }
0xbb: {  	s0 =	simm.s32 @!p2 $0x61940;
	s2 =	sand.u32 s2, s26  }
0xbc: {  	s0 =	ssub.s32 s0, s2  }
0xbd: {  	s0 =	sadd.s32 $0xFFF9E6C0, s0  }
0xbe: {  	s3 =	simm.s32 $0x9;
	s29 =	sshll.u32 s0, $0x2  }
0xbf: {  	_ =	swait.ge [sflag:s3], $0x5000;
	s2 =	ssub.s32 $0x500, s29  }
0xc0: {  	[sflag:s3] =	ssyncset.done $0x0;
	p2 =	sgt.s32 s0, $0x13F;
	s0 =	sshrl.u32 s2, $0x2  }
0xc1: {  	s30 =	simm.s32 $0xB;
	[sflag:s3] =	ssyncadd.s32 $0xFFFFB000;
	s0 =	simm.s32 @p2 $0x0  }
0xc2: {  	_ =	swait.ge [sflag:s30], s0  }
0xc3: {  	s0 =	ssub.s32 $0x0, s0;
	[sflag:s30] =	ssyncset.done $0x0  }
0xc4: {  	[sflag:s30] =	ssyncadd.s32 s0  }
0xc5: {  	v1 =	vld [tilespmem:$0xA108];
	_ =	sdelay $0x4  }
0xc6: {  	(v2sf) =	vpush v1, $0x0  }
0xc7: {  	(v2sf) =	vpush v1, $0x1  }
0xc8: {  	(v2sf) =	vpush v1, $0x2;
	_ =	sdelay $0x3  }
0xc9: {  	s0 =	sadd.s32 $0x140, s26  }
0xca: {  	s4 =	ssub.s32 $0xC3500, s26;
	p2 =	slt.s32 s14, s0  }
0xcb: {  	s0 =	smov.u32 @p2 s14;
	p2 =	sgt.s32 s4, $0x0  }
0xcc: {  	s0 =	ssub.s32 s0, s26;
	s4 =	simm.s32 @!p2 $0x0  }
0xcd: {  	p2 =	slt.s32 s4, s0  }
0xce: {  	s0 =	smov.u32 @p2 s4  }
0xcf: {  	s2 =	simm.s32 $0x1;
	p2 =	slt.s32 s0, $0x1  }
.Ltmp6:
0xd0: {  	s2 =	simm.s32 @!p1 $0x0;
	(pc) =	sbr.rel @p2 .LBB2_12-.Ltmp6, $4  }
0xd1: {  	s7 =	smul.u32 $0x500, s2  }
0xd2: {  	s3 =	spop (v2sf)  }
0xd3: {  	s31 =	sshrl.u32 s7, $0x2;
	s5 =	spop (v2sf)  }
0xd4: {  	s28 =	sadd.s32 $0xAD08, s31;
	s26 =	spop (v2sf)  }
0xd5: {  	s4 =	smin.u32 s0, $0x10  }
0xd6: {  	v1 =	vmov s4  }
0xd7: {  	p3 =	sgt.s32 s0, $0x10;
	vm1 =	vgt.u32 v1, v0  }
.Ltmp7:
0xd8: {  	_ = 	snop;
	(pc) =	sbr.rel @!p3 .LBB2_11-.Ltmp7, $2  }
0xd9: {  	_ =	sdelay $0x2  }
0xda: {  	s9 =	simm.s32 $0x10;
	s10 =	sadd.s32 $0xFFFFFFF0, s0;
	s4 =	smov.u32 s28;
	vm0 =	vmmov vm1  }
.LBB2_10:
0xdb: {  	s7 =	smin.u32 s10, $0x10;
	s9 =	sadd.s32 $0x10, s9;
	v1 =	vld.msk [tilespmem:s4+$0x0 ss:$0x1], vm1  }
0xdc: {  	v2 =	vmov s7;
	p3 =	slt.s32 s9, s0  }
0xdd: {  	vm1 =	vgt.u32 v2, v0  }
.Ltmp8:
0xde: {  	(pc) =	sbr.rel @p3 .LBB2_10-.Ltmp8, $3  }
0xdf: {  	_ =	sdelay $0x1  }
0xe0: {  	v1 =	vshll.u32 v1, $0x4  }
0xe1: {  	s10 =	sadd.s32 $0xFFFFFFF0, s10;
	[tilespmem:s4+$0x0] =	vst.msk vm0, v1;
	s4 =	sadd.s32 $0x10, s4;
	vm0 =	vmmov vm1  }
.LBB2_11:
0xe2: {  	_ =	sdelay $0x4  }
0xe3: {  	v1 =	vld.msk [tilespmem:s4+$0x0 ss:$0x1], vm1;
	_ =	sdelay $0x4  }
0xe4: {  	v1 =	vshll.u32 v1, $0x4  }
0xe5: {  	[tilespmem:s4+$0x0] =	vst.msk vm0, v1  }
.LBB2_12:
0xe6: {  	s4 =	sand.u32 $0x1, s25  }
0xe7: {  	s4 =	smul.u32 $0x140, s4  }
0xe8: {  	p3 =	sne.s32 s5, $0xFFFFFFFF  }
0xe9: {  	v1 =	vld.msk @!p3 [tilespmem:s4+$0xAD08], $0x1;
	_ =	sdelay $0x4  }
0xea: {  	(v2sf) =	vpush @!p3 v1, $0x0;
	_ =	sdelay $0xc  }
.Ltmp9:
0xeb: {  	_ = 	snop;
	(pc) =	sbr.rel @p2 .LBB2_23-.Ltmp9, $4  }
0xec: {  	_ = 	snop  }
0xed: {  	s29 =	spop @!p3 (v2sf)  }
0xee: {  	s31 =	simm.s32 $0xC;
	s26 =	simm.s32 @!p3 $0x0;
	s4 =	smov.u32 s29  }
0xef: {  	[sflag:s31] =	ssyncpa.u1 $0x0;
	s29 =	smov.u32 @p3 s3;
	s4 =	smov.u32 @p3 s5  }
0xf0: {  	v1 =	vld.msk [tilespmem:s28+$0x0], $0x1;
	_ =	sdelay $0x4  }
0xf1: {  	(v2sf) =	vpush v1, $0x0;
	_ =	sdelay $0xe  }
0xf2: {  	s2 =	smul.u32 $0x28000, s2;
	s5 =	spop (v2sf)  }
0xf3: {  	s31 =	ssub.s32 $0x0, s0;
	p2 =	seq.s32 s29, s5  }
0xf4: {  	s3 =	smov.u32 s29;
	s2 =	sshrl.u32 s2, $0x2;
	p3 =	sgt.s32 @!p2 s29, $0x0  }
0xf5: {  	s30 =	sadd.s32 $0xAFA8, s2;
	s2 =	sadd.s32 $0x1, s31;
	p3 =	por !p3, p2  }
0xf6: {  	s3 =	simm.s32 @p3 $0x0;
	p3 =	seq.s32 s2, $0x0  }
.Ltmp10:
0xf7: {  	_ = 	snop;
	(pc) =	sbr.rel @p3 .LBB2_15-.Ltmp10, $4  }
0xf8: {  	_ = 	snop  }
0xf9: {  	s0 =	simm.s32 $0x0;
	s9 =	simm.s32 @!p2 $0x1;
	s3 =	smin.u32 @!p2 s3, $0xC3FF8  }
0xfa: {  	s10 =	simm.s32 @!p2 $0x50C8;
	s9 =	smov.u32 @p2 s0;
	s7 =	sand.u32 @!p2 $0xFFFF8, s3  }
0xfb: {  	s16 =	sand.u32 @!p2 $0x7, s3;
	s3 =	sadd.s32 $0x1, s28;
	s11 =	sadd.s32 @!p2 s1, s7  }
.LBB2_14:
0xfc: {  	s7 =	smov.u32 s9  }
0xfd: {  	[tilespmem:s10], [sflag:$0x2] =	stream.linear.gather @!p2 [hbm4b:s11+s16], $0x40, $0x38;
	[tilespmem:$0x1EF88] =	vst v63  }
0xfe: {  	s2 =	sadd.s32 $0x1, s2;
	s8 =	smov.u32 s5;
	v1 =	vld.msk [tilespmem:s3+$0x0], $0x1  }
0xff: {  	p3 =	seq.s32 s2, $0x0;
	_ =	sdelay $0x3  }
0x100: {  	(v2sf) =	vpush v1, $0x0;
	_ =	sdelay $0xe  }
0x101: {  	s5 =	spop (v2sf)  }
0x102: {  	p2 =	seq.s32 s8, s5  }
0x103: {  	p4 =	sgt.s32 @!p2 s8, $0x0;
	s10 =	sshll.u32 @!p2 s9, $0x8;
	s9 =	sadd.s32 @!p2 $0x1, s9  }
.Ltmp11:
0x104: {  	p4 =	por !p4, p2;
	s10 =	sshra.s32 @!p2 s10, $0x2;
	(pc) =	sbr.rel @!p3 .LBB2_14-.Ltmp11, $4  }
0x105: {  	s9 =	smov.u32 @p2 s7;
	s8 =	simm.s32 @p4 $0x0;
	s10 =	sadd.s32 @!p2 $0x50C8, s10  }
0x106: {  	s7 =	smin.u32 @!p2 s8, $0xC3FF8  }
0x107: {  	s8 =	sand.u32 @!p2 $0xFFFF8, s7;
	s16 =	sand.u32 @!p2 $0x7, s7  }
0x108: {  	s3 =	sadd.s32 $0x1, s3;
	s11 =	sadd.s32 @!p2 s1, s8  }
.LBB2_15:
0x109: {  	[tilespmem:s10], [sflag:$0x2] =	stream.linear.gather @!p2 [hbm4b:s11+s16], $0x40, $0x38;
	[tilespmem:$0x1EF88] =	vst v63  }
.Ltmp12:
0x10a: {  	s2 =	sshll.u32 s9, $0x6;
	(pc) =	sbr.rel .LBB2_16-.Ltmp12, $4  }
0x10b: {  	s3 =	simm.s32 $0x2;
	s2 =	sand.u32 $0x3FFFFFC0, s2  }
0x10c: {  	_ =	swait.ge [sflag:s3], s2  }
0x10d: {  	s2 =	ssub.s32 $0x0, s2;
	[sflag:s3] =	ssyncset.done $0x0  }
0x10e: {  	[sflag:s3] =	ssyncadd.s32 s2;
	s3 =	simm.s32 $0x0  }
.LBB2_17:
0x10f: {  	v1 =	vld [tilespmem:s30+$0xFFFFFFE0];
	_ =	sdelay $0x4  }
0x110: {  	[tilespmem:s5+$0x88] =	vst.add.f32.msk $0xffff, v1  }
0x111: {  	v1 =	vld [tilespmem:s30+$0xFFFFFFF0];
	_ =	sdelay $0x4  }
0x112: {  	[tilespmem:s5+$0x98] =	vst.add.f32.msk $0xffff, v1  }
0x113: {  	v1 =	vld [tilespmem:s30+$0x0];
	_ =	sdelay $0x4  }
0x114: {  	[tilespmem:s5+$0xA8] =	vst.add.f32.msk $0xffff, v1  }
0x115: {  	v1 =	vld [tilespmem:s30+$0x10];
	_ =	sdelay $0x4  }
0x116: {  	[tilespmem:s5+$0xB8] =	vst.add.f32.msk $0xffff, v1  }
.LBB2_21:
0x117: {  	s31 =	sadd.s32 $0x1, s31  }
0x118: {  	p2 =	seq.s32 s31, $0x0  }
.Ltmp13:
0x119: {  	_ = 	snop;
	(pc) =	sbr.rel @p2 .LBB2_22-.Ltmp13, $2  }
0x11a: {  	_ =	sdelay $0x2  }
0x11b: {  	s30 =	sadd.s32 $0x80, s30;
	s28 =	sadd.s32 $0x1, s28;
	s29 =	smov.u32 s2  }
.LBB2_16:
0x11c: {  	v1 =	vld.msk [tilespmem:s28+$0x0], $0x1;
	_ =	sdelay $0x4  }
0x11d: {  	(v2sf) =	vpush v1, $0x0;
	_ =	sdelay $0xe  }
0x11e: {  	s2 =	spop (v2sf)  }
0x11f: {  	p2 =	sne.s32 s29, s2  }
.Ltmp14:
0x120: {  	_ = 	snop;
	(pc) =	sbr.rel @!p2 .LBB2_17-.Ltmp14, $3  }
0x121: {  	_ =	sdelay $0x1  }
0x122: {  	s5 =	sshll.u32 s26, $0x8  }
0x123: {  	s5 =	sshra.s32 s5, $0x2  }
0x124: {  	p2 =	seq.s32 s29, s4  }
.Ltmp15:
0x125: {  	_ = 	snop;
	(pc) =	sbr.rel @!p2 .LBB2_19-.Ltmp15, $1  }
0x126: {  	_ =	sdelay $0x3  }
.Ltmp16:
0x127: {  	s5 =	sadd.s32 $0x88, s5;
	(pc) =	sbr.rel .LBB2_20-.Ltmp16, $4  }
0x128: {  	[spmem:s18] =	stream.linear.scatter [tilespmem:s5], [sflag:$0x1], $0x40, $0x38;
	[tilespmem:$0x1EF88] =	vst v63  }
0x129: {  	_ =	swait.ge [sflag:s13], $0x40  }
0x12a: {  	[sflag:s13] =	ssyncset.done $0x0  }
0x12b: {  	[sflag:s13] =	ssyncadd.s32 $0xFFFFFFC0  }
.LBB2_19:
0x12c: {  	s7 =	sshll.u32 s0, $0x8  }
0x12d: {  	s7 =	sshra.s32 s7, $0x2  }
0x12e: {  	v1 =	vld [tilespmem:s7+$0x50C8];
	_ =	sdelay $0x4  }
0x12f: {  	[tilespmem:s5+$0x88] =	vst.add.f32.msk $0xffff, v1  }
0x130: {  	v1 =	vld [tilespmem:s7+$0x50D8];
	_ =	sdelay $0x4  }
0x131: {  	[tilespmem:s5+$0x98] =	vst.add.f32.msk $0xffff, v1  }
0x132: {  	v1 =	vld [tilespmem:s7+$0x50E8];
	_ =	sdelay $0x4  }
0x133: {  	[tilespmem:s5+$0xA8] =	vst.add.f32.msk $0xffff, v1  }
0x134: {  	v1 =	vld [tilespmem:s7+$0x50F8];
	_ =	sdelay $0x2  }
0x135: {  	p2 =	sgt.u32 s29, $0xC3FF8  }
0x136: {  	s7 =	sand.u32 @!p2 $0xFFFF8, s29  }
0x137: {  	s8 =	sadd.s32 $0x88, s5;
	[tilespmem:s5+$0xB8] =	vst.add.f32.msk $0xffff, v1;
	s5 =	sadd.s32 @!p2 s1, s7;
	s7 =	sand.u32 @!p2 $0x7, s29  }
0x138: {  	[hbm4b:s5+s7] =	stream.linear.scatter @!p2 [tilespmem:s8], [sflag:$0xC], $0x40, $0x38;
	[tilespmem:$0x1EF88] =	vst v63  }
0x139: {  	s5 =	simm.s32 $0x0  }
0x13a: {  	s5 =	simm.s32 @!p2 $0x100  }
0x13b: {  	s3 =	sadd.s32 s5, s3  }
.LBB2_20:
0x13c: {  	s5 =	sadd.s32 $0x1, s26  }
0x13d: {  	s7 =	smulhi.u32 $0xCCCCCCCD, s5;
	_ =	sdelay $0x1  }
0x13e: {  	v1 =	vld [tilespmem:s30+$0xFFFFFFE0];
	s7 =	sshrl.u32 s7, $0x8  }
0x13f: {  	s7 =	smul.u32 $0x140, s7;
	_ =	sdelay $0x1  }
0x140: {  	s26 =	ssub.s32 s5, s7  }
0x141: {  	s5 =	sshll.u32 s26, $0x6  }
0x142: {  	[tilespmem:s5+$0x88] =	vst v1  }
0x143: {  	v1 =	vld [tilespmem:s30+$0xFFFFFFF0];
	_ =	sdelay $0x4  }
0x144: {  	[tilespmem:s5+$0x98] =	vst v1  }
0x145: {  	v1 =	vld [tilespmem:s30+$0x0];
	_ =	sdelay $0x4  }
0x146: {  	[tilespmem:s5+$0xA8] =	vst v1  }
0x147: {  	v1 =	vld [tilespmem:s30+$0x10]  }
.Ltmp17:
0x148: {  	_ = 	snop;
	(pc) =	sbr.rel .LBB2_21-.Ltmp17, $2  }
0x149: {  	_ =	sdelay $0x2  }
0x14a: {  	s0 =	sadd.s32 $0x1, s0;
	[tilespmem:s5+$0xB8] =	vst v1  }
.LBB2_23:
.Ltmp18:
0x14b: {  	(pc) =	sbr.rel .LBB2_24-.Ltmp18, $4  }
0x14c: {  	_ = 	snop  }
0x14d: {  	s0 =	simm.s32 $0x2  }
0x14e: {  	_ =	swait.ge [sflag:s0], $0x0  }
0x14f: {  	s2 =	smov.u32 s29;
	[sflag:s0] =	ssyncset.done $0x0;
	s0 =	simm.s32 $0x0  }
.LBB2_26:
0x150: {  	_ =	sfence.sel $0x180000  }
0x151: {  	s0 =	simm.s32 $0x9;
	[bflag:$0x0] =	sbarrier.arrive $0xFFFF  }
0x152: {  	s24 =	simm.s32 $0xA;
	[sflag:s0] =	ssyncpa.u1 $0x1  }
0x153: {  	s25 =	simm.s32 $0xB;
	[sflag:s24] =	ssyncpa.u1 $0x1  }
0x154: {  	s26 =	simm.s32 $0x2;
	[sflag:s25] =	ssyncpa.u1 $0x1  }
0x155: {  	[sflag:s26] =	ssyncpa.u1 $0x1  }
0x156: {  	v0 =	vld [tilespmem:$0xA108];
	_ =	sdelay $0x4  }
0x157: {  	(v2sf) =	vpush v0, $0x0  }
0x158: {  	(v2sf) =	vpush v0, $0x1;
	_ =	sdelay $0x1  }
0x159: {  	(v2sf) =	vpush v0, $0x2;
	_ =	sdelay $0xb  }
0x15a: {  	s0 =	spop (v2sf)  }
0x15b: {  	s2 =	spop (v2sf)  }
0x15c: {  	s3 =	smov.u32 s0;
	p0 =	sne.s32 s0, s2  }
0x15d: {  	s4 =	spop (v2sf);
	s3 =	simm.s32 @!p0 $0xFFFFFFFF  }
0x15e: {  	v2 =	vimm.s32 $0x1;
	v3 =	vlaneseq.u32;
	p0 =	seq.s32 s4, $0xFFFFFFFF;
	v1 =	vmov s3  }
0x15f: {  	s14 =	stileid.u32;
	v0 =	vperm.xlane v0, v2;
	p1 =	sne.s32 @!p0 s0, s2;
	v1 =	vperm.xlane v1, v3  }
0x160: {  	vm0 =	vcmask $0x3F04;
	s6 =	simm.s32 $0xA108;
	s0 =	simm.s32 @!p0 $0x1;
	p1 =	por !p1, p0  }
0x161: {  	s3 =	sshll.u32 s14, $0x1;
	s2 =	sshll.u32 @!p0 s4, $0x8;
	s0 =	simm.s32 @p1 $0x0;
	v0 =	vsel vm0, v1, v0  }
0x162: {  	s5 =	sor.u32 $0x800, s3;
	s2 =	sshra.s32 @!p0 s2, $0x2;
	s0 =	sor.u32 @!p0 s0, s3;
	[tilespmem:$0xA108] =	vst v0  }
0x163: {  	[spmem:s5] =	stream.linear.scatter [tilespmem:s6], [sflag:$0x1], $0x2, $0x38;
	[tilespmem:$0x1EF88] =	vst v63  }
0x164: {  	s2 =	sadd.s32 @!p0 $0x88, s2;
	s0 =	sshll.u32 @!p0 s0, $0x6  }
0x165: {  	[spmem:s0] =	stream.linear.scatter @!p0 [tilespmem:s2], [sflag:$0x1], $0x40, $0x38;
	[tilespmem:$0x1EF88] =	vst v63  }
0x166: {  	s0 =	simm.s32 @!p0 $0x42  }
0x167: {  	s28 =	simm.s32 $0x1;
	s0 =	simm.s32 @p0 $0x2  }
0x168: {  	_ =	swait.ge [sflag:s28], s0  }
0x169: {  	s0 =	ssub.s32 $0x0, s0;
	[sflag:s28] =	ssyncset.done $0x0  }
0x16a: {  	p0 =	sne.s32 s14, $0x0;
	[sflag:s28] =	ssyncadd.s32 s0  }
.Ltmp19:
0x16b: {  	_ =	sfence.stream.spmem;
	(pc) =	sbr.rel @p0 .LBB2_43-.Ltmp19, $4  }
0x16c: {  	s29 =	simm.s32 $0x3;
	[bflag:$0x0] =	sbarrier.arrive $0xFFFF  }
0x16d: {  	s30 =	simm.s32 $0x4;
	[sflag:s29] =	ssyncpa.u1 $0x1  }
0x16e: {  	s31 =	simm.s32 $0x3C;
	[sflag:s30] =	ssyncpa.u1 $0x1  }
0x16f: {  	s13 =	rddreg [dreg:$0x4];
	[sflag:s31] =	ssyncpa.u1 $0x1  }
0x170: {  	_ =	sfence.stream.spmem;
	s0 =	simm.s32 $0x5  }
0x171: {  	s2 =	simm.s32 $0x800;
	s3 =	simm.s32 $0xA118;
	[sflag:s0] =	ssyncpa.u1 $0x0  }
0x172: {  	[tilespmem:s3], [sflag:$0x5] =	stream.linear.gather [spmem:s2], $0x20, $0x38;
	[tilespmem:$0x1EF88] =	vst v63  }
0x173: {  	s26 =	simm.s32 $0x0;
	s28 =	simm.s32 $0xA138  }
0x174: {  	[tilespmem:s28], [sflag:$0x5] =	stream.linear.gather [spmem:s26], $0x800, $0x38;
	[tilespmem:$0x1EF88] =	vst v63  }
0x175: {  	_ =	swait.ge [sflag:s0], $0x820  }
0x176: {  	[sflag:s0] =	ssyncset.done $0x0  }
0x177: {  	s29 =	simm.s32 $0x0;
	[sflag:s0] =	ssyncadd.s32 $0xFFFFF7E0  }
0x178: {  	v0 =	vld.msk [tilespmem:s29+$0xA118], $0x1;
	_ =	sdelay $0x1  }
0x179: {  	s30 =	simm.s32 $0x1  }
0x17a: {  	v1 =	vld.msk [tilespmem:s30+$0xA118], $0x1;
	_ =	sdelay $0x1  }
0x17b: {  	(v2sf) =	vpush v0, $0x0;
	_ =	sdelay $0x2  }
0x17c: {  	(v2sf) =	vpush v1, $0x0;
	_ =	sdelay $0x2  }
0x17d: {  	s31 =	simm.s32 $0x2  }
0x17e: {  	v0 =	vld.msk [tilespmem:s31+$0xA118], $0x1;
	_ =	sdelay $0x2  }
0x17f: {  	s2 =	simm.s32 $0xFFFFFFFF;
	s3 =	simm.s32 $0xFFFFFFFF;
	s0 =	simm.s32 $0xC  }
.LBB2_28:
0x180: {  	s4 =	smov.u32 s3;
	s5 =	smov.u32 s2  }
0x181: {  	s2 =	sshra.s32 s0, $0x2;
	p1 =	sne.s32 s0, $0x7C;
	s0 =	sadd.s32 $0x4, s0;
	(v2sf) =	vpush v0, $0x0  }
0x182: {  	v0 =	vld.msk [tilespmem:s2+$0xA118], $0x1  }
.Ltmp20:
0x183: {  	(pc) =	sbr.rel @p1 .LBB2_28-.Ltmp20, $4  }
0x184: {  	s3 =	spop (v2sf)  }
0x185: {  	p2 =	sne.s32 s5, $0xFFFFFFFF;
	s2 =	smov.u32 s3  }
0x186: {  	p3 =	seq.s32 s3, $0xFFFFFFFF;
	s2 =	smov.u32 @p2 s5  }
0x187: {  	s3 =	smov.u32 @p3 s4;
	s2 =	smov.u32 @p3 s5  }
0x188: {  	(v2sf) =	vpush v0, $0x0;
	_ =	sdelay $0x8  }
0x189: {  	s0 =	spop (v2sf)  }
0x18a: {  	p1 =	sne.s32 s2, $0xFFFFFFFF;
	s4 =	smov.u32 s0  }
0x18b: {  	s6 =	simm.s32 $0x0;
	p2 =	seq.s32 s0, $0xFFFFFFFF;
	s4 =	smov.u32 @p1 s2  }
0x18c: {  	s9 =	simm.s32 $0xA0C8;
	s4 =	smov.u32 @p2 s2;
	s2 =	spop (v2sf)  }
0x18d: {  	s0 =	smov.u32 @p2 s3;
	p1 =	sne.s32 s4, $0xFFFFFFFF;
	s5 =	smov.u32 s2  }
.Ltmp21:
0x18e: {  	p2 =	seq.s32 s2, $0xFFFFFFFF;
	s5 =	smov.u32 @p1 s4;
	(pc) =	sbr.rel .LBB2_30-.Ltmp21, $4  }
0x18f: {  	s10 =	simm.s32 $0x0;
	s5 =	smov.u32 @p2 s4;
	s7 =	spop (v2sf)  }
0x190: {  	s2 =	smov.u32 @p2 s0;
	p1 =	sne.s32 s5, $0xFFFFFFFF;
	s8 =	smov.u32 s7  }
0x191: {  	s0 =	simm.s32 $0x6;
	p2 =	seq.s32 s7, $0xFFFFFFFF;
	s8 =	smov.u32 @p1 s5  }
0x192: {  	[sflag:s0] =	ssyncpa.u1 $0x0;
	s7 =	smov.u32 @p2 s2;
	s8 =	smov.u32 @p2 s5  }
.LBB2_36:
0x193: {  	p1 =	sgt.u32 s2, $0xC3FF8  }
0x194: {  	p2 =	seq.s32 @!p1 s2, s8  }
0x195: {  	p1 =	por p1, p2  }
0x196: {  	p2 =	sne.s32 @!p1 s2, s7  }
0x197: {  	p1 =	por p1, !p2  }
0x198: {  	s2 =	sshll.u32 @p1 s10, $0x8  }
0x199: {  	s3 =	sand.u32 @!p1 $0xFFFF8, s2  }
0x19a: {  	s2 =	sand.u32 @!p1 $0x7, s2;
	s3 =	sadd.s32 @!p1 s1, s3  }
0x19b: {  	[tilespmem:s9], [sflag:$0x6] =	stream.linear.gather @!p1 [hbm4b:s3+s2], $0x40, $0x38;
	[tilespmem:$0x1EF88] =	vst v63  }
0x19c: {  	_ =	swait.ge @!p1 [sflag:s0], $0x40  }
0x19d: {  	[sflag:s0] =	ssyncset.done @!p1 $0x0  }
0x19e: {  	[sflag:s0] =	ssyncadd.s32 @!p1 $0xFFFFFFC0  }
0x19f: {  	v1 =	vld @!p1 [tilespmem:$0xA0C8];
	_ =	sdelay $0x2  }
0x1a0: {  	s2 =	sshll.u32 @!p1 s10, $0x8  }
0x1a1: {  	s3 =	sshrl.u32 @!p1 s2, $0x2  }
0x1a2: {  	[tilespmem:s3+$0xA138] =	vst.add.f32.msk @!p1 $0xffff, v1  }
0x1a3: {  	v1 =	vld @!p1 [tilespmem:$0xA0D8];
	_ =	sdelay $0x4  }
0x1a4: {  	[tilespmem:s3+$0xA148] =	vst.add.f32.msk @!p1 $0xffff, v1  }
0x1a5: {  	v1 =	vld @!p1 [tilespmem:$0xA0E8];
	_ =	sdelay $0x4  }
0x1a6: {  	[tilespmem:s3+$0xA158] =	vst.add.f32.msk @!p1 $0xffff, v1  }
0x1a7: {  	v1 =	vld @!p1 [tilespmem:$0xA0F8];
	_ =	sdelay $0x4  }
0x1a8: {  	[tilespmem:s3+$0xA168] =	vst.add.f32.msk @!p1 $0xffff, v1  }
0x1a9: {  	s2 =	sshrl.u32 s2, $0x2;
	[tilespmem:s6+$0xA118] =	vst.msk $0x1, v0  }
0x1aa: {  	v0 =	vld [tilespmem:s2+$0xA138];
	_ =	sdelay $0x2  }
0x1ab: {  	s31 =	sshll.u32 s6, $0x8  }
0x1ac: {  	s3 =	sshra.s32 s31, $0x2  }
0x1ad: {  	[tilespmem:s3+$0xA138] =	vst v0  }
0x1ae: {  	v0 =	vld [tilespmem:s2+$0xA148];
	_ =	sdelay $0x4  }
0x1af: {  	[tilespmem:s3+$0xA148] =	vst v0  }
0x1b0: {  	v0 =	vld [tilespmem:s2+$0xA158];
	_ =	sdelay $0x4  }
0x1b1: {  	[tilespmem:s3+$0xA158] =	vst v0  }
0x1b2: {  	v0 =	vld [tilespmem:s2+$0xA168];
	_ =	sdelay $0x4  }
0x1b3: {  	s6 =	sadd.s32 $0x1, s6;
	[tilespmem:s3+$0xA168] =	vst v0  }
.LBB2_37:
0x1b4: {  	s10 =	sadd.s32 $0x1, s10  }
0x1b5: {  	p1 =	sne.s32 s10, $0x20  }
.Ltmp22:
0x1b6: {  	_ = 	snop;
	(pc) =	sbr.rel @!p1 .LBB2_38-.Ltmp22, $1  }
0x1b7: {  	_ =	sdelay $0x3  }
.LBB2_30:
0x1b8: {  	v0 =	vld.msk [tilespmem:s10+$0xA118], $0x1;
	_ =	sdelay $0x4  }
0x1b9: {  	(v2sf) =	vpush v0, $0x0;
	_ =	sdelay $0xe  }
0x1ba: {  	s2 =	spop (v2sf)  }
0x1bb: {  	p1 =	seq.s32 s2, $0xFFFFFFFF  }
.Ltmp23:
0x1bc: {  	_ = 	snop;
	(pc) =	sbr.rel @p1 .LBB2_37-.Ltmp23, $1  }
0x1bd: {  	_ =	sdelay $0x3  }
0x1be: {  	p1 =	slt.s32 s6, $0x1  }
.Ltmp24:
0x1bf: {  	_ = 	snop;
	(pc) =	sbr.rel @p1 .LBB2_36-.Ltmp24, $1  }
0x1c0: {  	_ =	sdelay $0x3  }
0x1c1: {  	s3 =	simm.s32 $0xA118;
	p1 =	por $0x0, $0x0  }
0x1c2: {  	v1 =	vld.msk @!p1 [tilespmem:s3+$0x0], $0x1;
	_ =	sdelay $0x4  }
0x1c3: {  	(v2sf) =	vpush @!p1 v1, $0x0;
	_ =	sdelay $0xd  }
0x1c4: {  	p3 =	sne.s32 s6, $0x1  }
.Ltmp25:
0x1c5: {  	s4 =	spop @!p1 (v2sf);
	(pc) =	sbr.rel @!p3 .LBB2_34-.Ltmp25, $4  }
0x1c6: {  	p2 =	seq.s32 @!p1 s2, s4  }
0x1c7: {  	s4 =	simm.s32 $0x0;
	p2 =	por !p2, p1  }
0x1c8: {  	s11 =	simm.s32 $0xFFFFFFFF;
	s4 =	simm.s32 @p2 $0xFFFFFFFF  }
0x1c9: {  	s5 =	simm.s32 $0x1;
	s4 =	smov.u32 @p1 s11  }
.LBB2_33:
0x1ca: {  	s11 =	smov.u32 s4;
	p1 =	sne.s32 s4, $0xFFFFFFFF  }
0x1cb: {  	s3 =	sadd.s32 $0x1, s3;
	s4 =	smov.u32 s5;
	s5 =	sadd.s32 $0x1, s5  }
0x1cc: {  	p2 =	sne.s32 s6, s5;
	v1 =	vld.msk @!p1 [tilespmem:s3+$0x0], $0x1;
	_ =	sdelay $0x4  }
0x1cd: {  	(v2sf) =	vpush @!p1 v1, $0x0;
	_ =	sdelay $0xe  }
.Ltmp26:
0x1ce: {  	s12 =	spop @!p1 (v2sf);
	(pc) =	sbr.rel @p2 .LBB2_33-.Ltmp26, $4  }
0x1cf: {  	p3 =	seq.s32 @!p1 s2, s12  }
0x1d0: {  	p3 =	por !p3, p1  }
0x1d1: {  	s4 =	simm.s32 @p3 $0xFFFFFFFF  }
0x1d2: {  	s4 =	smov.u32 @p1 s11  }
.LBB2_34:
0x1d3: {  	p1 =	seq.s32 s4, $0xFFFFFFFF  }
.Ltmp27:
0x1d4: {  	_ = 	snop;
	(pc) =	sbr.rel @p1 .LBB2_36-.Ltmp27, $1  }
0x1d5: {  	_ =	sdelay $0x3  }
0x1d6: {  	s2 =	sshll.u32 s10, $0x6  }
0x1d7: {  	s2 =	sand.u32 $0x3FFFFFC0, s2  }
0x1d8: {  	v0 =	vld [tilespmem:s2+$0xA138];
	_ =	sdelay $0x2  }
0x1d9: {  	s3 =	sshll.u32 s4, $0x8  }
0x1da: {  	s3 =	sshra.s32 s3, $0x2  }
0x1db: {  	[tilespmem:s3+$0xA138] =	vst.add.f32.msk $0xffff, v0  }
0x1dc: {  	v0 =	vld [tilespmem:s2+$0xA148];
	_ =	sdelay $0x4  }
0x1dd: {  	[tilespmem:s3+$0xA148] =	vst.add.f32.msk $0xffff, v0  }
0x1de: {  	v0 =	vld [tilespmem:s2+$0xA158];
	_ =	sdelay $0x4  }
0x1df: {  	[tilespmem:s3+$0xA158] =	vst.add.f32.msk $0xffff, v0  }
0x1e0: {  	v0 =	vld [tilespmem:s2+$0xA168]  }
.Ltmp28:
0x1e1: {  	_ = 	snop;
	(pc) =	sbr.rel .LBB2_37-.Ltmp28, $2  }
0x1e2: {  	_ =	sdelay $0x2  }
0x1e3: {  	[tilespmem:s3+$0xA168] =	vst.add.f32.msk $0xffff, v0  }
.LBB2_38:
0x1e4: {  	s0 =	simm.s32 $0x6;
	p1 =	seq.s32 s6, $0x0  }
0x1e5: {  	[sflag:s0] =	ssyncpa.u1 $0x1;
	v0 =	vimm.s32 @p1 $0xFFFFFFFF  }
0x1e6: {  	s0 =	sadd.s32 $0xFFFFFFFF, s6;
	[tilespmem:$0xA938] =	vst @p1 v0  }
0x1e7: {  	v0 =	vld.msk @!p1 [tilespmem:s0+$0xA118], $0x1;
	_ =	sdelay $0x1  }
0x1e8: {  	v1 =	vld.msk @!p1 [tilespmem:$0xA118], $0x1;
	_ =	sdelay $0x2  }
0x1e9: {  	p2 =	seq.s32 @!p1 s0, $0x0;
	v0 =	vbroadcast @!p1 v0, $0x0  }
0x1ea: {  	vm0 =	vmmov @!p1 $0x1;
	p2 =	por !p2, p1  }
0x1eb: {  	v1 =	vnsel @!p1 vm0, $0xFFFFFFFF, v1;
	vm0 =	vcmask @!p1 $0x308;
	v0 =	vpsel !p2, $0xFFFFFFFF, v0  }
0x1ec: {  	p2 =	sne.s32 @!p1 s8, s7;
	v0 =	vsel @!p1 vm0, v1, v0  }
0x1ed: {  	s2 =	simm.s32 @!p1 $0xA138;
	s3 =	simm.s32 @!p1 $0x0;
	p3 =	por !p2, p1;
	[tilespmem:$0xA938] =	vst @!p1 v0  }
0x1ee: {  	[spmem:s3] =	stream.linear.scatter @!p1 [tilespmem:s2], [sflag:$0x1], $0x40, $0x38;
	[tilespmem:$0x1EF88] =	vst v63  }
0x1ef: {  	s2 =	sshll.u32 @!p3 s0, $0x8  }
0x1f0: {  	s2 =	sshra.s32 @!p3 s2, $0x2  }
0x1f1: {  	s3 =	simm.s32 @!p3 $0x40;
	s2 =	sadd.s32 @!p3 $0xA138, s2  }
0x1f2: {  	[spmem:s3] =	stream.linear.scatter @!p3 [tilespmem:s2], [sflag:$0x1], $0x40, $0x38;
	[tilespmem:$0x1EF88] =	vst v63  }
0x1f3: {  	s2 =	simm.s32 @!p3 $0x1  }
0x1f4: {  	_ =	swait.ge @!p3 [sflag:s2], $0x80  }
0x1f5: {  	p1 =	por p2, p1;
	[sflag:s2] =	ssyncset.done @!p3 $0x0  }
0x1f6: {  	[sflag:s2] =	ssyncadd.s32 @!p3 $0xFFFFFF80;
	s2 =	simm.s32 @!p1 $0x1  }
0x1f7: {  	_ =	swait.ge @!p1 [sflag:s2], $0x40  }
0x1f8: {  	s29 =	simm.s32 $0xA938;
	[sflag:s2] =	ssyncset.done @!p1 $0x0  }
0x1f9: {  	s30 =	simm.s32 $0x800;
	s31 =	simm.s32 $0x1;
	[sflag:s2] =	ssyncadd.s32 @!p1 $0xFFFFFFC0  }
0x1fa: {  	[spmem:s30] =	stream.linear.scatter [tilespmem:s29], [sflag:$0x1], $0x10, $0x38;
	[tilespmem:$0x1EF88] =	vst v63  }
0x1fb: {  	_ =	swait.ge [sflag:s31], $0x10  }
0x1fc: {  	[sflag:s31] =	ssyncset.done $0x0  }
0x1fd: {  	p1 =	seq.s32 s13, $0x0;
	s9 =	rddreg [dreg:$0x1];
	[sflag:s31] =	ssyncadd.s32 $0xFFFFFFF0  }
0x1fe: {  	s3 =	sshll.u32 @p1 s9, $0xE;
	s8 =	rddreg [dreg:$0x2]  }
0x1ff: {  	s2 =	sadd.s32 @p1 $0x15C3C, s3;
	s3 =	sshll.u32 @p1 s8, $0x11  }
0x200: {  	_ =	sfence.stream.spmem;
	s2 =	sor.u32 @p1 s3, s2  }
0x201: {  	[sflag:s2] =	ssyncadd.remote.s32 @p1 $0x1;
	s2 =	simm.s32 @p1 $0x4  }
0x202: {  	s4 =	simm.s32 @!p1 $0x3C;
	s3 =	sand.u32 $0xFFFFFFFE, s9;
	_ =	swait.ge @p1 [sflag:s2], $0x12  }
0x203: {  	s5 =	simm.s32 @!p1 $0x0;
	s3 =	sadd.s32 @!p1 $0x4, s3;
	[sflag:s2] =	ssyncset.done @p1 $0x0  }
0x204: {  	s7 =	simm.s32 @!p1 $0x80;
	[sflag:s2] =	ssyncadd.s32 @p1 $0xFFFFFFEE;
	s2 =	sshll.u32 @!p1 s3, $0x1A  }
0x205: {  	s3 =	sshll.u32 @!p1 s3, $0xD;
	s2 =	sor.u32 @!p1 s2, s8;
	_ =	swait.eq @!p1 [sflag:s4], $0x1  }
0x206: {  	s3 =	sor.u32 @!p1 $0x1C04, s3;
	s4 =	simm.s32 @!p1 $0x1C03;
	s2 =	sor.u32 @!p1 $0x80004000, s2  }
0x207: {  	[spmem:s7], [sflag:s3] =	dma.general @!p1 [spmem:s5], [sflag:s4], length:$0x10, [dreg:$0x0], stride_count:$0x0, ici_dest:s2, dma_misc:DstOpCode:WRITE  }
0x208: {  	p2 =	slt.s32 s0, $0x2;
	s5 =	simm.s32 @!p1 $0x100;
	s7 =	simm.s32 @!p1 $0x102  }
0x209: {  	[spmem:s7], [sflag:s3] =	dma.general @!p1 [spmem:s5], [sflag:s4], length:$0x2, [dreg:$0x0], stride_count:$0x0, ici_dest:s2, dma_misc:DstOpCode:WRITE  }
.Ltmp29:
0x20a: {  	s2 =	simm.s32 @!p1 $0x3;
	(pc) =	sbr.rel @p2 .LBB2_42-.Ltmp29, $4  }
0x20b: {  	s3 =	sshll.u32 @!p1 s9, $0xE;
	_ =	swait.ge @!p1 [sflag:s2], $0x12  }
0x20c: {  	s4 =	sshll.u32 @!p1 s8, $0x11;
	s3 =	sadd.s32 @!p1 $0x11C3C, s3;
	[sflag:s2] =	ssyncset.done @!p1 $0x0  }
0x20d: {  	[sflag:s2] =	ssyncadd.s32 @!p1 $0xFFFFFFEE;
	s2 =	sor.u32 @!p1 s4, s3  }
0x20e: {  	s0 =	simm.s32 $0x0;
	[sflag:s2] =	ssyncadd.remote.s32 @!p1 $0xFFFFFFFF  }
0x20f: {  	s0 =	simm.s32 $0xA119  }
0x210: {  	v0 =	vld.msk [tilespmem:s0+$0x0], $0x1;
	_ =	sdelay $0x4  }
0x211: {  	(v2sf) =	vpush v0, $0x0;
	_ =	sdelay $0xc  }
0x212: {  	s2 =	sadd.s32 $0xFFFFFFFE, s6  }
0x213: {  	s2 =	sadd.s32 $0xFFFFFFFF, s2  }
0x214: {  	p2 =	sne.s32 s2, $0x0;
	s3 =	spop (v2sf)  }
.Ltmp30:
0x215: {  	p1 =	sgt.u32 s3, $0xC3FF8;
	(pc) =	sbr.rel @!p2 .LBB2_41-.Ltmp30, $4  }
0x216: {  	s5 =	simm.s32 $0x0;
	s4 =	sand.u32 @!p1 $0xFFFF8, s3  }
0x217: {  	s0 =	simm.s32 $0xA178;
	s3 =	sand.u32 @!p1 $0x7, s3;
	s4 =	sadd.s32 @!p1 s1, s4  }
0x218: {  	[hbm4b:s4+s3] =	stream.linear.scatter @!p1 [tilespmem:s0], [sflag:$0x5], $0x40, $0x38;
	[tilespmem:$0x1EF88] =	vst v63  }
0x219: {  	s5 =	simm.s32 @!p1 $0x100;
	s3 =	simm.s32 $0x0;
	s4 =	simm.s32 $0xA11A  }
.LBB2_40:
0x21a: {  	v0 =	vld.msk [tilespmem:s4+$0x0], $0x1;
	s2 =	sadd.s32 $0xFFFFFFFF, s2;
	s3 =	sadd.s32 s3, s5  }
0x21b: {  	p1 =	sne.s32 s2, $0x0;
	_ =	sdelay $0x3  }
0x21c: {  	(v2sf) =	vpush v0, $0x0;
	_ =	sdelay $0xe  }
.Ltmp31:
0x21d: {  	s6 =	spop (v2sf);
	(pc) =	sbr.rel @p1 .LBB2_40-.Ltmp31, $4  }
0x21e: {  	s5 =	simm.s32 $0x0;
	p2 =	sgt.u32 s6, $0xC3FF8  }
0x21f: {  	s0 =	sadd.s32 $0x40, s0;
	s5 =	simm.s32 @!p2 $0x100;
	s7 =	sand.u32 @!p2 $0xFFFF8, s6  }
0x220: {  	s4 =	sadd.s32 $0x1, s4;
	s6 =	sand.u32 @!p2 $0x7, s6;
	s7 =	sadd.s32 @!p2 s1, s7  }
0x221: {  	[hbm4b:s7+s6] =	stream.linear.scatter @!p2 [tilespmem:s0], [sflag:$0x5], $0x40, $0x38;
	[tilespmem:$0x1EF88] =	vst v63  }
.LBB2_41:
0x222: {  	s0 =	sadd.s32 s3, s5  }
0x223: {  	s0 =	sshrl.u32 s0, $0x2  }
.LBB2_42:
0x224: {  	s2 =	simm.s32 $0x5  }
0x225: {  	_ =	swait.ge [sflag:s2], s0  }
0x226: {  	s31 =	ssub.s32 $0x0, s0;
	[sflag:s2] =	ssyncset.done $0x0  }
0x227: {  	[sflag:s2] =	ssyncadd.s32 s31  }
0x228: {  	[sflag:s2] =	ssyncpa.u1 $0x1  }
.LBB2_43:
0x229: {  	s0 =	sor.u32 s13, s14  }
0x22a: {  	p1 =	sne.s32 s0, $0x0  }
.Ltmp32:
0x22b: {  	_ = 	snop;
	(pc) =	sbr.rel @p1 .LBB2_58-.Ltmp32, $3  }
0x22c: {  	_ =	sdelay $0x1  }
0x22d: {  	[bflag:$0x0] =	sbarrier.arrive $0xFFFF  }
0x22e: {  	_ =	sfence  }
0x22f: {  	s2 =	simm.s32 $0x7  }
0x230: {  	s0 =	simm.s32 $0x800;
	s3 =	simm.s32 $0xA118;
	[sflag:s2] =	ssyncpa.u1 $0x0  }
0x231: {  	[tilespmem:s3], [sflag:$0x7] =	stream.linear.gather [spmem:s0], $0x20, $0x38;
	[tilespmem:$0x1EF88] =	vst v63  }
0x232: {  	s30 =	simm.s32 $0xA138;
	s0 =	simm.s32 $0x0  }
0x233: {  	[tilespmem:s30], [sflag:$0x7] =	stream.linear.gather [spmem:s0], $0x800, $0x38;
	[tilespmem:$0x1EF88] =	vst v63  }
.Ltmp33:
0x234: {  	_ = 	snop;
	(pc) =	sbr.rel .LBB2_45-.Ltmp33, $4  }
0x235: {  	_ =	swait.ge [sflag:s2], $0x820  }
0x236: {  	[sflag:s2] =	ssyncset.done $0x0  }
0x237: {  	s31 =	simm.s32 $0x8;
	[sflag:s2] =	ssyncadd.s32 $0xFFFFF7E0  }
0x238: {  	s2 =	simm.s32 $0x0;
	[sflag:s31] =	ssyncpa.u1 $0x0  }
.LBB2_51:
0x239: {  	p1 =	slt.u32 s3, $0xC3FF9  }
0x23a: {  	s4 =	sand.u32 @p1 $0xFFFF8, s3  }
0x23b: {  	s3 =	sand.u32 @p1 $0x7, s3;
	s5 =	simm.s32 @p1 $0xA0C8;
	s4 =	sadd.s32 @p1 s1, s4  }
0x23c: {  	[tilespmem:s5], [sflag:$0x8] =	stream.linear.gather @p1 [hbm4b:s4+s3], $0x40, $0x38;
	[tilespmem:$0x1EF88] =	vst v63  }
0x23d: {  	s3 =	simm.s32 @p1 $0x8  }
0x23e: {  	_ =	swait.ge @p1 [sflag:s3], $0x40  }
0x23f: {  	[sflag:s3] =	ssyncset.done @p1 $0x0  }
0x240: {  	[sflag:s3] =	ssyncadd.s32 @p1 $0xFFFFFFC0  }
0x241: {  	v1 =	vld @p1 [tilespmem:$0xA0C8];
	_ =	sdelay $0x2  }
0x242: {  	s3 =	sshll.u32 @p1 s2, $0x8  }
0x243: {  	s4 =	sshrl.u32 @p1 s3, $0x2  }
0x244: {  	[tilespmem:s4+$0xA138] =	vst.add.f32.msk @p1 $0xffff, v1  }
0x245: {  	v1 =	vld @p1 [tilespmem:$0xA0D8];
	_ =	sdelay $0x4  }
0x246: {  	[tilespmem:s4+$0xA148] =	vst.add.f32.msk @p1 $0xffff, v1  }
0x247: {  	v1 =	vld @p1 [tilespmem:$0xA0E8];
	_ =	sdelay $0x4  }
0x248: {  	[tilespmem:s4+$0xA158] =	vst.add.f32.msk @p1 $0xffff, v1  }
0x249: {  	v1 =	vld @p1 [tilespmem:$0xA0F8];
	_ =	sdelay $0x3  }
0x24a: {  	s5 =	sshll.u32 @!p1 s2, $0x8  }
0x24b: {  	s5 =	smov.u32 @p1 s3;
	[tilespmem:s4+$0xA168] =	vst.add.f32.msk @p1 $0xffff, v1  }
0x24c: {  	s3 =	sshrl.u32 s5, $0x2;
	[tilespmem:s0+$0xA118] =	vst.msk $0x1, v0  }
0x24d: {  	v0 =	vld [tilespmem:s3+$0xA138];
	_ =	sdelay $0x2  }
0x24e: {  	s31 =	sshll.u32 s0, $0x8  }
0x24f: {  	s4 =	sshra.s32 s31, $0x2  }
0x250: {  	[tilespmem:s4+$0xA138] =	vst v0  }
0x251: {  	v0 =	vld [tilespmem:s3+$0xA148];
	_ =	sdelay $0x4  }
0x252: {  	[tilespmem:s4+$0xA148] =	vst v0  }
0x253: {  	v0 =	vld [tilespmem:s3+$0xA158];
	_ =	sdelay $0x4  }
0x254: {  	[tilespmem:s4+$0xA158] =	vst v0  }
0x255: {  	v0 =	vld [tilespmem:s3+$0xA168];
	_ =	sdelay $0x4  }
0x256: {  	s0 =	sadd.s32 $0x1, s0;
	[tilespmem:s4+$0xA168] =	vst v0  }
.LBB2_52:
0x257: {  	s2 =	sadd.s32 $0x1, s2  }
0x258: {  	p1 =	sne.s32 s2, $0x20  }
.Ltmp34:
0x259: {  	_ = 	snop;
	(pc) =	sbr.rel @!p1 .LBB2_53-.Ltmp34, $1  }
0x25a: {  	_ =	sdelay $0x3  }
.LBB2_45:
0x25b: {  	v0 =	vld.msk [tilespmem:s2+$0xA118], $0x1;
	_ =	sdelay $0x4  }
0x25c: {  	(v2sf) =	vpush v0, $0x0;
	_ =	sdelay $0xe  }
0x25d: {  	s3 =	spop (v2sf)  }
0x25e: {  	p1 =	seq.s32 s3, $0xFFFFFFFF  }
.Ltmp35:
0x25f: {  	_ = 	snop;
	(pc) =	sbr.rel @p1 .LBB2_52-.Ltmp35, $1  }
0x260: {  	_ =	sdelay $0x3  }
0x261: {  	p1 =	slt.s32 s0, $0x1  }
.Ltmp36:
0x262: {  	_ = 	snop;
	(pc) =	sbr.rel @p1 .LBB2_51-.Ltmp36, $1  }
0x263: {  	_ =	sdelay $0x3  }
0x264: {  	s4 =	simm.s32 $0xA118;
	p1 =	por $0x0, $0x0  }
0x265: {  	v1 =	vld.msk @!p1 [tilespmem:s4+$0x0], $0x1;
	_ =	sdelay $0x4  }
0x266: {  	(v2sf) =	vpush @!p1 v1, $0x0;
	_ =	sdelay $0xd  }
0x267: {  	p3 =	sne.s32 s0, $0x1  }
.Ltmp37:
0x268: {  	s5 =	spop @!p1 (v2sf);
	(pc) =	sbr.rel @!p3 .LBB2_49-.Ltmp37, $4  }
0x269: {  	p2 =	seq.s32 @!p1 s3, s5  }
0x26a: {  	s5 =	simm.s32 $0x0;
	p2 =	por !p2, p1  }
0x26b: {  	s7 =	simm.s32 $0xFFFFFFFF;
	s5 =	simm.s32 @p2 $0xFFFFFFFF  }
0x26c: {  	s6 =	simm.s32 $0x1;
	s5 =	smov.u32 @p1 s7  }
.LBB2_48:
0x26d: {  	s7 =	smov.u32 s5;
	p1 =	sne.s32 s5, $0xFFFFFFFF  }
0x26e: {  	s4 =	sadd.s32 $0x1, s4;
	s5 =	smov.u32 s6;
	s6 =	sadd.s32 $0x1, s6  }
0x26f: {  	p2 =	sne.s32 s0, s6;
	v1 =	vld.msk @!p1 [tilespmem:s4+$0x0], $0x1;
	_ =	sdelay $0x4  }
0x270: {  	(v2sf) =	vpush @!p1 v1, $0x0;
	_ =	sdelay $0xe  }
.Ltmp38:
0x271: {  	s8 =	spop @!p1 (v2sf);
	(pc) =	sbr.rel @p2 .LBB2_48-.Ltmp38, $4  }
0x272: {  	p3 =	seq.s32 @!p1 s3, s8  }
0x273: {  	p3 =	por !p3, p1  }
0x274: {  	s5 =	simm.s32 @p3 $0xFFFFFFFF  }
0x275: {  	s5 =	smov.u32 @p1 s7  }
.LBB2_49:
0x276: {  	p1 =	seq.s32 s5, $0xFFFFFFFF  }
.Ltmp39:
0x277: {  	_ = 	snop;
	(pc) =	sbr.rel @p1 .LBB2_51-.Ltmp39, $1  }
0x278: {  	_ =	sdelay $0x3  }
0x279: {  	s3 =	sshll.u32 s2, $0x6  }
0x27a: {  	s3 =	sand.u32 $0x3FFFFFC0, s3  }
0x27b: {  	v0 =	vld [tilespmem:s3+$0xA138];
	_ =	sdelay $0x2  }
0x27c: {  	s4 =	sshll.u32 s5, $0x8  }
0x27d: {  	s4 =	sshra.s32 s4, $0x2  }
0x27e: {  	[tilespmem:s4+$0xA138] =	vst.add.f32.msk $0xffff, v0  }
0x27f: {  	v0 =	vld [tilespmem:s3+$0xA148];
	_ =	sdelay $0x4  }
0x280: {  	[tilespmem:s4+$0xA148] =	vst.add.f32.msk $0xffff, v0  }
0x281: {  	v0 =	vld [tilespmem:s3+$0xA158];
	_ =	sdelay $0x4  }
0x282: {  	[tilespmem:s4+$0xA158] =	vst.add.f32.msk $0xffff, v0  }
0x283: {  	v0 =	vld [tilespmem:s3+$0xA168]  }
.Ltmp40:
0x284: {  	_ = 	snop;
	(pc) =	sbr.rel .LBB2_52-.Ltmp40, $2  }
0x285: {  	_ =	sdelay $0x2  }
0x286: {  	[tilespmem:s4+$0xA168] =	vst.add.f32.msk $0xffff, v0  }
.LBB2_53:
0x287: {  	p1 =	slt.s32 s0, $0x1  }
.Ltmp41:
0x288: {  	_ = 	snop;
	(pc) =	sbr.rel @p1 .LBB2_57-.Ltmp41, $3  }
0x289: {  	_ =	sdelay $0x1  }
0x28a: {  	s2 =	simm.s32 $0x8  }
0x28b: {  	[sflag:s2] =	ssyncpa.u1 $0x1;
	s2 =	simm.s32 $0x0  }
0x28c: {  	s3 =	simm.s32 $0xA118  }
0x28d: {  	v0 =	vld.msk [tilespmem:s3+$0x0], $0x1;
	_ =	sdelay $0x4  }
0x28e: {  	(v2sf) =	vpush v0, $0x0;
	_ =	sdelay $0xe  }
0x28f: {  	s0 =	sadd.s32 $0xFFFFFFFF, s0;
	s4 =	spop (v2sf)  }
0x290: {  	p2 =	sne.s32 s0, $0x0;
	p1 =	sgt.u32 s4, $0xC3FF8  }
.Ltmp42:
0x291: {  	s5 =	sand.u32 @!p1 $0xFFFF8, s4;
	(pc) =	sbr.rel @!p2 .LBB2_56-.Ltmp42, $4  }
0x292: {  	s3 =	simm.s32 $0xA138;
	s4 =	sand.u32 @!p1 $0x7, s4;
	s5 =	sadd.s32 @!p1 s1, s5  }
0x293: {  	[hbm4b:s5+s4] =	stream.linear.scatter @!p1 [tilespmem:s3], [sflag:$0x7], $0x40, $0x38;
	[tilespmem:$0x1EF88] =	vst v63  }
0x294: {  	s5 =	simm.s32 $0x0  }
0x295: {  	s4 =	simm.s32 $0xA119;
	s5 =	simm.s32 @!p1 $0x100  }
.LBB2_55:
0x296: {  	v0 =	vld.msk [tilespmem:s4+$0x0], $0x1;
	s0 =	sadd.s32 $0xFFFFFFFF, s0;
	s2 =	sadd.s32 s2, s5  }
0x297: {  	p1 =	sne.s32 s0, $0x0;
	_ =	sdelay $0x3  }
0x298: {  	(v2sf) =	vpush v0, $0x0;
	_ =	sdelay $0xe  }
.Ltmp43:
0x299: {  	s6 =	spop (v2sf);
	(pc) =	sbr.rel @p1 .LBB2_55-.Ltmp43, $4  }
0x29a: {  	s5 =	simm.s32 $0x0;
	p2 =	sgt.u32 s6, $0xC3FF8  }
0x29b: {  	s3 =	sadd.s32 $0x40, s3;
	s5 =	simm.s32 @!p2 $0x100;
	s7 =	sand.u32 @!p2 $0xFFFF8, s6  }
0x29c: {  	s4 =	sadd.s32 $0x1, s4;
	s6 =	sand.u32 @!p2 $0x7, s6;
	s7 =	sadd.s32 @!p2 s1, s7  }
0x29d: {  	[hbm4b:s7+s6] =	stream.linear.scatter @!p2 [tilespmem:s3], [sflag:$0x7], $0x40, $0x38;
	[tilespmem:$0x1EF88] =	vst v63  }
.LBB2_56:
0x29e: {  	s0 =	sadd.s32 s2, s5  }
0x29f: {  	s2 =	sshrl.u32 s0, $0x2  }
.LBB2_57:
0x2a0: {  	s0 =	simm.s32 $0x7  }
0x2a1: {  	_ =	swait.ge [sflag:s0], s2  }
0x2a2: {  	s1 =	ssub.s32 $0x0, s2;
	[sflag:s0] =	ssyncset.done $0x0  }
0x2a3: {  	[sflag:s0] =	ssyncadd.s32 s1  }
0x2a4: {  	[sflag:s0] =	ssyncpa.u1 $0x1  }
.LBB2_58:
0x2a5: {  	_ =	sfence;
	s0 =	simm.s32 $0x1  }
0x2a6: {  	[sflag:s0] =	ssyncpa.u1 $0x1  }
0x2a7: {  	_ =	strace $0x90000053  }
0x2a8: {  	[bflag:$0x2] =	sbarrier.arrive $0xFFFF  }
0x2a9: {  	s0 =	rddreg [dreg:$0x3]  }
0x2aa: {  	s0 =	sadd.s32 @!p0 $0x100000, s0  }
0x2ab: {  	[sflag:s0] =	ssyncadd.tile.s32 @!p0 $0x1;
	_ =	shalt  }
.Lfunc_end2:
_tile_overlayer_lowered:
.L_overlay_start_2:
0x2ac: {  	(tag) =	ssettag $0x2  }
0x2ad: {  	s0 =	rddreg [dreg:$0x0];
	s2 =	stileid.u32  }
0x2ae: {  	s1 =	rddreg [dreg:$0x1];
	p0 =	sne.s32 s2, $0x0  }
0x2af: {  	s3 =	rddreg [dreg:$0x2];
	[bflag:$0x3] =	sbarrier.arrive $0xFFFF;
	s2 =	simm.s32 @!p0 $0x1C01  }
0x2b0: {  	[timem:s3], [sflag:s2] =	dma.local @!p0 [hbm:s0], s1  }
0x2b1: {  	s0 =	simm.s32 @!p0 $0x1  }
0x2b2: {  	_ =	swait.ge @!p0 [sflag:s0], s1  }
0x2b3: {  	s1 =	ssub.s32 @!p0 $0x0, s1;
	[sflag:s0] =	ssyncset.done @!p0 $0x0  }
0x2b4: {  	[sflag:s0] =	ssyncadd.s32 @!p0 s1  }
0x2b5: {  	[bflag:$0x3] =	sbarrier.arrive $0xFFFF  }
0x2b6: {  	_ =	shalt  }

// kernel: scatter_offload_async_start
scs
__scs_entry_jumppad:
0x0: {  	(pc) =	sbr.rel $0x88, $3  }
0x1: {  	(tag) =	ssettag $0x0;
	lr =	simm.s32 $0x1  }
0x2: {  	[smem:$0x3F84] =	sst lr;
	_ =	strace $0xD0000000  }
0x3: {  	_ = 	snop  }
0x4: {  	_ = 	snop  }
0x5: {  	_ = 	snop  }
0x6: {  	_ = 	snop  }
0x7: {  	_ = 	snop  }
__scs_overlays_trampoline_lowered:
0x8: {  	[smem:$0x3F93] =	sst s0  }
0x9: {  	[smem:$0x3F94] =	sst s1  }
0xa: {  	[smem:$0x3F95] =	sst s2  }
0xb: {  	[smem:$0x3F96] =	sst s3  }
0xc: {  	[smem:$0x3F97] =	sst s4  }
0xd: {  	[smem:$0x3F98] =	sst s5  }
0xe: {  	[smem:$0x3F99] =	sst s6  }
0xf: {  	[smem:$0x3F9A] =	sst s7  }
0x10: {  	[smem:$0x3F9B] =	sst s8  }
0x11: {  	[smem:$0x3F9C] =	sst s9;
	s0 =	simm.s32 @!p0 $0x0  }
0x12: {  	s1 =	sld [smem:$0x3F82];
	s0 =	simm.s32 @p0 $0x1  }
0x13: {  	[smem:$0x3F9D] =	sst s0;
	s0 =	simm.s32 @!p1 $0x0  }
0x14: {  	s2 =	sld [smem:$0x3F81];
	s0 =	simm.s32 @p1 $0x1  }
0x15: {  	[smem:$0x3F9E] =	sst s0;
	s0 =	simm.s32 @!p2 $0x0  }
0x16: {  	s3 =	sld [smem:$0x3FDB];
	s0 =	simm.s32 @p2 $0x1  }
0x17: {  	s4 =	simm.s32 $0x1BF5;
	[smem:$0x3FA0] =	sst s0  }
0x18: {  	s0 =	sld [smem:$0x3F83];
	_ =	swait.ge [sflag:s4], $0x0  }
0x19: {  	s7 =	sld [smem:$0x3F84]  }
0x1a: {  	s8 =	sadd.s32 $0xFFFFE003, lr  }
0x1b: {  	s9 =	sadd.s32 $0xFFFFFEF7, lr;
	s5 =	simm.s32 $0xFFFFFFFF;
	p2 =	slt.u32 s8, $0xFFFFF086  }
0x1c: {  	p1 =	slt.u32 s9, $0xF7A;
	s5 =	simm.s32 @!p2 $0x0  }
0x1d: {  	s5 =	simm.s32 @p1 $0x1;
	p0 =	seq.s32 s7, s2  }
0x1e: {  	s7 =	smul.u32 @!p0 $0xF7A, s2;
	p2 =	seq.s32 @!p0 s5, $0x0  }
0x1f: {  	s9 =	smul.u32 $0xF7A, s1;
	s8 =	simm.s32 @!p0 $0x1BF5;
	p2 =	por !p2, p0  }
0x20: {  	[sflag:s8] =	ssyncset.s32 @!p0 $0xFFFFF086;
	s6 =	sadd.s32 @!p0 s3, s7;
	s7 =	simm.s32 @!p0 $0x108  }
0x21: {  	s3 =	sadd.s32 s3, s9;
	s6 =	sadd.s32 @!p0 $0x88, s6;
	s7 =	simm.s32 @p2 $0x1082  }
0x22: {  	[simem:s7], [sflag:s8] =	dma.local @!p0 [hbm:s6], $0xF7A  }
0x23: {  	s9 =	sor.u32 $0xD0000000, s2;
	s6 =	simm.s32 $0x108;
	_ =	swait.ge @!p0 [sflag:s8], $0x0  }
0x24: {  	s3 =	sadd.s32 $0x88, s3;
	s6 =	simm.s32 @!p1 $0x1082;
	[sflag:s4] =	ssyncset.s32 $0xFFFFF086  }
0x25: {  	[simem:s6], [sflag:s4] =	dma.local [hbm:s3], $0xF7A  }
0x26: {  	[smem:$0x3F84] =	sst s1;
	(tag) =	ssettag s2;
	_ =	strace s9  }
0x27: {  	s1 =	sld [smem:$0x3F94]  }
0x28: {  	s2 =	sld [smem:$0x3F95]  }
0x29: {  	s4 =	sld [smem:$0x3F97]  }
0x2a: {  	p0 =	seq.s32 s5, $0x0;
	s5 =	sld [smem:$0x3F98]  }
0x2b: {  	s6 =	sld [smem:$0x3F99]  }
0x2c: {  	s7 =	sld [smem:$0x3F9A]  }
0x2d: {  	s3 =	simm.s32 $0x108;
	s8 =	sld [smem:$0x3F9B]  }
0x2e: {  	s3 =	simm.s32 @!p0 $0x1082;
	s9 =	sld [smem:$0x3F9C]  }
0x2f: {  	lr =	sadd.s32 s0, s3;
	s0 =	sld [smem:$0x3F93]  }
0x30: {  	s3 =	sld [smem:$0x3F96]  }
0x31: {  	[smem:$0x3F9F] =	sst s10  }
0x32: {  	s10 =	sld [smem:$0x3F9D];
	_ =	sdelay $0x3  }
0x33: {  	p0 =	seq.s32 s10, $0x1;
	s10 =	sld [smem:$0x3F9F];
	_ =	sdelay $0x3  }
0x34: {  	[smem:$0x3F9F] =	sst s10  }
0x35: {  	s10 =	sld [smem:$0x3F9E];
	_ =	sdelay $0x3  }
0x36: {  	p1 =	seq.s32 s10, $0x1;
	s10 =	sld [smem:$0x3F9F];
	_ =	sdelay $0x3  }
0x37: {  	[smem:$0x3F9F] =	sst s10  }
0x38: {  	s10 =	sld [smem:$0x3FA0]  }
0x39: {  	_ = 	snop;
	(pc) =	sbr.ind lr, $3  }
0x3a: {  	_ = 	snop  }
0x3b: {  	_ = 	snop  }
0x3c: {  	p2 =	seq.s32 s10, $0x1;
	s10 =	sld [smem:$0x3F9F]  }
0x3d: {  	_ =	shalt  }
0x3e: {  	_ =	shalt  }
0x3f: {  	_ =	shalt  }
0x40: {  	_ =	shalt  }
0x41: {  	_ =	shalt  }
0x42: {  	_ =	shalt  }
0x43: {  	_ =	shalt  }
0x44: {  	_ =	shalt  }
0x45: {  	_ =	shalt  }
0x46: {  	_ =	shalt  }
0x47: {  	_ =	shalt  }
0x48: {  	_ =	shalt  }
0x49: {  	_ =	shalt  }
0x4a: {  	_ =	shalt  }
0x4b: {  	_ =	shalt  }
0x4c: {  	_ =	shalt  }
0x4d: {  	_ =	shalt  }
0x4e: {  	_ =	shalt  }
0x4f: {  	_ =	shalt  }
0x50: {  	_ =	shalt  }
0x51: {  	_ =	shalt  }
0x52: {  	_ =	shalt  }
0x53: {  	_ =	shalt  }
0x54: {  	_ =	shalt  }
0x55: {  	_ =	shalt  }
0x56: {  	_ =	shalt  }
0x57: {  	_ =	shalt  }
0x58: {  	_ =	shalt  }
0x59: {  	_ =	shalt  }
0x5a: {  	_ =	shalt  }
0x5b: {  	_ =	shalt  }
0x5c: {  	_ =	shalt  }
0x5d: {  	_ =	shalt  }
0x5e: {  	_ =	shalt  }
0x5f: {  	_ =	shalt  }
0x60: {  	_ =	shalt  }
0x61: {  	_ =	shalt  }
0x62: {  	_ =	shalt  }
0x63: {  	_ =	shalt  }
0x64: {  	_ =	shalt  }
0x65: {  	_ =	shalt  }
0x66: {  	_ =	shalt  }
0x67: {  	_ =	shalt  }
0x68: {  	_ =	shalt  }
0x69: {  	_ =	shalt  }
0x6a: {  	_ =	shalt  }
0x6b: {  	_ =	shalt  }
0x6c: {  	_ =	shalt  }
0x6d: {  	_ =	shalt  }
0x6e: {  	_ =	shalt  }
0x6f: {  	_ =	shalt  }
0x70: {  	_ =	shalt  }
0x71: {  	_ =	shalt  }
0x72: {  	_ =	shalt  }
0x73: {  	_ =	shalt  }
0x74: {  	_ =	shalt  }
0x75: {  	_ =	shalt  }
0x76: {  	_ =	shalt  }
0x77: {  	_ =	shalt  }
0x78: {  	_ =	shalt  }
0x79: {  	_ =	shalt  }
0x7a: {  	_ =	shalt  }
0x7b: {  	_ =	shalt  }
0x7c: {  	_ =	shalt  }
0x7d: {  	_ =	shalt  }
0x7e: {  	_ =	shalt  }
0x7f: {  	_ =	shalt  }
0x80: {  	_ =	shalt  }
0x81: {  	_ =	shalt  }
0x82: {  	_ =	shalt  }
0x83: {  	_ =	shalt  }
0x84: {  	_ =	shalt  }
0x85: {  	_ =	shalt  }
0x86: {  	_ =	shalt  }
0x87: {  	_ =	shalt  }
.Lfunc_end0:
.L_simem_size_0:
called_computation_lowered:
.L_overlay_start_0:
0x88: {  	s2 =	sld [smem:$0x3FD9]  }
0x89: {  	s3 =	sld [smem:$0x3FFE];
	_ =	sdelay $0x1  }
0x8a: {  	s1 =	srdreg.scid  }
0x8b: {  	s0 =	sand.u32 $0x1, s1  }
0x8c: {  	s15 =	sshll.u32 s0, $0xA;
	s2 =	sadd.s32 s3, s2  }
0x8d: {  	s2 =	sadd.s32 s2, s15  }
0x8e: {  	[smem:$0x3FAB] =	sst s2  }
0x8f: {  	_ = 	snop  }
0x90: {  	(tm) =	ssettm $0x1  }
0x91: {  	s16 =	sld [smem:$0x3FFB];
	_ =	sdelay $0x3  }
0x92: {  	_ =	strace s16  }
0x93: {  	s2 =	sld [smem:$0x3FFC];
	_ =	sdelay $0x3  }
0x94: {  	_ =	strace s2  }
0x95: {  	s2 =	sld [smem:$0x3FFD];
	_ =	sdelay $0x3  }
0x96: {  	_ =	strace s2  }
0x97: {  	_ =	strace $0x8FFFFFFF  }
0x98: {  	s17 =	sld [smem:$0x3FDB];
	_ =	sdelay $0x1  }
0x99: {  	s18 =	simm.s32 $_scs_section_size  }
0x9a: {  	s4 =	simm.s32 $_size__tile_overlayer_lowered;
	s5 =	simm.s32 $_tile_overlayer_lowered  }
0x9b: {  	s6 =	simm.s32 $0x1BFF;
	s19 =	sshll.u32 s5, $0x1;
	s3 =	sadd.s32 s18, s17  }
0x9c: {  	s20 =	simm.s32 $0x0;
	s4 =	sshll.u32 s4, $0x1;
	s5 =	sadd.s32 s19, s3  }
0x9d: {  	[timem:s20], [sflag:s6] =	dma.local [hbm:s5], s4  }
0x9e: {  	_ =	swait.ge [sflag:s6], s4  }
0x9f: {  	s4 =	ssub.s32 $0x0, s4;
	[sflag:s6] =	ssyncset.done $0x0  }
0xa0: {  	[sflag:s6] =	ssyncadd.s32 s4;
	_ =	sdelay $0x1  }
0xa1: {  	s21 =	simm.s32 $0x1B8B  }
0xa2: {  	_ =	swait.ge [sflag:s21], $0x1  }
0xa3: {  	[sflag:s21] =	ssyncset.done $0x0  }
0xa4: {  	s22 =	sld [smem:$0x3FFE];
	[sflag:s21] =	ssyncadd.s32 $0xFFFFFFFF  }
0xa5: {  	s24 =	simm.s32 $0x1B8E;
	s23 =	sld [smem:$0x0]  }
0xa6: {  	s25 =	simm.s32 $execute0_lowered;
	[smem:$0x3FD2] =	sst s24  }
0xa7: {  	s6 =	sshll.u32 s25, $0x1;
	_ =	strace $0x80000046;
	[dreg:$0x1] =	wrdreg $0xFFFFFFFF  }
0xa8: {  	s7 =	simm.s32 $_size_execute0_lowered;
	s6 =	sadd.s32 s3, s6;
	[dreg:$0x0] =	wrdreg $0x0  }
0xa9: {  	s7 =	sshll.u32 s7, $0x1;
	[dreg:$0x2] =	wrdreg s6  }
0xaa: {  	[dreg:$0x3] =	wrdreg s7  }
0xab: {  	[dreg:$0x4] =	wrdreg $0xC0  }
0xac: {  	s26 =	simm.s32 $execute1_lowered;
	_ =	task [dreg:s20], $0x5FFFF  }
0xad: {  	s6 =	sshll.u32 s26, $0x1;
	[dreg:$0x1] =	wrdreg $0xFFFFFFFF  }
0xae: {  	s3 =	sadd.s32 s3, s6;
	[dreg:$0x0] =	wrdreg $0x60  }
0xaf: {  	[dreg:$0x2] =	wrdreg s3  }
0xb0: {  	[dreg:$0x3] =	wrdreg s22  }
0xb1: {  	[dreg:$0x4] =	wrdreg $0x9  }
0xb2: {  	_ =	task.clear_ibuf [dreg:s20], $0x5FFFF;
	_ =	strace $0x90000046  }
0xb3: {  	s28 =	simm.s32 $0x9;
	_ =	strace $0x80000048  }
0xb4: {  	_ =	swait.ge [sflag:s28], $0x1  }
0xb5: {  	[sflag:s28] =	ssyncadd.s32 $0xFFFFFFFF  }
0xb6: {  	_ =	strace $0x90000048  }
0xb7: {  	s3 =	sld [smem:$0x0]  }
0xb8: {  	s6 =	sand.u32 $0xFFFFFFFE, s1  }
0xb9: {  	p0 =	sne.s32 s1, s6  }
0xba: {  	s6 =	sshll.u32 @p0 s6, $0xE  }
0xbb: {  	s6 =	sadd.s32 @p0 $0x11BF3, s6;
	s7 =	sshll.u32 @p0 s3, $0x11  }
0xbc: {  	s6 =	sor.u32 @p0 s7, s6  }
0xbd: {  	[sflag:s6] =	ssyncadd.remote.s32 @p0 $0x1;
	_ =	sdelay $0x1  }
0xbe: {  	s6 =	simm.s32 @p0 $0x1BF3  }
0xbf: {  	_ =	swait.eq @p0 [sflag:s6], $0x1  }
0xc0: {  	[sflag:s6] =	ssyncadd.s32 @p0 $0xFFFFFFFF  }
0xc1: {  	s7 =	sshll.u32 @!p0 s1, $0xE  }
0xc2: {  	s7 =	sor.u32 @!p0 $0x4000, s7;
	s6 =	simm.s32 @!p0 $0x1BF3  }
0xc3: {  	s3 =	sshll.u32 @!p0 s3, $0x11;
	s7 =	sadd.s32 @!p0 $0x11BF3, s7;
	_ =	swait.eq @!p0 [sflag:s6], $0x1  }
0xc4: {  	s3 =	sor.u32 @!p0 s3, s7;
	[sflag:s6] =	ssyncadd.s32 @!p0 $0xFFFFFFFF  }
0xc5: {  	[sflag:s3] =	ssyncadd.remote.s32 @!p0 $0x1  }
0xc6: {  	_ =	strace $0x80000049;
	[dreg:$0x1] =	wrdreg $0xFFFFFFFF  }
0xc7: {  	[dreg:$0x0] =	wrdreg $0x2030  }
0xc8: {  	[dreg:$0x2] =	wrdreg s22  }
0xc9: {  	[dreg:$0x3] =	wrdreg s1  }
0xca: {  	[dreg:$0x4] =	wrdreg s23  }
0xcb: {  	[dreg:$0x5] =	wrdreg $0xA  }
0xcc: {  	_ =	task.clear_ibuf [dreg:s20], $0x6FFFF;
	_ =	strace $0x90000049  }
0xcd: {  	s29 =	simm.s32 $0xA;
	_ =	strace $0x8000004B  }
0xce: {  	_ =	swait.ge [sflag:s29], $0x1  }
0xcf: {  	[sflag:s29] =	ssyncadd.s32 $0xFFFFFFFF  }
0xd0: {  	_ =	strace $0x9000004B  }
0xd1: {  	_ =	sfence  }
0xd2: {  	s30 =	sld [smem:$0x0];
	_ =	sdelay $0x2  }
0xd3: {  	s31 =	sshll.u32 s1, $0xD;
	s1 =	sshrl.u32 s1, $0x2  }
0xd4: {  	s4 =	sand.u32 $0x4000, s31;
	s1 =	sadd.s32 s1, s30  }
0xd5: {  	s0 =	sor.u32 s4, s0;
	s1 =	sshll.u32 s1, $0x11  }
0xd6: {  	s0 =	sor.u32 s1, s0  }
0xd7: {  	s0 =	sadd.s32 $0x8F2B, s0  }
0xd8: {  	[sflag:s0] =	ssyncadd.remote.s32 $0x1  }
0xd9: {  	_ =	sfence.sel $0xFFFF  }
0xda: {  	[dreg:$0x0] =	wrdreg $0xFFFFFFFF;
	(pc) =	sbr.abs _section_cstart, $3  }
0xdb: {  	[dreg:$0x1] =	wrdreg $0xFFFFFFFF  }
0xdc: {  	_ =	task.clear_ibuf [dreg:s20], $0x2FFFF;
	_ =	strace $0x9FFFFFFF  }
0xdd: {  	(tm) =	ssettm $0x7FFFFFFF  }
tec
execute0_lowered:
.L_overlay_start_1:
0x0: {  	(tag) =	ssettag $0x1  }
0x1: {  	s2 =	rddreg [dreg:$0x0]  }
0x2: {  	s5 =	rddreg [dreg:$0x1]  }
0x3: {  	s0 =	rddreg [dreg:$0x2];
	s3 =	stileid.u32;
	[bflag:$0x3] =	sbarrier.arrive $0xFFFF  }
0x4: {  	s1 =	simm.s32 $_size_execute1_lowered;
	s30 =	srdreg.scid;
	p0 =	sne.s32 s3, $0x0  }
0x5: {  	s1 =	sshll.u32 s1, $0x1;
	s4 =	simm.s32 @!p0 $0x1C3F;
	s6 =	simm.s32 @!p0 $0x4060  }
0x6: {  	[timem:s6], [sflag:s4] =	dma.local @!p0 [hbm:s2], s1  }
0x7: {  	s8 =	simm.s32 $0x2;
	s2 =	sshll.u32 s30, $0x8  }
0x8: {  	s13 =	simm.s32 $0x0;
	s3 =	sshll.u32 s3, $0x9;
	s2 =	sand.u32 $0x100, s2  }
0x9: {  	s9 =	simm.s32 $0x80;
	s10 =	simm.s32 $0x0;
	s2 =	sor.u32 s3, s2  }
0xa: {  	s12 =	simm.s32 $0x0;
	s4 =	simm.s32 $0x1;
	s31 =	ssub.s32 $0xC400, s2  }
.Ltmp0:
0xb: {  	_ =	strace $0x80000047;
	s7 =	sand.u32 $0x1F00, s31;
	(pc) =	sbr.rel .LBB2_1-.Ltmp0, $4  }
0xc: {  	s3 =	sadd.s32 $0x4C200, s5;
	p1 =	sne.s32 s7, $0x0;
	s7 =	simm.s32 $0x1  }
0xd: {  	[sflag:s4] =	ssyncpa.u1 $0x0;
	s6 =	sshrl.u32 s31, $0xD;
	s7 =	simm.s32 @!p1 $0x0  }
0xe: {  	s5 =	sadd.s32 $0x110200, s5;
	[sflag:s8] =	ssyncpa.u1 $0x0;
	s6 =	sadd.s32 s7, s6  }
0xf: {  	s8 =	simm.s32 $0x40;
	s11 =	smov.u32 s2;
	s7 =	sadd.s32 $0x1, s6  }
.LBB2_4:
0x10: {  	s13 =	sand.u32 $0x1FFFFFF, s13  }
0x11: {  	s16 =	smulhi.u32 $0x14E5E0B, s13;
	_ =	sdelay $0x1  }
0x12: {  	s16 =	sshrl.u32 s16, $0x8  }
0x13: {  	s16 =	smul.u32 $0xC400, s16  }
0x14: {  	[tilespmem:v2+s14+$0x30 ss:$0x1] =	vst.idx.msk $0xffff, v1  }
0x15: {  	[tilespmem:v2+s14+$0x0 ss:$0x1] =	vst.idx.msk $0xffff, v3;
	s13 =	ssub.s32 s13, s16  }
0x16: {  	[tilespmem:v2+s14+$0x10 ss:$0x1] =	vst.idx.msk $0xffff, v4;
	s13 =	sshll.u32 s13, $0x4  }
0x17: {  	[tilespmem:v2+s14+$0x20 ss:$0x1] =	vst.idx.msk $0xffff, v5;
	s13 =	sadd.s32 s5, s13  }
0x18: {  	[hbm4b:s13+s8] =	stream.strided.scatter [tilespmem:s15], [sflag:$0x2], $0x4000, s9, s8, $0x38;
	[tilespmem:$0x10000] =	vst v63  }
.LBB2_5:
0x19: {  	s15 =	sadd.s32 $0x2000, s11  }
0x1a: {  	p2 =	sgt.s32 s15, $0xC3FF  }
0x1b: {  	s15 =	smov.u32 @p2 s2;
	p2 =	sne.s32 s12, s7  }
.Ltmp1:
0x1c: {  	p1 =	slt.u32 s12, $0x2;
	(pc) =	sbr.rel @!p2 .LBB2_6-.Ltmp1, $4  }
0x1d: {  	s14 =	simm.s32 @!p1 $0x2  }
0x1e: {  	s16 =	sadd.s32 $0x1, s12;
	_ =	swait.ge @!p1 [sflag:s14], $0x4000  }
0x1f: {  	s13 =	smov.u32 s11;
	s10 =	sadd.s32 $0x4000, s10;
	[sflag:s14] =	ssyncset.done @!p1 $0x0  }
0x20: {  	s12 =	smov.u32 s16;
	s11 =	smov.u32 s15;
	[sflag:s14] =	ssyncadd.s32 @!p1 $0xFFFFC000  }
.LBB2_1:
0x21: {  	p1 =	sge.u32 s12, s6  }
0x22: {  	s14 =	sand.u32 @!p1 $0x1FFFFFF, s11  }
0x23: {  	s15 =	smulhi.u32 @!p1 $0x14E5E0B, s14;
	_ =	sdelay $0x1  }
0x24: {  	s15 =	sshrl.u32 @!p1 s15, $0x8  }
0x25: {  	s15 =	smul.u32 @!p1 $0xC400, s15;
	_ =	sdelay $0x1  }
0x26: {  	s31 =	sadd.s32 $0xFFFFFFFF, s12;
	s16 =	sxor.u32 @!p1 $0xFFFFFFFF, s12;
	s14 =	ssub.s32 @!p1 s14, s15  }
0x27: {  	s17 =	simm.s32 @!p1 $0x80;
	s16 =	sshll.u32 @!p1 s16, $0xE;
	s14 =	sshll.u32 @!p1 s14, $0x4  }
0x28: {  	s15 =	sand.u32 @!p1 $0x4000, s16;
	s16 =	simm.s32 @!p1 $0x40;
	s14 =	sadd.s32 @!p1 s3, s14  }
0x29: {  	[tilespmem:s15], [sflag:$0x1] =	stream.strided.gather @!p1 [hbm4b:s14+s16], $0x4000, s17, s16, $0x38;
	[tilespmem:$0x10000] =	vst v63  }
0x2a: {  	p1 =	sge.u32 s31, s6  }
.Ltmp2:
0x2b: {  	_ = 	snop;
	(pc) =	sbr.rel @p1 .LBB2_5-.Ltmp2, $1  }
0x2c: {  	_ =	sdelay $0x3  }
0x2d: {  	s15 =	sand.u32 $0x4000, s10  }
0x2e: {  	s14 =	sor.u32 $0x20, s15  }
0x2f: {  	v0 =	vmov s14;
	_ =	sdelay $0x1  }
0x30: {  	_ =	swait.ge [sflag:s4], $0x4000  }
0x31: {  	[sflag:s4] =	ssyncset.done $0x0  }
0x32: {  	[sflag:s4] =	ssyncadd.s32 $0xFFFFC000;
	s14 =	simm.s32 $0x0  }
0x33: {  	s17 =	sor.u32 $0x8000, s15;
	v1 =	vld.idx.msk [tilespmem:v0+s14+$0x10 ss:$0x1], $0xffff  }
0x34: {  	s16 =	sshll.u32 s12, $0xE;
	v2 =	vmov s17;
	v3 =	vld.idx.msk [tilespmem:v0+s14+$0xFFFFFFE0 ss:$0x1], $0xffff  }
0x35: {  	s31 =	sand.u32 $0x4000, s16;
	v4 =	vld.idx.msk [tilespmem:v0+s14+$0xFFFFFFF0 ss:$0x1], $0xffff  }
0x36: {  	s16 =	simm.s32 $0x100;
	s15 =	sor.u32 $0x8000, s31;
	v5 =	vld.idx.msk [tilespmem:v0+s14+$0x0 ss:$0x1], $0xffff  }
.LBB2_3:
0x37: {  	p1 =	sne.s32 s16, $0xFF00  }
.Ltmp3:
0x38: {  	s17 =	sshra.s32 s16, $0x2;
	s16 =	sadd.s32 $0x100, s16;
	(pc) =	sbr.rel @p1 .LBB2_3-.Ltmp3, $4  }
0x39: {  	[tilespmem:v2+s14+$0x30 ss:$0x1] =	vst.idx.msk $0xffff, v1;
	v1 =	vld.idx.msk [tilespmem:v0+s17+$0x10 ss:$0x1], $0xffff  }
0x3a: {  	[tilespmem:v2+s14+$0x0 ss:$0x1] =	vst.idx.msk $0xffff, v3;
	v3 =	vld.idx.msk [tilespmem:v0+s17+$0xFFFFFFE0 ss:$0x1], $0xffff  }
0x3b: {  	[tilespmem:v2+s14+$0x10 ss:$0x1] =	vst.idx.msk $0xffff, v4;
	v4 =	vld.idx.msk [tilespmem:v0+s17+$0xFFFFFFF0 ss:$0x1], $0xffff  }
0x3c: {  	[tilespmem:v2+s14+$0x20 ss:$0x1] =	vst.idx.msk $0xffff, v5;
	v5 =	vld.idx.msk [tilespmem:v0+s17+$0x0 ss:$0x1], $0xffff;
	s14 =	smov.u32 s17  }
.Ltmp4:
0x3d: {  	_ = 	snop;
	(pc) =	sbr.rel .LBB2_4-.Ltmp4, $1  }
0x3e: {  	_ =	sdelay $0x3  }
.LBB2_6:
0x3f: {  	_ =	sfence.sel $0x180000  }
0x40: {  	s2 =	simm.s32 $0x1;
	[bflag:$0x0] =	sbarrier.arrive $0xFFFF  }
0x41: {  	s31 =	simm.s32 $0x2;
	[sflag:s2] =	ssyncpa.u1 $0x1  }
0x42: {  	[sflag:s31] =	ssyncpa.u1 $0x1  }
0x43: {  	_ =	strace $0x90000047  }
0x44: {  	s0 =	sadd.s32 @!p0 $0x100000, s0;
	[bflag:$0x2] =	sbarrier.arrive $0xFFFF  }
0x45: {  	[sflag:s0] =	ssyncadd.tile.s32 @!p0 $0x1;
	s0 =	simm.s32 @!p0 $0x3F  }
0x46: {  	_ =	swait.ge @!p0 [sflag:s0], s1  }
0x47: {  	s1 =	ssub.s32 @!p0 $0x0, s1;
	[sflag:s0] =	ssyncset.done @!p0 $0x0  }
0x48: {  	[sflag:s0] =	ssyncadd.s32 @!p0 s1  }
0x49: {  	[bflag:$0x3] =	sbarrier.arrive $0xFFFF  }
0x4a: {  	_ =	shalt  }
.Lfunc_end2:
execute1_lowered:
.L_overlay_start_2:
0x4b: {  	(tag) =	ssettag $0x2  }
0x4c: {  	s2 =	rddreg [dreg:$0x0]  }
0x4d: {  	s4 =	rddreg [dreg:$0x1];
	_ =	strace $0x8000004A;
	s0 =	simm.s32 $0x1  }
0x4e: {  	s3 =	simm.s32 $0x88;
	v0 =	vimm.s32 $0x0;
	[sflag:s0] =	ssyncpa.u1 $0x0  }
0x4f: {  	s1 =	sadd.s32 $0x110200, s2;
	[tilespmem:s3+$0x30] =	vst v0  }
0x50: {  	s0 =	sadd.s32 $0x2A00, s2;
	s6 =	sadd.s32 $0xDF0A00, s2;
	[tilespmem:s3+$0x20] =	vst v0  }
0x51: {  	s2 =	sadd.s32 $0x33A00, s2;
	s7 =	sand.u32 $0x1, s4;
	s4 =	simm.s32 $0x40;
	[tilespmem:s3+$0x10] =	vst v0  }
.LBB3_1:
0x52: {  	s4 =	sadd.s32 $0x40, s4  }
0x53: {  	[tilespmem:s3+$0x0] =	vst v0;
	s3 =	sadd.s32 $0x40, s3;
	p0 =	slt.u32 s4, $0x5040  }
.Ltmp5:
0x54: {  	(pc) =	sbr.rel @p0 .LBB3_1-.Ltmp5, $4  }
0x55: {  	_ = 	snop  }
0x56: {  	[tilespmem:s3+$0x30] =	vst v0  }
0x57: {  	[tilespmem:s3+$0x20] =	vst v0  }
0x58: {  	[tilespmem:s3+$0x10] =	vst v0  }
0x59: {  	s8 =	stileid.u32  }
0x5a: {  	s4 =	smul.u32 $0x4E, s8  }
0x5b: {  	s5 =	smin.u32 s8, $0x2  }
0x5c: {  	s4 =	sadd.s32 s5, s4  }
0x5d: {  	p0 =	slt.u32 s8, $0x2;
	s12 =	smul.u32 $0x140, s4;
	s4 =	simm.s32 $0x62C0  }
0x5e: {  	s4 =	simm.s32 @!p0 $0x6180  }
0x5f: {  	s25 =	simm.s32 $0x2;
	s4 =	sadd.s32 s4, s12  }
0x60: {  	s28 =	simm.s32 $0x9;
	s9 =	simm.s32 $0xA;
	s14 =	smin.u32 s4, $0x61A80  }
0x61: {  	s30 =	simm.s32 $0xB;
	[dreg:$0x4] =	wrdreg s7;
	s4 =	ssub.s32 s14, s12  }
0x62: {  	s31 =	smul.u32 $0xC350, s7;
	s13 =	simm.s32 $0x1;
	p0 =	sgt.s32 s4, $0x0  }
0x63: {  	s19 =	simm.s32 $0x0;
	s20 =	simm.s32 $0xA808;
	s4 =	simm.s32 @!p0 $0x0  }
0x64: {  	s21 =	simm.s32 $0xFFFFFFFF;
	p1 =	por $0x0, $0x0;
	s26 =	smulhi.u32 $0x66666667, s4  }
0x65: {  	[tilespmem:s3+$0x0] =	vst v0;
	s23 =	simm.s32 $0x0;
	[sflag:s25] =	ssyncpa.u1 $0x0;
	s18 =	sshll.u32 s8, $0x7  }
0x66: {  	s0 =	sadd.s32 s31, s0;
	[dreg:$0xa] =	wrdreg s18;
	s3 =	sshrl.u32 s26, $0x7  }
0x67: {  	v0 =	vimm.s32 $0xFFFFFFFF;
	s17 =	sadd.s32 s31, s2;
	[dreg:$0x9] =	wrdreg s0;
	s29 =	smul.u32 $0x140, s3  }
0x68: {  	s25 =	simm.s32 $0x0;
	[tilespmem:$0xA108] =	vst v0;
	[sflag:s28] =	ssyncpa.u1 $0x0;
	[dreg:$0x8] =	wrdreg s17  }
.Ltmp6:
0x69: {  	p0 =	sne.s32 s4, s29;
	s4 =	simm.s32 $0x1;
	(pc) =	sbr.rel .LBB3_3-.Ltmp6, $4  }
0x6a: {  	[sflag:s9] =	ssyncpa.u1 $0x0;
	[dreg:$0x5] =	wrdreg s12;
	s4 =	simm.s32 @!p0 $0x0  }
0x6b: {  	[sflag:s30] =	ssyncpa.u1 $0x0;
	[dreg:$0x6] =	wrdreg s14;
	s15 =	sadd.s32 s4, s3  }
0x6c: {  	s24 =	smov.u32 s12;
	s22 =	sadd.s32 $0x1, s15;
	[dreg:$0x7] =	wrdreg s15  }
0x6d: {  	v0 =	vlaneseq.u32;
	s26 =	simm.s32 $0x0;
	p0 =	por $0x1, $0x1;
	[dreg:$0xb] =	wrdreg s22  }
.LBB3_22:
0x6e: {  	s0 =	sshrl.u32 s3, $0x2  }
.LBB3_24:
0x6f: {  	s3 =	simm.s32 $0xC  }
0x70: {  	_ =	swait.ge [sflag:s3], s0  }
0x71: {  	s31 =	ssub.s32 $0x0, s0;
	v1 =	vmov s4;
	vm0 =	veq.s32 v0, $0x0;
	[sflag:s3] =	ssyncset.done $0x0  }
0x72: {  	vm15 =	veq.s32 v0, $0x2;
	v1 =	vsel vm0, s2, v1;
	[sflag:s3] =	ssyncadd.s32 s31  }
0x73: {  	v1 =	vsel vm15, s26, v1;
	[sflag:s3] =	ssyncpa.u1 $0x1  }
0x74: {  	[tilespmem:$0xA108] =	vst v1  }
.LBB3_25:
0x75: {  	s0 =	sadd.s32 $0x140, s24  }
0x76: {  	s2 =	smov.u32 s12;
	p2 =	slt.s32 s0, s14  }
0x77: {  	s2 =	smov.u32 @p2 s0;
	p2 =	sne.s32 s25, s22  }
.Ltmp7:
0x78: {  	_ = 	snop;
	(pc) =	sbr.rel @!p2 .LBB3_26-.Ltmp7, $4  }
0x79: {  	_ = 	snop  }
0x7a: {  	s26 =	smov.u32 s23;
	s31 =	sadd.s32 $0x1, s25;
	p0 =	por !p0, !p0  }
0x7b: {  	s23 =	smov.u32 s24;
	s20 =	sadd.s32 $0x140, s20;
	s21 =	sadd.s32 $0x1, s21  }
0x7c: {  	p1 =	por !p1, !p1;
	s25 =	smov.u32 s31;
	s24 =	smov.u32 s2  }
.LBB3_3:
0x7d: {  	p2 =	sge.u32 s25, s15  }
0x7e: {  	s0 =	smulhi.u32 @!p2 $0xAAAAAAAB, s25  }
0x7f: {  	s2 =	smov.u32 s24;
	p3 =	sgt.s32 @!p2 s24, $0x61940  }
0x80: {  	s3 =	sshra.s32 @!p2 s24, $0x1F;
	p3 =	por !p3, p2;
	s0 =	sshrl.u32 @!p2 s0, $0x1  }
0x81: {  	s3 =	sand.u32 @!p2 s3, s24;
	s2 =	simm.s32 @p3 $0x61940;
	s0 =	smul.u32 @!p2 $0x3, s0  }
0x82: {  	s2 =	ssub.s32 @!p2 s2, s3  }
0x83: {  	s2 =	sadd.s32 @!p2 $0xFFF9E6C0, s2;
	s0 =	ssub.s32 @!p2 s25, s0  }
0x84: {  	s3 =	sshll.u32 @!p2 s2, $0x2;
	p3 =	sgt.s32 @!p2 s2, $0x13F;
	s0 =	smul.u32 @!p2 $0x500, s0  }
0x85: {  	s4 =	sand.u32 @!p2 $0x7, s24;
	s2 =	ssub.s32 @!p2 $0x500, s3;
	p3 =	por !p3, p2  }
0x86: {  	s3 =	sshrl.u32 @!p2 s24, $0x3;
	s2 =	sshrl.u32 @!p2 s2, $0x2;
	s0 =	sshrl.u32 @!p2 s0, $0x2  }
0x87: {  	s3 =	sadd.s32 @!p2 s3, s17;
	s2 =	simm.s32 @!p3 $0x0;
	s0 =	sadd.s32 @!p2 $0xA948, s0  }
0x88: {  	[tilespmem:s0], [sflag:$0xA] =	stream.linear.gather @!p2 [hbm4b:s3+s4], s2, $0x38;
	[tilespmem:$0x1EF88] =	vst v63  }
0x89: {  	s0 =	sadd.s32 $0xFFFFFFFF, s25  }
0x8a: {  	p2 =	sge.u32 s0, s15  }
.Ltmp8:
0x8b: {  	_ = 	snop;
	(pc) =	sbr.rel @p2 .LBB3_7-.Ltmp8, $1  }
0x8c: {  	_ =	sdelay $0x3  }
0x8d: {  	p2 =	sgt.s32 s23, $0x61940;
	s2 =	smov.u32 s23;
	s3 =	sshra.s32 s23, $0x1F  }
0x8e: {  	s2 =	simm.s32 @!p2 $0x61940;
	s3 =	sand.u32 s3, s23  }
0x8f: {  	s17 =	smulhi.u32 $0xAAAAAAAB, s21;
	s2 =	ssub.s32 s2, s3  }
0x90: {  	s0 =	sand.u32 $0x1, s0;
	s2 =	sadd.s32 $0xFFF9E6C0, s2  }
0x91: {  	s5 =	simm.s32 $0xA;
	s3 =	sshrl.u32 s17, $0x1;
	s4 =	sshll.u32 s2, $0x2  }
0x92: {  	s7 =	sshrl.u32 s23, $0x3;
	s3 =	smul.u32 $0xFFFFF100, s3;
	s4 =	ssub.s32 $0x500, s4  }
0x93: {  	s18 =	smul.u32 $0x500, s0;
	p2 =	sgt.s32 s2, $0x13F;
	s2 =	sshrl.u32 s4, $0x2  }
0x94: {  	s9 =	sand.u32 $0x7, s23;
	s3 =	sshra.s32 s3, $0x2;
	s2 =	simm.s32 @p2 $0x0  }
0x95: {  	s0 =	sadd.s32 s3, s20;
	s4 =	sshrl.u32 s18, $0x2;
	_ =	swait.ge [sflag:s5], s2  }
0x96: {  	s22 =	ssub.s32 $0x0, s2;
	[sflag:s5] =	ssyncset.done $0x0;
	s8 =	rddreg [dreg:$0x9]  }
0x97: {  	s4 =	sadd.s32 $0xAD08, s4;
	[sflag:s5] =	ssyncadd.s32 s22;
	s3 =	sadd.s32 s7, s8  }
0x98: {  	[tilespmem:s4], [sflag:$0xB] =	stream.linear.gather [hbm4b:s3+s9], s2, $0x38;
	[tilespmem:$0x1EF88] =	vst v63  }
0x99: {  	v1 =	vld.msk [tilespmem:s0+$0x0], $0xffff;
	_ =	sdelay $0x4  }
0x9a: {  	v1 =	vshll.u32 v1, $0x4  }
0x9b: {  	(v2sf) =	vpush v1, $0x0  }
0x9c: {  	(v2sf) =	vpush v1, $0x1  }
0x9d: {  	(v2sf) =	vpush v1, $0x2;
	_ =	sdelay $0x3  }
0x9e: {  	(v2sf) =	vpush v1, $0x3;
	_ =	sdelay $0x1  }
0x9f: {  	(v2sf) =	vpush v1, $0x4  }
0xa0: {  	s2 =	simm.s32 $0x1;
	(v2sf) =	vpush v1, $0x5  }
0xa1: {  	s2 =	simm.s32 @!p0 $0x0  }
0xa2: {  	s2 =	smul.u32 $0x28000, s2;
	(v2sf) =	vpush v1, $0x6;
	_ =	sdelay $0x1  }
0xa3: {  	s2 =	sshrl.u32 s2, $0x2  }
0xa4: {  	s28 =	sadd.s32 $0xB708, s2  }
0xa5: {  	s12 =	sadd.s32 $0xFFFFF880, s28;
	s17 =	sadd.s32 $0xFFFFF900, s28;
	s10 =	spop (v2sf);
	(v2sf) =	vpush v1, $0x7  }
0xa6: {  	s18 =	sadd.s32 $0xFFFFF980, s28;
	s11 =	sand.u32 $0x1FFFFFF0, s10;
	s14 =	spop (v2sf)  }
0xa7: {  	(v2sf) =	vpush v1, $0x8;
	s2 =	sadd.s32 s6, s11;
	s15 =	sand.u32 $0x1FFFFFF0, s14;
	s16 =	spop (v2sf)  }
0xa8: {  	[tilespmem:s12], [sflag:$0x9] =	stream.linear.gather [hbm4b:s2+s19], $0x40, $0x38;
	[tilespmem:$0x1EF88] =	vst v63  }
0xa9: {  	s5 =	sadd.s32 $0xFFFFFA00, s28;
	s2 =	sadd.s32 s6, s15;
	s3 =	sand.u32 $0x1FFFFFF0, s16  }
0xaa: {  	(v2sf) =	vpush v1, $0x9;
	[tilespmem:s17], [sflag:$0x9] =	stream.linear.gather [hbm4b:s2+s19], $0x40, $0x38;
	[tilespmem:$0x1EF88] =	vst v63  }
0xab: {  	s7 =	sadd.s32 $0xFFFFFA80, s28;
	s22 =	spop (v2sf);
	s3 =	sadd.s32 s6, s3  }
0xac: {  	(v2sf) =	vpush v1, $0xA;
	[tilespmem:s18], [sflag:$0x9] =	stream.linear.gather [hbm4b:s3+s19], $0x40, $0x38;
	[tilespmem:$0x1EF88] =	vst v63  }
0xad: {  	s11 =	sadd.s32 $0xFFFFFB00, s28;
	s4 =	spop (v2sf);
	(v2sf) =	vpush v1, $0xB;
	s3 =	sand.u32 $0x1FFFFFF0, s22  }
0xae: {  	s8 =	spop (v2sf);
	s2 =	sadd.s32 s6, s3;
	s3 =	sand.u32 $0x1FFFFFF0, s4  }
0xaf: {  	(v2sf) =	vpush v1, $0xC;
	[tilespmem:s5], [sflag:$0x9] =	stream.linear.gather [hbm4b:s2+s19], $0x40, $0x38;
	[tilespmem:$0x1EF88] =	vst v63  }
0xb0: {  	s9 =	sand.u32 $0x1FFFFFF0, s8;
	s10 =	spop (v2sf);
	s3 =	sadd.s32 s6, s3  }
0xb1: {  	(v2sf) =	vpush v1, $0xD;
	[tilespmem:s7], [sflag:$0x9] =	stream.linear.gather [hbm4b:s3+s19], $0x40, $0x38;
	[tilespmem:$0x1EF88] =	vst v63  }
0xb2: {  	s12 =	sadd.s32 $0xFFFFFB80, s28;
	s2 =	sadd.s32 s6, s9;
	s3 =	sand.u32 $0x1FFFFFF0, s10  }
0xb3: {  	[tilespmem:s11], [sflag:$0x9] =	stream.linear.gather [hbm4b:s2+s19], $0x40, $0x38;
	[tilespmem:$0x1EF88] =	vst v63  }
0xb4: {  	s17 =	sadd.s32 $0xFFFFFC00, s28;
	s3 =	sadd.s32 s6, s3;
	s14 =	spop (v2sf)  }
0xb5: {  	[tilespmem:s12], [sflag:$0x9] =	stream.linear.gather [hbm4b:s3+s19], $0x40, $0x38;
	(v2sf) =	vpush v1, $0xE;
	[tilespmem:$0x1EF88] =	vst v63  }
0xb6: {  	s18 =	sadd.s32 $0xFFFFFC80, s28;
	s15 =	sand.u32 $0x1FFFFFF0, s14;
	s16 =	spop (v2sf)  }
0xb7: {  	s5 =	sadd.s32 $0xFFFFFD00, s28;
	(v2sf) =	vpush v1, $0xF;
	s2 =	sadd.s32 s6, s15;
	s3 =	sand.u32 $0x1FFFFFF0, s16  }
0xb8: {  	[tilespmem:s17], [sflag:$0x9] =	stream.linear.gather [hbm4b:s2+s19], $0x40, $0x38;
	[tilespmem:$0x1EF88] =	vst v63  }
0xb9: {  	s7 =	sadd.s32 $0xFFFFFD80, s28;
	s22 =	spop (v2sf);
	s3 =	sadd.s32 s6, s3  }
0xba: {  	[tilespmem:s18], [sflag:$0x9] =	stream.linear.gather [hbm4b:s3+s19], $0x40, $0x38;
	[tilespmem:$0x1EF88] =	vst v63  }
0xbb: {  	s11 =	sadd.s32 $0xFFFFFE00, s28;
	s4 =	spop (v2sf);
	s3 =	sand.u32 $0x1FFFFFF0, s22  }
0xbc: {  	s8 =	spop (v2sf);
	s2 =	sadd.s32 s6, s3;
	s3 =	sand.u32 $0x1FFFFFF0, s4  }
0xbd: {  	[tilespmem:s5], [sflag:$0x9] =	stream.linear.gather [hbm4b:s2+s19], $0x40, $0x38;
	[tilespmem:$0x1EF88] =	vst v63  }
0xbe: {  	s9 =	sand.u32 $0x1FFFFFF0, s8;
	s10 =	spop (v2sf);
	s3 =	sadd.s32 s6, s3  }
0xbf: {  	[tilespmem:s7], [sflag:$0x9] =	stream.linear.gather [hbm4b:s3+s19], $0x40, $0x38;
	[tilespmem:$0x1EF88] =	vst v63  }
0xc0: {  	s14 =	spop (v2sf);
	s2 =	sadd.s32 s6, s9;
	s3 =	sand.u32 $0x1FFFFFF0, s10  }
0xc1: {  	[tilespmem:s11], [sflag:$0x9] =	stream.linear.gather [hbm4b:s2+s19], $0x40, $0x38;
	[tilespmem:$0x1EF88] =	vst v63  }
0xc2: {  	s12 =	sadd.s32 $0xFFFFFE80, s28;
	s15 =	sand.u32 $0x1FFFFFF0, s14;
	s3 =	sadd.s32 s6, s3  }
0xc3: {  	[tilespmem:s12], [sflag:$0x9] =	stream.linear.gather [hbm4b:s3+s19], $0x40, $0x38;
	[tilespmem:$0x1EF88] =	vst v63  }
0xc4: {  	s17 =	sadd.s32 $0xFFFFFF00, s28;
	s2 =	sadd.s32 s6, s15;
	s16 =	spop (v2sf)  }
0xc5: {  	[tilespmem:s17], [sflag:$0x9] =	stream.linear.gather [hbm4b:s2+s19], $0x40, $0x38;
	[tilespmem:$0x1EF88] =	vst v63  }
0xc6: {  	s29 =	simm.s32 $0x0;
	s3 =	sand.u32 $0x1FFFFFF0, s16;
	s18 =	spop (v2sf)  }
0xc7: {  	s22 =	sadd.s32 $0xFFFFFF80, s28;
	s3 =	sadd.s32 s6, s3;
	s2 =	sand.u32 $0x1FFFFFF0, s18  }
0xc8: {  	[tilespmem:s22], [sflag:$0x9] =	stream.linear.gather [hbm4b:s3+s19], $0x40, $0x38;
	[tilespmem:$0x1EF88] =	vst v63  }
0xc9: {  	s31 =	sadd.s32 $0x10, s0;
	s30 =	sadd.s32 $0x800, s28;
	s2 =	sadd.s32 s6, s2  }
.LBB3_5:
0xca: {  	[tilespmem:s28], [sflag:$0x9] =	stream.linear.gather [hbm4b:s2+s19], $0x40, $0x38;
	[tilespmem:$0x1EF88] =	vst v63  }
0xcb: {  	s29 =	sadd.s32 $0x10, s29;
	s28 =	smov.u32 s30  }
0xcc: {  	p2 =	slt.u32 s29, $0x130;
	v1 =	vld.msk [tilespmem:s31+$0x0], $0xffff;
	_ =	sdelay $0x4  }
0xcd: {  	v1 =	vshll.u32 v1, $0x4  }
0xce: {  	(v2sf) =	vpush v1, $0x0  }
0xcf: {  	(v2sf) =	vpush v1, $0x1  }
0xd0: {  	(v2sf) =	vpush v1, $0x2;
	_ =	sdelay $0x1  }
0xd1: {  	(v2sf) =	vpush v1, $0x3;
	_ =	sdelay $0x1  }
0xd2: {  	(v2sf) =	vpush v1, $0x4;
	_ =	sdelay $0x1  }
0xd3: {  	(v2sf) =	vpush v1, $0x5;
	_ =	sdelay $0x1  }
0xd4: {  	(v2sf) =	vpush v1, $0x6  }
0xd5: {  	s4 =	sadd.s32 $0xFFFFFE80, s30;
	s0 =	sadd.s32 $0xFFFFFF00, s30  }
0xd6: {  	s3 =	sadd.s32 $0xFFFFFD00, s30;
	s2 =	sadd.s32 $0xFFFFFD80, s30;
	s5 =	sadd.s32 $0xFFFFFE00, s30;
	(v2sf) =	vpush v1, $0x7  }
0xd7: {  	s10 =	sadd.s32 $0xFFFFFB80, s30;
	s9 =	sadd.s32 $0xFFFFFC00, s30;
	s16 =	sadd.s32 $0xFFFFFC80, s30  }
0xd8: {  	s11 =	sadd.s32 $0xFFFFFA00, s30;
	s12 =	sadd.s32 $0xFFFFFA80, s30;
	s15 =	sadd.s32 $0xFFFFFB00, s30;
	(v2sf) =	vpush v1, $0x8  }
0xd9: {  	s18 =	sadd.s32 $0xFFFFF900, s30;
	s7 =	sadd.s32 $0xFFFFF980, s30;
	s22 =	spop (v2sf)  }
0xda: {  	s8 =	sadd.s32 $0xFFFFF880, s30;
	s22 =	sand.u32 $0x1FFFFFF0, s22;
	s14 =	spop (v2sf);
	(v2sf) =	vpush v1, $0x9  }
0xdb: {  	s22 =	sadd.s32 s6, s22;
	s14 =	sand.u32 $0x1FFFFFF0, s14;
	s17 =	spop (v2sf)  }
0xdc: {  	[tilespmem:s8], [sflag:$0x9] =	stream.linear.gather [hbm4b:s22+s19], $0x40, $0x38;
	(v2sf) =	vpush v1, $0xA;
	[tilespmem:$0x1EF88] =	vst v63  }
0xdd: {  	s8 =	sadd.s32 s6, s14;
	s14 =	sand.u32 $0x1FFFFFF0, s17;
	s17 =	spop (v2sf)  }
0xde: {  	[tilespmem:s18], [sflag:$0x9] =	stream.linear.gather [hbm4b:s8+s19], $0x40, $0x38;
	(v2sf) =	vpush v1, $0xB;
	[tilespmem:$0x1EF88] =	vst v63  }
0xdf: {  	s8 =	sadd.s32 s6, s14;
	s14 =	sand.u32 $0x1FFFFFF0, s17;
	s17 =	spop (v2sf)  }
0xe0: {  	[tilespmem:s7], [sflag:$0x9] =	stream.linear.gather [hbm4b:s8+s19], $0x40, $0x38;
	(v2sf) =	vpush v1, $0xC;
	[tilespmem:$0x1EF88] =	vst v63  }
0xe1: {  	s7 =	sadd.s32 s6, s14;
	s8 =	sand.u32 $0x1FFFFFF0, s17;
	s14 =	spop (v2sf)  }
0xe2: {  	[tilespmem:s11], [sflag:$0x9] =	stream.linear.gather [hbm4b:s7+s19], $0x40, $0x38;
	(v2sf) =	vpush v1, $0xD;
	[tilespmem:$0x1EF88] =	vst v63  }
0xe3: {  	s7 =	sadd.s32 s6, s8;
	s8 =	sand.u32 $0x1FFFFFF0, s14;
	s11 =	spop (v2sf)  }
0xe4: {  	[tilespmem:s12], [sflag:$0x9] =	stream.linear.gather [hbm4b:s7+s19], $0x40, $0x38;
	(v2sf) =	vpush v1, $0xE;
	[tilespmem:$0x1EF88] =	vst v63  }
0xe5: {  	s7 =	sadd.s32 s6, s8;
	s8 =	sand.u32 $0x1FFFFFF0, s11;
	s11 =	spop (v2sf)  }
0xe6: {  	[tilespmem:s15], [sflag:$0x9] =	stream.linear.gather [hbm4b:s7+s19], $0x40, $0x38;
	(v2sf) =	vpush v1, $0xF;
	[tilespmem:$0x1EF88] =	vst v63  }
0xe7: {  	s7 =	sadd.s32 s6, s8;
	s8 =	sand.u32 $0x1FFFFFF0, s11;
	s11 =	spop (v2sf)  }
0xe8: {  	[tilespmem:s10], [sflag:$0x9] =	stream.linear.gather [hbm4b:s7+s19], $0x40, $0x38;
	[tilespmem:$0x1EF88] =	vst v63  }
0xe9: {  	s7 =	sadd.s32 s6, s8;
	s8 =	sand.u32 $0x1FFFFFF0, s11;
	s10 =	spop (v2sf)  }
0xea: {  	[tilespmem:s9], [sflag:$0x9] =	stream.linear.gather [hbm4b:s7+s19], $0x40, $0x38;
	[tilespmem:$0x1EF88] =	vst v63  }
0xeb: {  	s7 =	sadd.s32 s6, s8;
	s8 =	sand.u32 $0x1FFFFFF0, s10;
	s9 =	spop (v2sf)  }
0xec: {  	[tilespmem:s16], [sflag:$0x9] =	stream.linear.gather [hbm4b:s7+s19], $0x40, $0x38;
	[tilespmem:$0x1EF88] =	vst v63  }
0xed: {  	s7 =	sadd.s32 s6, s8;
	s8 =	sand.u32 $0x1FFFFFF0, s9;
	s9 =	spop (v2sf)  }
0xee: {  	[tilespmem:s3], [sflag:$0x9] =	stream.linear.gather [hbm4b:s7+s19], $0x40, $0x38;
	[tilespmem:$0x1EF88] =	vst v63  }
0xef: {  	s3 =	sadd.s32 s6, s8;
	s7 =	sand.u32 $0x1FFFFFF0, s9;
	s8 =	spop (v2sf)  }
0xf0: {  	[tilespmem:s2], [sflag:$0x9] =	stream.linear.gather [hbm4b:s3+s19], $0x40, $0x38;
	[tilespmem:$0x1EF88] =	vst v63  }
0xf1: {  	s2 =	sadd.s32 s6, s7;
	s3 =	sand.u32 $0x1FFFFFF0, s8;
	s7 =	spop (v2sf)  }
0xf2: {  	[tilespmem:s5], [sflag:$0x9] =	stream.linear.gather [hbm4b:s2+s19], $0x40, $0x38;
	[tilespmem:$0x1EF88] =	vst v63  }
0xf3: {  	s2 =	sadd.s32 s6, s3;
	s3 =	sand.u32 $0x1FFFFFF0, s7;
	s5 =	spop (v2sf)  }
0xf4: {  	[tilespmem:s4], [sflag:$0x9] =	stream.linear.gather [hbm4b:s2+s19], $0x40, $0x38;
	[tilespmem:$0x1EF88] =	vst v63  }
0xf5: {  	s2 =	sadd.s32 s6, s3  }
.Ltmp9:
0xf6: {  	s3 =	sand.u32 $0x1FFFFFF0, s5;
	s4 =	spop (v2sf);
	(pc) =	sbr.rel @p2 .LBB3_5-.Ltmp9, $4  }
0xf7: {  	[tilespmem:s0], [sflag:$0x9] =	stream.linear.gather [hbm4b:s2+s19], $0x40, $0x38;
	[tilespmem:$0x1EF88] =	vst v63  }
0xf8: {  	s0 =	sadd.s32 s6, s3;
	s2 =	sadd.s32 $0xFFFFFF80, s30;
	s3 =	sand.u32 $0x1FFFFFF0, s4  }
0xf9: {  	[tilespmem:s2], [sflag:$0x9] =	stream.linear.gather [hbm4b:s0+s19], $0x40, $0x38;
	[tilespmem:$0x1EF88] =	vst v63  }
0xfa: {  	s31 =	sadd.s32 $0x10, s31;
	s30 =	sadd.s32 $0x800, s30;
	s2 =	sadd.s32 s6, s3  }
0xfb: {  	[tilespmem:s28], [sflag:$0x9] =	stream.linear.gather [hbm4b:s2+s19], $0x40, $0x38;
	[tilespmem:$0x1EF88] =	vst v63  }
0xfc: {  	s12 =	rddreg [dreg:$0x5]  }
0xfd: {  	s14 =	rddreg [dreg:$0x6]  }
0xfe: {  	s15 =	rddreg [dreg:$0x7]  }
0xff: {  	s17 =	rddreg [dreg:$0x8]  }
0x100: {  	s18 =	rddreg [dreg:$0xa]  }
0x101: {  	s22 =	rddreg [dreg:$0xb]  }
.LBB3_7:
0x102: {  	p2 =	slt.u32 s25, $0x2  }
.Ltmp10:
0x103: {  	_ = 	snop;
	(pc) =	sbr.rel @p2 .LBB3_25-.Ltmp10, $1  }
0x104: {  	_ =	sdelay $0x3  }
0x105: {  	p2 =	sgt.s32 s26, $0x61940;
	s0 =	smov.u32 s26;
	s2 =	sshra.s32 s26, $0x1F  }
0x106: {  	s0 =	simm.s32 @!p2 $0x61940;
	s2 =	sand.u32 s2, s26  }
0x107: {  	s0 =	ssub.s32 s0, s2  }
0x108: {  	s0 =	sadd.s32 $0xFFF9E6C0, s0  }
0x109: {  	s3 =	simm.s32 $0x9;
	s29 =	sshll.u32 s0, $0x2  }
0x10a: {  	_ =	swait.ge [sflag:s3], $0x5000;
	s2 =	ssub.s32 $0x500, s29  }
0x10b: {  	[sflag:s3] =	ssyncset.done $0x0;
	p2 =	sgt.s32 s0, $0x13F;
	s0 =	sshrl.u32 s2, $0x2  }
0x10c: {  	s30 =	simm.s32 $0xB;
	[sflag:s3] =	ssyncadd.s32 $0xFFFFB000;
	s0 =	simm.s32 @p2 $0x0  }
0x10d: {  	_ =	swait.ge [sflag:s30], s0  }
0x10e: {  	s0 =	ssub.s32 $0x0, s0;
	[sflag:s30] =	ssyncset.done $0x0  }
0x10f: {  	[sflag:s30] =	ssyncadd.s32 s0  }
0x110: {  	v1 =	vld [tilespmem:$0xA108];
	_ =	sdelay $0x4  }
0x111: {  	(v2sf) =	vpush v1, $0x0  }
0x112: {  	(v2sf) =	vpush v1, $0x1  }
0x113: {  	(v2sf) =	vpush v1, $0x2;
	_ =	sdelay $0x3  }
0x114: {  	s0 =	sadd.s32 $0x140, s26  }
0x115: {  	s4 =	ssub.s32 $0xC3500, s26;
	p2 =	slt.s32 s14, s0  }
0x116: {  	s0 =	smov.u32 @p2 s14;
	p2 =	sgt.s32 s4, $0x0  }
0x117: {  	s0 =	ssub.s32 s0, s26;
	s4 =	simm.s32 @!p2 $0x0  }
0x118: {  	p2 =	slt.s32 s4, s0  }
0x119: {  	s0 =	smov.u32 @p2 s4  }
0x11a: {  	s2 =	simm.s32 $0x1;
	p2 =	slt.s32 s0, $0x1  }
.Ltmp11:
0x11b: {  	s2 =	simm.s32 @!p1 $0x0;
	(pc) =	sbr.rel @p2 .LBB3_12-.Ltmp11, $4  }
0x11c: {  	s7 =	smul.u32 $0x500, s2  }
0x11d: {  	s3 =	spop (v2sf)  }
0x11e: {  	s31 =	sshrl.u32 s7, $0x2;
	s5 =	spop (v2sf)  }
0x11f: {  	s28 =	sadd.s32 $0xAD08, s31;
	s26 =	spop (v2sf)  }
0x120: {  	s4 =	smin.u32 s0, $0x10  }
0x121: {  	v1 =	vmov s4  }
0x122: {  	p3 =	sgt.s32 s0, $0x10;
	vm1 =	vgt.u32 v1, v0  }
.Ltmp12:
0x123: {  	_ = 	snop;
	(pc) =	sbr.rel @!p3 .LBB3_11-.Ltmp12, $2  }
0x124: {  	_ =	sdelay $0x2  }
0x125: {  	s9 =	simm.s32 $0x10;
	s10 =	sadd.s32 $0xFFFFFFF0, s0;
	s4 =	smov.u32 s28;
	vm0 =	vmmov vm1  }
.LBB3_10:
0x126: {  	s7 =	smin.u32 s10, $0x10;
	s9 =	sadd.s32 $0x10, s9;
	v1 =	vld.msk [tilespmem:s4+$0x0 ss:$0x1], vm1  }
0x127: {  	v2 =	vmov s7;
	p3 =	slt.s32 s9, s0  }
0x128: {  	vm1 =	vgt.u32 v2, v0  }
.Ltmp13:
0x129: {  	(pc) =	sbr.rel @p3 .LBB3_10-.Ltmp13, $3  }
0x12a: {  	_ =	sdelay $0x1  }
0x12b: {  	v1 =	vshll.u32 v1, $0x4  }
0x12c: {  	s10 =	sadd.s32 $0xFFFFFFF0, s10;
	[tilespmem:s4+$0x0] =	vst.msk vm0, v1;
	s4 =	sadd.s32 $0x10, s4;
	vm0 =	vmmov vm1  }
.LBB3_11:
0x12d: {  	_ =	sdelay $0x4  }
0x12e: {  	v1 =	vld.msk [tilespmem:s4+$0x0 ss:$0x1], vm1;
	_ =	sdelay $0x4  }
0x12f: {  	v1 =	vshll.u32 v1, $0x4  }
0x130: {  	[tilespmem:s4+$0x0] =	vst.msk vm0, v1  }
.LBB3_12:
0x131: {  	s4 =	sand.u32 $0x1, s25  }
0x132: {  	s4 =	smul.u32 $0x140, s4  }
0x133: {  	p3 =	sne.s32 s5, $0xFFFFFFFF  }
0x134: {  	v1 =	vld.msk @!p3 [tilespmem:s4+$0xAD08], $0x1;
	_ =	sdelay $0x4  }
0x135: {  	(v2sf) =	vpush @!p3 v1, $0x0;
	_ =	sdelay $0xc  }
.Ltmp14:
0x136: {  	_ = 	snop;
	(pc) =	sbr.rel @p2 .LBB3_23-.Ltmp14, $4  }
0x137: {  	_ = 	snop  }
0x138: {  	s29 =	spop @!p3 (v2sf)  }
0x139: {  	s31 =	simm.s32 $0xC;
	s26 =	simm.s32 @!p3 $0x0;
	s4 =	smov.u32 s29  }
0x13a: {  	[sflag:s31] =	ssyncpa.u1 $0x0;
	s29 =	smov.u32 @p3 s3;
	s4 =	smov.u32 @p3 s5  }
0x13b: {  	v1 =	vld.msk [tilespmem:s28+$0x0], $0x1;
	_ =	sdelay $0x4  }
0x13c: {  	(v2sf) =	vpush v1, $0x0;
	_ =	sdelay $0xe  }
0x13d: {  	s2 =	smul.u32 $0x28000, s2;
	s5 =	spop (v2sf)  }
0x13e: {  	s31 =	ssub.s32 $0x0, s0;
	p2 =	seq.s32 s29, s5  }
0x13f: {  	s3 =	smov.u32 s29;
	s2 =	sshrl.u32 s2, $0x2;
	p3 =	sgt.s32 @!p2 s29, $0x0  }
0x140: {  	s30 =	sadd.s32 $0xAFA8, s2;
	s2 =	sadd.s32 $0x1, s31;
	p3 =	por !p3, p2  }
0x141: {  	s3 =	simm.s32 @p3 $0x0;
	p3 =	seq.s32 s2, $0x0  }
.Ltmp15:
0x142: {  	_ = 	snop;
	(pc) =	sbr.rel @p3 .LBB3_15-.Ltmp15, $4  }
0x143: {  	_ = 	snop  }
0x144: {  	s0 =	simm.s32 $0x0;
	s9 =	simm.s32 @!p2 $0x1;
	s3 =	smin.u32 @!p2 s3, $0xC3FF8  }
0x145: {  	s10 =	simm.s32 @!p2 $0x50C8;
	s9 =	smov.u32 @p2 s0;
	s7 =	sand.u32 @!p2 $0xFFFF8, s3  }
0x146: {  	s16 =	sand.u32 @!p2 $0x7, s3;
	s3 =	sadd.s32 $0x1, s28;
	s11 =	sadd.s32 @!p2 s1, s7  }
.LBB3_14:
0x147: {  	s7 =	smov.u32 s9  }
0x148: {  	[tilespmem:s10], [sflag:$0x2] =	stream.linear.gather @!p2 [hbm4b:s11+s16], $0x40, $0x38;
	[tilespmem:$0x1EF88] =	vst v63  }
0x149: {  	s2 =	sadd.s32 $0x1, s2;
	s8 =	smov.u32 s5;
	v1 =	vld.msk [tilespmem:s3+$0x0], $0x1  }
0x14a: {  	p3 =	seq.s32 s2, $0x0;
	_ =	sdelay $0x3  }
0x14b: {  	(v2sf) =	vpush v1, $0x0;
	_ =	sdelay $0xe  }
0x14c: {  	s5 =	spop (v2sf)  }
0x14d: {  	p2 =	seq.s32 s8, s5  }
0x14e: {  	p4 =	sgt.s32 @!p2 s8, $0x0;
	s10 =	sshll.u32 @!p2 s9, $0x8;
	s9 =	sadd.s32 @!p2 $0x1, s9  }
.Ltmp16:
0x14f: {  	p4 =	por !p4, p2;
	s10 =	sshra.s32 @!p2 s10, $0x2;
	(pc) =	sbr.rel @!p3 .LBB3_14-.Ltmp16, $4  }
0x150: {  	s9 =	smov.u32 @p2 s7;
	s8 =	simm.s32 @p4 $0x0;
	s10 =	sadd.s32 @!p2 $0x50C8, s10  }
0x151: {  	s7 =	smin.u32 @!p2 s8, $0xC3FF8  }
0x152: {  	s8 =	sand.u32 @!p2 $0xFFFF8, s7;
	s16 =	sand.u32 @!p2 $0x7, s7  }
0x153: {  	s3 =	sadd.s32 $0x1, s3;
	s11 =	sadd.s32 @!p2 s1, s8  }
.LBB3_15:
0x154: {  	[tilespmem:s10], [sflag:$0x2] =	stream.linear.gather @!p2 [hbm4b:s11+s16], $0x40, $0x38;
	[tilespmem:$0x1EF88] =	vst v63  }
.Ltmp17:
0x155: {  	s2 =	sshll.u32 s9, $0x6;
	(pc) =	sbr.rel .LBB3_16-.Ltmp17, $4  }
0x156: {  	s3 =	simm.s32 $0x2;
	s2 =	sand.u32 $0x3FFFFFC0, s2  }
0x157: {  	_ =	swait.ge [sflag:s3], s2  }
0x158: {  	s2 =	ssub.s32 $0x0, s2;
	[sflag:s3] =	ssyncset.done $0x0  }
0x159: {  	[sflag:s3] =	ssyncadd.s32 s2;
	s3 =	simm.s32 $0x0  }
.LBB3_17:
0x15a: {  	v1 =	vld [tilespmem:s30+$0xFFFFFFE0];
	_ =	sdelay $0x4  }
0x15b: {  	[tilespmem:s5+$0x88] =	vst.add.f32.msk $0xffff, v1  }
0x15c: {  	v1 =	vld [tilespmem:s30+$0xFFFFFFF0];
	_ =	sdelay $0x4  }
0x15d: {  	[tilespmem:s5+$0x98] =	vst.add.f32.msk $0xffff, v1  }
0x15e: {  	v1 =	vld [tilespmem:s30+$0x0];
	_ =	sdelay $0x4  }
0x15f: {  	[tilespmem:s5+$0xA8] =	vst.add.f32.msk $0xffff, v1  }
0x160: {  	v1 =	vld [tilespmem:s30+$0x10];
	_ =	sdelay $0x4  }
0x161: {  	[tilespmem:s5+$0xB8] =	vst.add.f32.msk $0xffff, v1  }
.LBB3_21:
0x162: {  	s31 =	sadd.s32 $0x1, s31  }
0x163: {  	p2 =	seq.s32 s31, $0x0  }
.Ltmp18:
0x164: {  	_ = 	snop;
	(pc) =	sbr.rel @p2 .LBB3_22-.Ltmp18, $2  }
0x165: {  	_ =	sdelay $0x2  }
0x166: {  	s30 =	sadd.s32 $0x80, s30;
	s28 =	sadd.s32 $0x1, s28;
	s29 =	smov.u32 s2  }
.LBB3_16:
0x167: {  	v1 =	vld.msk [tilespmem:s28+$0x0], $0x1;
	_ =	sdelay $0x4  }
0x168: {  	(v2sf) =	vpush v1, $0x0;
	_ =	sdelay $0xe  }
0x169: {  	s2 =	spop (v2sf)  }
0x16a: {  	p2 =	sne.s32 s29, s2  }
.Ltmp19:
0x16b: {  	_ = 	snop;
	(pc) =	sbr.rel @!p2 .LBB3_17-.Ltmp19, $3  }
0x16c: {  	_ =	sdelay $0x1  }
0x16d: {  	s5 =	sshll.u32 s26, $0x8  }
0x16e: {  	s5 =	sshra.s32 s5, $0x2  }
0x16f: {  	p2 =	seq.s32 s29, s4  }
.Ltmp20:
0x170: {  	_ = 	snop;
	(pc) =	sbr.rel @!p2 .LBB3_19-.Ltmp20, $1  }
0x171: {  	_ =	sdelay $0x3  }
.Ltmp21:
0x172: {  	s5 =	sadd.s32 $0x88, s5;
	(pc) =	sbr.rel .LBB3_20-.Ltmp21, $4  }
0x173: {  	[spmem:s18] =	stream.linear.scatter [tilespmem:s5], [sflag:$0x1], $0x40, $0x38;
	[tilespmem:$0x1EF88] =	vst v63  }
0x174: {  	_ =	swait.ge [sflag:s13], $0x40  }
0x175: {  	[sflag:s13] =	ssyncset.done $0x0  }
0x176: {  	[sflag:s13] =	ssyncadd.s32 $0xFFFFFFC0  }
.LBB3_19:
0x177: {  	s7 =	sshll.u32 s0, $0x8  }
0x178: {  	s7 =	sshra.s32 s7, $0x2  }
0x179: {  	v1 =	vld [tilespmem:s7+$0x50C8];
	_ =	sdelay $0x4  }
0x17a: {  	[tilespmem:s5+$0x88] =	vst.add.f32.msk $0xffff, v1  }
0x17b: {  	v1 =	vld [tilespmem:s7+$0x50D8];
	_ =	sdelay $0x4  }
0x17c: {  	[tilespmem:s5+$0x98] =	vst.add.f32.msk $0xffff, v1  }
0x17d: {  	v1 =	vld [tilespmem:s7+$0x50E8];
	_ =	sdelay $0x4  }
0x17e: {  	[tilespmem:s5+$0xA8] =	vst.add.f32.msk $0xffff, v1  }
0x17f: {  	v1 =	vld [tilespmem:s7+$0x50F8];
	_ =	sdelay $0x2  }
0x180: {  	p2 =	sgt.u32 s29, $0xC3FF8  }
0x181: {  	s7 =	sand.u32 @!p2 $0xFFFF8, s29  }
0x182: {  	s8 =	sadd.s32 $0x88, s5;
	[tilespmem:s5+$0xB8] =	vst.add.f32.msk $0xffff, v1;
	s5 =	sadd.s32 @!p2 s1, s7;
	s7 =	sand.u32 @!p2 $0x7, s29  }
0x183: {  	[hbm4b:s5+s7] =	stream.linear.scatter @!p2 [tilespmem:s8], [sflag:$0xC], $0x40, $0x38;
	[tilespmem:$0x1EF88] =	vst v63  }
0x184: {  	s5 =	simm.s32 $0x0  }
0x185: {  	s5 =	simm.s32 @!p2 $0x100  }
0x186: {  	s3 =	sadd.s32 s5, s3  }
.LBB3_20:
0x187: {  	s5 =	sadd.s32 $0x1, s26  }
0x188: {  	s7 =	smulhi.u32 $0xCCCCCCCD, s5;
	_ =	sdelay $0x1  }
0x189: {  	v1 =	vld [tilespmem:s30+$0xFFFFFFE0];
	s7 =	sshrl.u32 s7, $0x8  }
0x18a: {  	s7 =	smul.u32 $0x140, s7;
	_ =	sdelay $0x1  }
0x18b: {  	s26 =	ssub.s32 s5, s7  }
0x18c: {  	s5 =	sshll.u32 s26, $0x6  }
0x18d: {  	[tilespmem:s5+$0x88] =	vst v1  }
0x18e: {  	v1 =	vld [tilespmem:s30+$0xFFFFFFF0];
	_ =	sdelay $0x4  }
0x18f: {  	[tilespmem:s5+$0x98] =	vst v1  }
0x190: {  	v1 =	vld [tilespmem:s30+$0x0];
	_ =	sdelay $0x4  }
0x191: {  	[tilespmem:s5+$0xA8] =	vst v1  }
0x192: {  	v1 =	vld [tilespmem:s30+$0x10]  }
.Ltmp22:
0x193: {  	_ = 	snop;
	(pc) =	sbr.rel .LBB3_21-.Ltmp22, $2  }
0x194: {  	_ =	sdelay $0x2  }
0x195: {  	s0 =	sadd.s32 $0x1, s0;
	[tilespmem:s5+$0xB8] =	vst v1  }
.LBB3_23:
.Ltmp23:
0x196: {  	(pc) =	sbr.rel .LBB3_24-.Ltmp23, $4  }
0x197: {  	_ = 	snop  }
0x198: {  	s0 =	simm.s32 $0x2  }
0x199: {  	_ =	swait.ge [sflag:s0], $0x0  }
0x19a: {  	s2 =	smov.u32 s29;
	[sflag:s0] =	ssyncset.done $0x0;
	s0 =	simm.s32 $0x0  }
.LBB3_26:
0x19b: {  	_ =	sfence.sel $0x180000  }
0x19c: {  	s0 =	simm.s32 $0x9;
	[bflag:$0x0] =	sbarrier.arrive $0xFFFF  }
0x19d: {  	s24 =	simm.s32 $0xA;
	[sflag:s0] =	ssyncpa.u1 $0x1  }
0x19e: {  	s25 =	simm.s32 $0xB;
	[sflag:s24] =	ssyncpa.u1 $0x1  }
0x19f: {  	s26 =	simm.s32 $0x2;
	[sflag:s25] =	ssyncpa.u1 $0x1  }
0x1a0: {  	[sflag:s26] =	ssyncpa.u1 $0x1  }
0x1a1: {  	v0 =	vld [tilespmem:$0xA108];
	_ =	sdelay $0x4  }
0x1a2: {  	(v2sf) =	vpush v0, $0x0  }
0x1a3: {  	(v2sf) =	vpush v0, $0x1;
	_ =	sdelay $0x1  }
0x1a4: {  	(v2sf) =	vpush v0, $0x2;
	_ =	sdelay $0xb  }
0x1a5: {  	s0 =	spop (v2sf)  }
0x1a6: {  	s2 =	spop (v2sf)  }
0x1a7: {  	s3 =	smov.u32 s0;
	p0 =	sne.s32 s0, s2  }
0x1a8: {  	s4 =	spop (v2sf);
	s3 =	simm.s32 @!p0 $0xFFFFFFFF  }
0x1a9: {  	v2 =	vimm.s32 $0x1;
	v3 =	vlaneseq.u32;
	p0 =	seq.s32 s4, $0xFFFFFFFF;
	v1 =	vmov s3  }
0x1aa: {  	s14 =	stileid.u32;
	v0 =	vperm.xlane v0, v2;
	p1 =	sne.s32 @!p0 s0, s2;
	v1 =	vperm.xlane v1, v3  }
0x1ab: {  	vm0 =	vcmask $0x3F04;
	s6 =	simm.s32 $0xA108;
	s0 =	simm.s32 @!p0 $0x1;
	p1 =	por !p1, p0  }
0x1ac: {  	s3 =	sshll.u32 s14, $0x1;
	s2 =	sshll.u32 @!p0 s4, $0x8;
	s0 =	simm.s32 @p1 $0x0;
	v0 =	vsel vm0, v1, v0  }
0x1ad: {  	s5 =	sor.u32 $0x800, s3;
	s2 =	sshra.s32 @!p0 s2, $0x2;
	s0 =	sor.u32 @!p0 s0, s3;
	[tilespmem:$0xA108] =	vst v0  }
0x1ae: {  	[spmem:s5] =	stream.linear.scatter [tilespmem:s6], [sflag:$0x1], $0x2, $0x38;
	[tilespmem:$0x1EF88] =	vst v63  }
0x1af: {  	s2 =	sadd.s32 @!p0 $0x88, s2;
	s0 =	sshll.u32 @!p0 s0, $0x6  }
0x1b0: {  	[spmem:s0] =	stream.linear.scatter @!p0 [tilespmem:s2], [sflag:$0x1], $0x40, $0x38;
	[tilespmem:$0x1EF88] =	vst v63  }
0x1b1: {  	s0 =	simm.s32 @!p0 $0x42  }
0x1b2: {  	s28 =	simm.s32 $0x1;
	s0 =	simm.s32 @p0 $0x2  }
0x1b3: {  	_ =	swait.ge [sflag:s28], s0  }
0x1b4: {  	s0 =	ssub.s32 $0x0, s0;
	[sflag:s28] =	ssyncset.done $0x0  }
0x1b5: {  	p0 =	sne.s32 s14, $0x0;
	[sflag:s28] =	ssyncadd.s32 s0  }
.Ltmp24:
0x1b6: {  	_ =	sfence.stream.spmem;
	(pc) =	sbr.rel @p0 .LBB3_43-.Ltmp24, $4  }
0x1b7: {  	s29 =	simm.s32 $0x3;
	[bflag:$0x0] =	sbarrier.arrive $0xFFFF  }
0x1b8: {  	s30 =	simm.s32 $0x4;
	[sflag:s29] =	ssyncpa.u1 $0x1  }
0x1b9: {  	s31 =	simm.s32 $0x3C;
	[sflag:s30] =	ssyncpa.u1 $0x1  }
0x1ba: {  	s13 =	rddreg [dreg:$0x4];
	[sflag:s31] =	ssyncpa.u1 $0x1  }
0x1bb: {  	_ =	sfence.stream.spmem;
	s0 =	simm.s32 $0x5  }
0x1bc: {  	s2 =	simm.s32 $0x800;
	s3 =	simm.s32 $0xA118;
	[sflag:s0] =	ssyncpa.u1 $0x0  }
0x1bd: {  	[tilespmem:s3], [sflag:$0x5] =	stream.linear.gather [spmem:s2], $0x20, $0x38;
	[tilespmem:$0x1EF88] =	vst v63  }
0x1be: {  	s26 =	simm.s32 $0x0;
	s28 =	simm.s32 $0xA138  }
0x1bf: {  	[tilespmem:s28], [sflag:$0x5] =	stream.linear.gather [spmem:s26], $0x800, $0x38;
	[tilespmem:$0x1EF88] =	vst v63  }
0x1c0: {  	_ =	swait.ge [sflag:s0], $0x820  }
0x1c1: {  	[sflag:s0] =	ssyncset.done $0x0  }
0x1c2: {  	s29 =	simm.s32 $0x0;
	[sflag:s0] =	ssyncadd.s32 $0xFFFFF7E0  }
0x1c3: {  	v0 =	vld.msk [tilespmem:s29+$0xA118], $0x1;
	_ =	sdelay $0x1  }
0x1c4: {  	s30 =	simm.s32 $0x1  }
0x1c5: {  	v1 =	vld.msk [tilespmem:s30+$0xA118], $0x1;
	_ =	sdelay $0x1  }
0x1c6: {  	(v2sf) =	vpush v0, $0x0;
	_ =	sdelay $0x2  }
0x1c7: {  	(v2sf) =	vpush v1, $0x0;
	_ =	sdelay $0x2  }
0x1c8: {  	s31 =	simm.s32 $0x2  }
0x1c9: {  	v0 =	vld.msk [tilespmem:s31+$0xA118], $0x1;
	_ =	sdelay $0x2  }
0x1ca: {  	s2 =	simm.s32 $0xFFFFFFFF;
	s3 =	simm.s32 $0xFFFFFFFF;
	s0 =	simm.s32 $0xC  }
.LBB3_28:
0x1cb: {  	s4 =	smov.u32 s3;
	s5 =	smov.u32 s2  }
0x1cc: {  	s2 =	sshra.s32 s0, $0x2;
	p1 =	sne.s32 s0, $0x7C;
	s0 =	sadd.s32 $0x4, s0;
	(v2sf) =	vpush v0, $0x0  }
0x1cd: {  	v0 =	vld.msk [tilespmem:s2+$0xA118], $0x1  }
.Ltmp25:
0x1ce: {  	(pc) =	sbr.rel @p1 .LBB3_28-.Ltmp25, $4  }
0x1cf: {  	s3 =	spop (v2sf)  }
0x1d0: {  	p2 =	sne.s32 s5, $0xFFFFFFFF;
	s2 =	smov.u32 s3  }
0x1d1: {  	p3 =	seq.s32 s3, $0xFFFFFFFF;
	s2 =	smov.u32 @p2 s5  }
0x1d2: {  	s3 =	smov.u32 @p3 s4;
	s2 =	smov.u32 @p3 s5  }
0x1d3: {  	(v2sf) =	vpush v0, $0x0;
	_ =	sdelay $0x8  }
0x1d4: {  	s0 =	spop (v2sf)  }
0x1d5: {  	p1 =	sne.s32 s2, $0xFFFFFFFF;
	s4 =	smov.u32 s0  }
0x1d6: {  	s6 =	simm.s32 $0x0;
	p2 =	seq.s32 s0, $0xFFFFFFFF;
	s4 =	smov.u32 @p1 s2  }
0x1d7: {  	s9 =	simm.s32 $0xA0C8;
	s4 =	smov.u32 @p2 s2;
	s2 =	spop (v2sf)  }
0x1d8: {  	s0 =	smov.u32 @p2 s3;
	p1 =	sne.s32 s4, $0xFFFFFFFF;
	s5 =	smov.u32 s2  }
.Ltmp26:
0x1d9: {  	p2 =	seq.s32 s2, $0xFFFFFFFF;
	s5 =	smov.u32 @p1 s4;
	(pc) =	sbr.rel .LBB3_30-.Ltmp26, $4  }
0x1da: {  	s10 =	simm.s32 $0x0;
	s5 =	smov.u32 @p2 s4;
	s7 =	spop (v2sf)  }
0x1db: {  	s2 =	smov.u32 @p2 s0;
	p1 =	sne.s32 s5, $0xFFFFFFFF;
	s8 =	smov.u32 s7  }
0x1dc: {  	s0 =	simm.s32 $0x6;
	p2 =	seq.s32 s7, $0xFFFFFFFF;
	s8 =	smov.u32 @p1 s5  }
0x1dd: {  	[sflag:s0] =	ssyncpa.u1 $0x0;
	s7 =	smov.u32 @p2 s2;
	s8 =	smov.u32 @p2 s5  }
.LBB3_36:
0x1de: {  	p1 =	sgt.u32 s2, $0xC3FF8  }
0x1df: {  	p2 =	seq.s32 @!p1 s2, s8  }
0x1e0: {  	p1 =	por p1, p2  }
0x1e1: {  	p2 =	sne.s32 @!p1 s2, s7  }
0x1e2: {  	p1 =	por p1, !p2  }
0x1e3: {  	s2 =	sshll.u32 @p1 s10, $0x8  }
0x1e4: {  	s3 =	sand.u32 @!p1 $0xFFFF8, s2  }
0x1e5: {  	s2 =	sand.u32 @!p1 $0x7, s2;
	s3 =	sadd.s32 @!p1 s1, s3  }
0x1e6: {  	[tilespmem:s9], [sflag:$0x6] =	stream.linear.gather @!p1 [hbm4b:s3+s2], $0x40, $0x38;
	[tilespmem:$0x1EF88] =	vst v63  }
0x1e7: {  	_ =	swait.ge @!p1 [sflag:s0], $0x40  }
0x1e8: {  	[sflag:s0] =	ssyncset.done @!p1 $0x0  }
0x1e9: {  	[sflag:s0] =	ssyncadd.s32 @!p1 $0xFFFFFFC0  }
0x1ea: {  	v1 =	vld @!p1 [tilespmem:$0xA0C8];
	_ =	sdelay $0x2  }
0x1eb: {  	s2 =	sshll.u32 @!p1 s10, $0x8  }
0x1ec: {  	s3 =	sshrl.u32 @!p1 s2, $0x2  }
0x1ed: {  	[tilespmem:s3+$0xA138] =	vst.add.f32.msk @!p1 $0xffff, v1  }
0x1ee: {  	v1 =	vld @!p1 [tilespmem:$0xA0D8];
	_ =	sdelay $0x4  }
0x1ef: {  	[tilespmem:s3+$0xA148] =	vst.add.f32.msk @!p1 $0xffff, v1  }
0x1f0: {  	v1 =	vld @!p1 [tilespmem:$0xA0E8];
	_ =	sdelay $0x4  }
0x1f1: {  	[tilespmem:s3+$0xA158] =	vst.add.f32.msk @!p1 $0xffff, v1  }
0x1f2: {  	v1 =	vld @!p1 [tilespmem:$0xA0F8];
	_ =	sdelay $0x4  }
0x1f3: {  	[tilespmem:s3+$0xA168] =	vst.add.f32.msk @!p1 $0xffff, v1  }
0x1f4: {  	s2 =	sshrl.u32 s2, $0x2;
	[tilespmem:s6+$0xA118] =	vst.msk $0x1, v0  }
0x1f5: {  	v0 =	vld [tilespmem:s2+$0xA138];
	_ =	sdelay $0x2  }
0x1f6: {  	s31 =	sshll.u32 s6, $0x8  }
0x1f7: {  	s3 =	sshra.s32 s31, $0x2  }
0x1f8: {  	[tilespmem:s3+$0xA138] =	vst v0  }
0x1f9: {  	v0 =	vld [tilespmem:s2+$0xA148];
	_ =	sdelay $0x4  }
0x1fa: {  	[tilespmem:s3+$0xA148] =	vst v0  }
0x1fb: {  	v0 =	vld [tilespmem:s2+$0xA158];
	_ =	sdelay $0x4  }
0x1fc: {  	[tilespmem:s3+$0xA158] =	vst v0  }
0x1fd: {  	v0 =	vld [tilespmem:s2+$0xA168];
	_ =	sdelay $0x4  }
0x1fe: {  	s6 =	sadd.s32 $0x1, s6;
	[tilespmem:s3+$0xA168] =	vst v0  }
.LBB3_37:
0x1ff: {  	s10 =	sadd.s32 $0x1, s10  }
0x200: {  	p1 =	sne.s32 s10, $0x20  }
.Ltmp27:
0x201: {  	_ = 	snop;
	(pc) =	sbr.rel @!p1 .LBB3_38-.Ltmp27, $1  }
0x202: {  	_ =	sdelay $0x3  }
.LBB3_30:
0x203: {  	v0 =	vld.msk [tilespmem:s10+$0xA118], $0x1;
	_ =	sdelay $0x4  }
0x204: {  	(v2sf) =	vpush v0, $0x0;
	_ =	sdelay $0xe  }
0x205: {  	s2 =	spop (v2sf)  }
0x206: {  	p1 =	seq.s32 s2, $0xFFFFFFFF  }
.Ltmp28:
0x207: {  	_ = 	snop;
	(pc) =	sbr.rel @p1 .LBB3_37-.Ltmp28, $1  }
0x208: {  	_ =	sdelay $0x3  }
0x209: {  	p1 =	slt.s32 s6, $0x1  }
.Ltmp29:
0x20a: {  	_ = 	snop;
	(pc) =	sbr.rel @p1 .LBB3_36-.Ltmp29, $1  }
0x20b: {  	_ =	sdelay $0x3  }
0x20c: {  	s3 =	simm.s32 $0xA118;
	p1 =	por $0x0, $0x0  }
0x20d: {  	v1 =	vld.msk @!p1 [tilespmem:s3+$0x0], $0x1;
	_ =	sdelay $0x4  }
0x20e: {  	(v2sf) =	vpush @!p1 v1, $0x0;
	_ =	sdelay $0xd  }
0x20f: {  	p3 =	sne.s32 s6, $0x1  }
.Ltmp30:
0x210: {  	s4 =	spop @!p1 (v2sf);
	(pc) =	sbr.rel @!p3 .LBB3_34-.Ltmp30, $4  }
0x211: {  	p2 =	seq.s32 @!p1 s2, s4  }
0x212: {  	s4 =	simm.s32 $0x0;
	p2 =	por !p2, p1  }
0x213: {  	s11 =	simm.s32 $0xFFFFFFFF;
	s4 =	simm.s32 @p2 $0xFFFFFFFF  }
0x214: {  	s5 =	simm.s32 $0x1;
	s4 =	smov.u32 @p1 s11  }
.LBB3_33:
0x215: {  	s11 =	smov.u32 s4;
	p1 =	sne.s32 s4, $0xFFFFFFFF  }
0x216: {  	s3 =	sadd.s32 $0x1, s3;
	s4 =	smov.u32 s5;
	s5 =	sadd.s32 $0x1, s5  }
0x217: {  	p2 =	sne.s32 s6, s5;
	v1 =	vld.msk @!p1 [tilespmem:s3+$0x0], $0x1;
	_ =	sdelay $0x4  }
0x218: {  	(v2sf) =	vpush @!p1 v1, $0x0;
	_ =	sdelay $0xe  }
.Ltmp31:
0x219: {  	s12 =	spop @!p1 (v2sf);
	(pc) =	sbr.rel @p2 .LBB3_33-.Ltmp31, $4  }
0x21a: {  	p3 =	seq.s32 @!p1 s2, s12  }
0x21b: {  	p3 =	por !p3, p1  }
0x21c: {  	s4 =	simm.s32 @p3 $0xFFFFFFFF  }
0x21d: {  	s4 =	smov.u32 @p1 s11  }
.LBB3_34:
0x21e: {  	p1 =	seq.s32 s4, $0xFFFFFFFF  }
.Ltmp32:
0x21f: {  	_ = 	snop;
	(pc) =	sbr.rel @p1 .LBB3_36-.Ltmp32, $1  }
0x220: {  	_ =	sdelay $0x3  }
0x221: {  	s2 =	sshll.u32 s10, $0x6  }
0x222: {  	s2 =	sand.u32 $0x3FFFFFC0, s2  }
0x223: {  	v0 =	vld [tilespmem:s2+$0xA138];
	_ =	sdelay $0x2  }
0x224: {  	s3 =	sshll.u32 s4, $0x8  }
0x225: {  	s3 =	sshra.s32 s3, $0x2  }
0x226: {  	[tilespmem:s3+$0xA138] =	vst.add.f32.msk $0xffff, v0  }
0x227: {  	v0 =	vld [tilespmem:s2+$0xA148];
	_ =	sdelay $0x4  }
0x228: {  	[tilespmem:s3+$0xA148] =	vst.add.f32.msk $0xffff, v0  }
0x229: {  	v0 =	vld [tilespmem:s2+$0xA158];
	_ =	sdelay $0x4  }
0x22a: {  	[tilespmem:s3+$0xA158] =	vst.add.f32.msk $0xffff, v0  }
0x22b: {  	v0 =	vld [tilespmem:s2+$0xA168]  }
.Ltmp33:
0x22c: {  	_ = 	snop;
	(pc) =	sbr.rel .LBB3_37-.Ltmp33, $2  }
0x22d: {  	_ =	sdelay $0x2  }
0x22e: {  	[tilespmem:s3+$0xA168] =	vst.add.f32.msk $0xffff, v0  }
.LBB3_38:
0x22f: {  	s0 =	simm.s32 $0x6;
	p1 =	seq.s32 s6, $0x0  }
0x230: {  	[sflag:s0] =	ssyncpa.u1 $0x1;
	v0 =	vimm.s32 @p1 $0xFFFFFFFF  }
0x231: {  	s0 =	sadd.s32 $0xFFFFFFFF, s6;
	[tilespmem:$0xA938] =	vst @p1 v0  }
0x232: {  	v0 =	vld.msk @!p1 [tilespmem:s0+$0xA118], $0x1;
	_ =	sdelay $0x1  }
0x233: {  	v1 =	vld.msk @!p1 [tilespmem:$0xA118], $0x1;
	_ =	sdelay $0x2  }
0x234: {  	p2 =	seq.s32 @!p1 s0, $0x0;
	v0 =	vbroadcast @!p1 v0, $0x0  }
0x235: {  	vm0 =	vmmov @!p1 $0x1;
	p2 =	por !p2, p1  }
0x236: {  	v1 =	vnsel @!p1 vm0, $0xFFFFFFFF, v1;
	vm0 =	vcmask @!p1 $0x308;
	v0 =	vpsel !p2, $0xFFFFFFFF, v0  }
0x237: {  	p2 =	sne.s32 @!p1 s8, s7;
	v0 =	vsel @!p1 vm0, v1, v0  }
0x238: {  	s2 =	simm.s32 @!p1 $0xA138;
	s3 =	simm.s32 @!p1 $0x0;
	p3 =	por !p2, p1;
	[tilespmem:$0xA938] =	vst @!p1 v0  }
0x239: {  	[spmem:s3] =	stream.linear.scatter @!p1 [tilespmem:s2], [sflag:$0x1], $0x40, $0x38;
	[tilespmem:$0x1EF88] =	vst v63  }
0x23a: {  	s2 =	sshll.u32 @!p3 s0, $0x8  }
0x23b: {  	s2 =	sshra.s32 @!p3 s2, $0x2  }
0x23c: {  	s3 =	simm.s32 @!p3 $0x40;
	s2 =	sadd.s32 @!p3 $0xA138, s2  }
0x23d: {  	[spmem:s3] =	stream.linear.scatter @!p3 [tilespmem:s2], [sflag:$0x1], $0x40, $0x38;
	[tilespmem:$0x1EF88] =	vst v63  }
0x23e: {  	s2 =	simm.s32 @!p3 $0x1  }
0x23f: {  	_ =	swait.ge @!p3 [sflag:s2], $0x80  }
0x240: {  	p1 =	por p2, p1;
	[sflag:s2] =	ssyncset.done @!p3 $0x0  }
0x241: {  	[sflag:s2] =	ssyncadd.s32 @!p3 $0xFFFFFF80;
	s2 =	simm.s32 @!p1 $0x1  }
0x242: {  	_ =	swait.ge @!p1 [sflag:s2], $0x40  }
0x243: {  	s29 =	simm.s32 $0xA938;
	[sflag:s2] =	ssyncset.done @!p1 $0x0  }
0x244: {  	s30 =	simm.s32 $0x800;
	s31 =	simm.s32 $0x1;
	[sflag:s2] =	ssyncadd.s32 @!p1 $0xFFFFFFC0  }
0x245: {  	[spmem:s30] =	stream.linear.scatter [tilespmem:s29], [sflag:$0x1], $0x10, $0x38;
	[tilespmem:$0x1EF88] =	vst v63  }
0x246: {  	_ =	swait.ge [sflag:s31], $0x10  }
0x247: {  	[sflag:s31] =	ssyncset.done $0x0  }
0x248: {  	p1 =	seq.s32 s13, $0x0;
	s9 =	rddreg [dreg:$0x1];
	[sflag:s31] =	ssyncadd.s32 $0xFFFFFFF0  }
0x249: {  	s3 =	sshll.u32 @p1 s9, $0xE;
	s8 =	rddreg [dreg:$0x2]  }
0x24a: {  	s2 =	sadd.s32 @p1 $0x15C3C, s3;
	s3 =	sshll.u32 @p1 s8, $0x11  }
0x24b: {  	_ =	sfence.stream.spmem;
	s2 =	sor.u32 @p1 s3, s2  }
0x24c: {  	[sflag:s2] =	ssyncadd.remote.s32 @p1 $0x1;
	s2 =	simm.s32 @p1 $0x4  }
0x24d: {  	s4 =	simm.s32 @!p1 $0x3C;
	s3 =	sand.u32 $0xFFFFFFFE, s9;
	_ =	swait.ge @p1 [sflag:s2], $0x12  }
0x24e: {  	s5 =	simm.s32 @!p1 $0x0;
	s3 =	sadd.s32 @!p1 $0x4, s3;
	[sflag:s2] =	ssyncset.done @p1 $0x0  }
0x24f: {  	s7 =	simm.s32 @!p1 $0x80;
	[sflag:s2] =	ssyncadd.s32 @p1 $0xFFFFFFEE;
	s2 =	sshll.u32 @!p1 s3, $0x1A  }
0x250: {  	s3 =	sshll.u32 @!p1 s3, $0xD;
	s2 =	sor.u32 @!p1 s2, s8;
	_ =	swait.eq @!p1 [sflag:s4], $0x1  }
0x251: {  	s3 =	sor.u32 @!p1 $0x1C04, s3;
	s4 =	simm.s32 @!p1 $0x1C03;
	s2 =	sor.u32 @!p1 $0x80004000, s2  }
0x252: {  	[spmem:s7], [sflag:s3] =	dma.general @!p1 [spmem:s5], [sflag:s4], length:$0x10, [dreg:$0x0], stride_count:$0x0, ici_dest:s2, dma_misc:DstOpCode:WRITE  }
0x253: {  	p2 =	slt.s32 s0, $0x2;
	s5 =	simm.s32 @!p1 $0x100;
	s7 =	simm.s32 @!p1 $0x102  }
0x254: {  	[spmem:s7], [sflag:s3] =	dma.general @!p1 [spmem:s5], [sflag:s4], length:$0x2, [dreg:$0x0], stride_count:$0x0, ici_dest:s2, dma_misc:DstOpCode:WRITE  }
.Ltmp34:
0x255: {  	s2 =	simm.s32 @!p1 $0x3;
	(pc) =	sbr.rel @p2 .LBB3_42-.Ltmp34, $4  }
0x256: {  	s3 =	sshll.u32 @!p1 s9, $0xE;
	_ =	swait.ge @!p1 [sflag:s2], $0x12  }
0x257: {  	s4 =	sshll.u32 @!p1 s8, $0x11;
	s3 =	sadd.s32 @!p1 $0x11C3C, s3;
	[sflag:s2] =	ssyncset.done @!p1 $0x0  }
0x258: {  	[sflag:s2] =	ssyncadd.s32 @!p1 $0xFFFFFFEE;
	s2 =	sor.u32 @!p1 s4, s3  }
0x259: {  	s0 =	simm.s32 $0x0;
	[sflag:s2] =	ssyncadd.remote.s32 @!p1 $0xFFFFFFFF  }
0x25a: {  	s0 =	simm.s32 $0xA119  }
0x25b: {  	v0 =	vld.msk [tilespmem:s0+$0x0], $0x1;
	_ =	sdelay $0x4  }
0x25c: {  	(v2sf) =	vpush v0, $0x0;
	_ =	sdelay $0xc  }
0x25d: {  	s2 =	sadd.s32 $0xFFFFFFFE, s6  }
0x25e: {  	s2 =	sadd.s32 $0xFFFFFFFF, s2  }
0x25f: {  	p2 =	sne.s32 s2, $0x0;
	s3 =	spop (v2sf)  }
.Ltmp35:
0x260: {  	p1 =	sgt.u32 s3, $0xC3FF8;
	(pc) =	sbr.rel @!p2 .LBB3_41-.Ltmp35, $4  }
0x261: {  	s5 =	simm.s32 $0x0;
	s4 =	sand.u32 @!p1 $0xFFFF8, s3  }
0x262: {  	s0 =	simm.s32 $0xA178;
	s3 =	sand.u32 @!p1 $0x7, s3;
	s4 =	sadd.s32 @!p1 s1, s4  }
0x263: {  	[hbm4b:s4+s3] =	stream.linear.scatter @!p1 [tilespmem:s0], [sflag:$0x5], $0x40, $0x38;
	[tilespmem:$0x1EF88] =	vst v63  }
0x264: {  	s5 =	simm.s32 @!p1 $0x100;
	s3 =	simm.s32 $0x0;
	s4 =	simm.s32 $0xA11A  }
.LBB3_40:
0x265: {  	v0 =	vld.msk [tilespmem:s4+$0x0], $0x1;
	s2 =	sadd.s32 $0xFFFFFFFF, s2;
	s3 =	sadd.s32 s3, s5  }
0x266: {  	p1 =	sne.s32 s2, $0x0;
	_ =	sdelay $0x3  }
0x267: {  	(v2sf) =	vpush v0, $0x0;
	_ =	sdelay $0xe  }
.Ltmp36:
0x268: {  	s6 =	spop (v2sf);
	(pc) =	sbr.rel @p1 .LBB3_40-.Ltmp36, $4  }
0x269: {  	s5 =	simm.s32 $0x0;
	p2 =	sgt.u32 s6, $0xC3FF8  }
0x26a: {  	s0 =	sadd.s32 $0x40, s0;
	s5 =	simm.s32 @!p2 $0x100;
	s7 =	sand.u32 @!p2 $0xFFFF8, s6  }
0x26b: {  	s4 =	sadd.s32 $0x1, s4;
	s6 =	sand.u32 @!p2 $0x7, s6;
	s7 =	sadd.s32 @!p2 s1, s7  }
0x26c: {  	[hbm4b:s7+s6] =	stream.linear.scatter @!p2 [tilespmem:s0], [sflag:$0x5], $0x40, $0x38;
	[tilespmem:$0x1EF88] =	vst v63  }
.LBB3_41:
0x26d: {  	s0 =	sadd.s32 s3, s5  }
0x26e: {  	s0 =	sshrl.u32 s0, $0x2  }
.LBB3_42:
0x26f: {  	s2 =	simm.s32 $0x5  }
0x270: {  	_ =	swait.ge [sflag:s2], s0  }
0x271: {  	s31 =	ssub.s32 $0x0, s0;
	[sflag:s2] =	ssyncset.done $0x0  }
0x272: {  	[sflag:s2] =	ssyncadd.s32 s31  }
0x273: {  	[sflag:s2] =	ssyncpa.u1 $0x1  }
.LBB3_43:
0x274: {  	s0 =	sor.u32 s13, s14  }
0x275: {  	p1 =	sne.s32 s0, $0x0  }
.Ltmp37:
0x276: {  	_ = 	snop;
	(pc) =	sbr.rel @p1 .LBB3_58-.Ltmp37, $3  }
0x277: {  	_ =	sdelay $0x1  }
0x278: {  	[bflag:$0x0] =	sbarrier.arrive $0xFFFF  }
0x279: {  	_ =	sfence  }
0x27a: {  	s2 =	simm.s32 $0x7  }
0x27b: {  	s0 =	simm.s32 $0x800;
	s3 =	simm.s32 $0xA118;
	[sflag:s2] =	ssyncpa.u1 $0x0  }
0x27c: {  	[tilespmem:s3], [sflag:$0x7] =	stream.linear.gather [spmem:s0], $0x20, $0x38;
	[tilespmem:$0x1EF88] =	vst v63  }
0x27d: {  	s30 =	simm.s32 $0xA138;
	s0 =	simm.s32 $0x0  }
0x27e: {  	[tilespmem:s30], [sflag:$0x7] =	stream.linear.gather [spmem:s0], $0x800, $0x38;
	[tilespmem:$0x1EF88] =	vst v63  }
.Ltmp38:
0x27f: {  	_ = 	snop;
	(pc) =	sbr.rel .LBB3_45-.Ltmp38, $4  }
0x280: {  	_ =	swait.ge [sflag:s2], $0x820  }
0x281: {  	[sflag:s2] =	ssyncset.done $0x0  }
0x282: {  	s31 =	simm.s32 $0x8;
	[sflag:s2] =	ssyncadd.s32 $0xFFFFF7E0  }
0x283: {  	s2 =	simm.s32 $0x0;
	[sflag:s31] =	ssyncpa.u1 $0x0  }
.LBB3_51:
0x284: {  	p1 =	slt.u32 s3, $0xC3FF9  }
0x285: {  	s4 =	sand.u32 @p1 $0xFFFF8, s3  }
0x286: {  	s3 =	sand.u32 @p1 $0x7, s3;
	s5 =	simm.s32 @p1 $0xA0C8;
	s4 =	sadd.s32 @p1 s1, s4  }
0x287: {  	[tilespmem:s5], [sflag:$0x8] =	stream.linear.gather @p1 [hbm4b:s4+s3], $0x40, $0x38;
	[tilespmem:$0x1EF88] =	vst v63  }
0x288: {  	s3 =	simm.s32 @p1 $0x8  }
0x289: {  	_ =	swait.ge @p1 [sflag:s3], $0x40  }
0x28a: {  	[sflag:s3] =	ssyncset.done @p1 $0x0  }
0x28b: {  	[sflag:s3] =	ssyncadd.s32 @p1 $0xFFFFFFC0  }
0x28c: {  	v1 =	vld @p1 [tilespmem:$0xA0C8];
	_ =	sdelay $0x2  }
0x28d: {  	s3 =	sshll.u32 @p1 s2, $0x8  }
0x28e: {  	s4 =	sshrl.u32 @p1 s3, $0x2  }
0x28f: {  	[tilespmem:s4+$0xA138] =	vst.add.f32.msk @p1 $0xffff, v1  }
0x290: {  	v1 =	vld @p1 [tilespmem:$0xA0D8];
	_ =	sdelay $0x4  }
0x291: {  	[tilespmem:s4+$0xA148] =	vst.add.f32.msk @p1 $0xffff, v1  }
0x292: {  	v1 =	vld @p1 [tilespmem:$0xA0E8];
	_ =	sdelay $0x4  }
0x293: {  	[tilespmem:s4+$0xA158] =	vst.add.f32.msk @p1 $0xffff, v1  }
0x294: {  	v1 =	vld @p1 [tilespmem:$0xA0F8];
	_ =	sdelay $0x3  }
0x295: {  	s5 =	sshll.u32 @!p1 s2, $0x8  }
0x296: {  	s5 =	smov.u32 @p1 s3;
	[tilespmem:s4+$0xA168] =	vst.add.f32.msk @p1 $0xffff, v1  }
0x297: {  	s3 =	sshrl.u32 s5, $0x2;
	[tilespmem:s0+$0xA118] =	vst.msk $0x1, v0  }
0x298: {  	v0 =	vld [tilespmem:s3+$0xA138];
	_ =	sdelay $0x2  }
0x299: {  	s31 =	sshll.u32 s0, $0x8  }
0x29a: {  	s4 =	sshra.s32 s31, $0x2  }
0x29b: {  	[tilespmem:s4+$0xA138] =	vst v0  }
0x29c: {  	v0 =	vld [tilespmem:s3+$0xA148];
	_ =	sdelay $0x4  }
0x29d: {  	[tilespmem:s4+$0xA148] =	vst v0  }
0x29e: {  	v0 =	vld [tilespmem:s3+$0xA158];
	_ =	sdelay $0x4  }
0x29f: {  	[tilespmem:s4+$0xA158] =	vst v0  }
0x2a0: {  	v0 =	vld [tilespmem:s3+$0xA168];
	_ =	sdelay $0x4  }
0x2a1: {  	s0 =	sadd.s32 $0x1, s0;
	[tilespmem:s4+$0xA168] =	vst v0  }
.LBB3_52:
0x2a2: {  	s2 =	sadd.s32 $0x1, s2  }
0x2a3: {  	p1 =	sne.s32 s2, $0x20  }
.Ltmp39:
0x2a4: {  	_ = 	snop;
	(pc) =	sbr.rel @!p1 .LBB3_53-.Ltmp39, $1  }
0x2a5: {  	_ =	sdelay $0x3  }
.LBB3_45:
0x2a6: {  	v0 =	vld.msk [tilespmem:s2+$0xA118], $0x1;
	_ =	sdelay $0x4  }
0x2a7: {  	(v2sf) =	vpush v0, $0x0;
	_ =	sdelay $0xe  }
0x2a8: {  	s3 =	spop (v2sf)  }
0x2a9: {  	p1 =	seq.s32 s3, $0xFFFFFFFF  }
.Ltmp40:
0x2aa: {  	_ = 	snop;
	(pc) =	sbr.rel @p1 .LBB3_52-.Ltmp40, $1  }
0x2ab: {  	_ =	sdelay $0x3  }
0x2ac: {  	p1 =	slt.s32 s0, $0x1  }
.Ltmp41:
0x2ad: {  	_ = 	snop;
	(pc) =	sbr.rel @p1 .LBB3_51-.Ltmp41, $1  }
0x2ae: {  	_ =	sdelay $0x3  }
0x2af: {  	s4 =	simm.s32 $0xA118;
	p1 =	por $0x0, $0x0  }
0x2b0: {  	v1 =	vld.msk @!p1 [tilespmem:s4+$0x0], $0x1;
	_ =	sdelay $0x4  }
0x2b1: {  	(v2sf) =	vpush @!p1 v1, $0x0;
	_ =	sdelay $0xd  }
0x2b2: {  	p3 =	sne.s32 s0, $0x1  }
.Ltmp42:
0x2b3: {  	s5 =	spop @!p1 (v2sf);
	(pc) =	sbr.rel @!p3 .LBB3_49-.Ltmp42, $4  }
0x2b4: {  	p2 =	seq.s32 @!p1 s3, s5  }
0x2b5: {  	s5 =	simm.s32 $0x0;
	p2 =	por !p2, p1  }
0x2b6: {  	s7 =	simm.s32 $0xFFFFFFFF;
	s5 =	simm.s32 @p2 $0xFFFFFFFF  }
0x2b7: {  	s6 =	simm.s32 $0x1;
	s5 =	smov.u32 @p1 s7  }
.LBB3_48:
0x2b8: {  	s7 =	smov.u32 s5;
	p1 =	sne.s32 s5, $0xFFFFFFFF  }
0x2b9: {  	s4 =	sadd.s32 $0x1, s4;
	s5 =	smov.u32 s6;
	s6 =	sadd.s32 $0x1, s6  }
0x2ba: {  	p2 =	sne.s32 s0, s6;
	v1 =	vld.msk @!p1 [tilespmem:s4+$0x0], $0x1;
	_ =	sdelay $0x4  }
0x2bb: {  	(v2sf) =	vpush @!p1 v1, $0x0;
	_ =	sdelay $0xe  }
.Ltmp43:
0x2bc: {  	s8 =	spop @!p1 (v2sf);
	(pc) =	sbr.rel @p2 .LBB3_48-.Ltmp43, $4  }
0x2bd: {  	p3 =	seq.s32 @!p1 s3, s8  }
0x2be: {  	p3 =	por !p3, p1  }
0x2bf: {  	s5 =	simm.s32 @p3 $0xFFFFFFFF  }
0x2c0: {  	s5 =	smov.u32 @p1 s7  }
.LBB3_49:
0x2c1: {  	p1 =	seq.s32 s5, $0xFFFFFFFF  }
.Ltmp44:
0x2c2: {  	_ = 	snop;
	(pc) =	sbr.rel @p1 .LBB3_51-.Ltmp44, $1  }
0x2c3: {  	_ =	sdelay $0x3  }
0x2c4: {  	s3 =	sshll.u32 s2, $0x6  }
0x2c5: {  	s3 =	sand.u32 $0x3FFFFFC0, s3  }
0x2c6: {  	v0 =	vld [tilespmem:s3+$0xA138];
	_ =	sdelay $0x2  }
0x2c7: {  	s4 =	sshll.u32 s5, $0x8  }
0x2c8: {  	s4 =	sshra.s32 s4, $0x2  }
0x2c9: {  	[tilespmem:s4+$0xA138] =	vst.add.f32.msk $0xffff, v0  }
0x2ca: {  	v0 =	vld [tilespmem:s3+$0xA148];
	_ =	sdelay $0x4  }
0x2cb: {  	[tilespmem:s4+$0xA148] =	vst.add.f32.msk $0xffff, v0  }
0x2cc: {  	v0 =	vld [tilespmem:s3+$0xA158];
	_ =	sdelay $0x4  }
0x2cd: {  	[tilespmem:s4+$0xA158] =	vst.add.f32.msk $0xffff, v0  }
0x2ce: {  	v0 =	vld [tilespmem:s3+$0xA168]  }
.Ltmp45:
0x2cf: {  	_ = 	snop;
	(pc) =	sbr.rel .LBB3_52-.Ltmp45, $2  }
0x2d0: {  	_ =	sdelay $0x2  }
0x2d1: {  	[tilespmem:s4+$0xA168] =	vst.add.f32.msk $0xffff, v0  }
.LBB3_53:
0x2d2: {  	p1 =	slt.s32 s0, $0x1  }
.Ltmp46:
0x2d3: {  	_ = 	snop;
	(pc) =	sbr.rel @p1 .LBB3_57-.Ltmp46, $3  }
0x2d4: {  	_ =	sdelay $0x1  }
0x2d5: {  	s2 =	simm.s32 $0x8  }
0x2d6: {  	[sflag:s2] =	ssyncpa.u1 $0x1;
	s2 =	simm.s32 $0x0  }
0x2d7: {  	s3 =	simm.s32 $0xA118  }
0x2d8: {  	v0 =	vld.msk [tilespmem:s3+$0x0], $0x1;
	_ =	sdelay $0x4  }
0x2d9: {  	(v2sf) =	vpush v0, $0x0;
	_ =	sdelay $0xe  }
0x2da: {  	s0 =	sadd.s32 $0xFFFFFFFF, s0;
	s4 =	spop (v2sf)  }
0x2db: {  	p2 =	sne.s32 s0, $0x0;
	p1 =	sgt.u32 s4, $0xC3FF8  }
.Ltmp47:
0x2dc: {  	s5 =	sand.u32 @!p1 $0xFFFF8, s4;
	(pc) =	sbr.rel @!p2 .LBB3_56-.Ltmp47, $4  }
0x2dd: {  	s3 =	simm.s32 $0xA138;
	s4 =	sand.u32 @!p1 $0x7, s4;
	s5 =	sadd.s32 @!p1 s1, s5  }
0x2de: {  	[hbm4b:s5+s4] =	stream.linear.scatter @!p1 [tilespmem:s3], [sflag:$0x7], $0x40, $0x38;
	[tilespmem:$0x1EF88] =	vst v63  }
0x2df: {  	s5 =	simm.s32 $0x0  }
0x2e0: {  	s4 =	simm.s32 $0xA119;
	s5 =	simm.s32 @!p1 $0x100  }
.LBB3_55:
0x2e1: {  	v0 =	vld.msk [tilespmem:s4+$0x0], $0x1;
	s0 =	sadd.s32 $0xFFFFFFFF, s0;
	s2 =	sadd.s32 s2, s5  }
0x2e2: {  	p1 =	sne.s32 s0, $0x0;
	_ =	sdelay $0x3  }
0x2e3: {  	(v2sf) =	vpush v0, $0x0;
	_ =	sdelay $0xe  }
.Ltmp48:
0x2e4: {  	s6 =	spop (v2sf);
	(pc) =	sbr.rel @p1 .LBB3_55-.Ltmp48, $4  }
0x2e5: {  	s5 =	simm.s32 $0x0;
	p2 =	sgt.u32 s6, $0xC3FF8  }
0x2e6: {  	s3 =	sadd.s32 $0x40, s3;
	s5 =	simm.s32 @!p2 $0x100;
	s7 =	sand.u32 @!p2 $0xFFFF8, s6  }
0x2e7: {  	s4 =	sadd.s32 $0x1, s4;
	s6 =	sand.u32 @!p2 $0x7, s6;
	s7 =	sadd.s32 @!p2 s1, s7  }
0x2e8: {  	[hbm4b:s7+s6] =	stream.linear.scatter @!p2 [tilespmem:s3], [sflag:$0x7], $0x40, $0x38;
	[tilespmem:$0x1EF88] =	vst v63  }
.LBB3_56:
0x2e9: {  	s0 =	sadd.s32 s2, s5  }
0x2ea: {  	s2 =	sshrl.u32 s0, $0x2  }
.LBB3_57:
0x2eb: {  	s0 =	simm.s32 $0x7  }
0x2ec: {  	_ =	swait.ge [sflag:s0], s2  }
0x2ed: {  	s1 =	ssub.s32 $0x0, s2;
	[sflag:s0] =	ssyncset.done $0x0  }
0x2ee: {  	[sflag:s0] =	ssyncadd.s32 s1  }
0x2ef: {  	[sflag:s0] =	ssyncpa.u1 $0x1  }
.LBB3_58:
0x2f0: {  	_ =	sfence;
	s0 =	simm.s32 $0x1  }
0x2f1: {  	[sflag:s0] =	ssyncpa.u1 $0x1  }
0x2f2: {  	_ =	strace $0x9000004A  }
0x2f3: {  	[bflag:$0x2] =	sbarrier.arrive $0xFFFF  }
0x2f4: {  	s0 =	rddreg [dreg:$0x3]  }
0x2f5: {  	s0 =	sadd.s32 @!p0 $0x100000, s0  }
0x2f6: {  	[sflag:s0] =	ssyncadd.tile.s32 @!p0 $0x1;
	_ =	shalt  }
.Lfunc_end3:
_tile_overlayer_lowered:
.L_overlay_start_3:
0x2f7: {  	(tag) =	ssettag $0x3  }
0x2f8: {  	s0 =	rddreg [dreg:$0x0];
	s2 =	stileid.u32  }
0x2f9: {  	s1 =	rddreg [dreg:$0x1];
	p0 =	sne.s32 s2, $0x0  }
0x2fa: {  	s3 =	rddreg [dreg:$0x2];
	[bflag:$0x3] =	sbarrier.arrive $0xFFFF;
	s2 =	simm.s32 @!p0 $0x1C01  }
0x2fb: {  	[timem:s3], [sflag:s2] =	dma.local @!p0 [hbm:s0], s1  }
0x2fc: {  	s0 =	simm.s32 @!p0 $0x1  }
0x2fd: {  	_ =	swait.ge @!p0 [sflag:s0], s1  }
0x2fe: {  	s1 =	ssub.s32 @!p0 $0x0, s1;
	[sflag:s0] =	ssyncset.done @!p0 $0x0  }
0x2ff: {  	[sflag:s0] =	ssyncadd.s32 @!p0 s1  }
0x300: {  	[bflag:$0x3] =	sbarrier.arrive $0xFFFF  }
0x301: {  	_ =	shalt  }

</sc_bundles>
